<compile_context>
chip_gen: v7x
topology: tpu7x:2x2x1
jax: 0.10.2.dev20260603
libtpu: 0.0.44.dev20260713+nightly
codegen_flags: <defaults>
</compile_context>

<pallas_src>
import functools

import jax
import jax.numpy as jnp
from jax import lax
from jax.experimental import pallas as pl
from jax.experimental.pallas import tpu as pltpu
from jax.experimental.pallas import tpu_sc as plsc

NU = 4096
NI = 16384
B = 4096

RT = 512
CT = 512


def _k1_body(x_ref, eye_ref, xt_ref, sum_ref, cnt_ref):
    j = pl.program_id(0)
    xt = jax.lax.dot_general(
        eye_ref[...], x_ref[...].astype(jnp.bfloat16),
        (((1,), (1,)), ((), ())),
        preferred_element_type=jnp.float32,
    )
    bits = jax.lax.bitcast_convert_type(xt, jnp.int32)
    h = NU // 2
    xt_ref[...] = jnp.bitwise_or(
        bits[:, :h],
        jnp.bitwise_and(jnp.right_shift(bits[:, h:], 16), 0xFFFF))
    mask = xt != 0.0
    psum = jnp.sum(jnp.where(mask, xt, 0.0), axis=0)
    pcnt = jnp.sum(mask.astype(jnp.float32), axis=0)

    @pl.when(j == 0)
    def _init():
        sum_ref[...] = psum
        cnt_ref[...] = pcnt

    @pl.when(j > 0)
    def _acc():
        sum_ref[...] += psum
        cnt_ref[...] += pcnt


def _transpose_and_rowstats(rating):
    return pl.pallas_call(
        _k1_body,
        grid=(NI // CT,),
        in_specs=[
            pl.BlockSpec((NU, CT), lambda j: (0, j)),
            pl.BlockSpec((CT, CT), lambda j: (0, 0)),
        ],
        out_specs=[
            pl.BlockSpec((CT, NU // 2), lambda j: (j, 0)),
            pl.BlockSpec((NU,), lambda j: (0,)),
            pl.BlockSpec((NU,), lambda j: (0,)),
        ],
        out_shape=[
            jax.ShapeDtypeStruct((NI, NU // 2), jnp.int32),
            jax.ShapeDtypeStruct((NU,), jnp.float32),
            jax.ShapeDtypeStruct((NU,), jnp.float32),
        ],
    )(rating, jnp.eye(CT, dtype=jnp.bfloat16))


_NC = 2
_NS = 16
_NW = _NC * _NS
_BPW = B // _NW
_CH = 8
_NCH = _BPW // _CH


def _gather_rows_pipelined(table, idx_v, out_hbm, base, buf0, buf1,
                           gsems, wsems):
    bufs = (buf0, buf1)
    ghandles = [None] * _NCH
    whandles = [None] * _NCH
    ghandles[0] = pltpu.async_copy(
        table.at[idx_v.at[pl.ds(0, _CH)]], bufs[0], gsems[0])
    for c in range(_NCH):
        if c + 1 < _NCH:
            if c >= 1:
                whandles[c - 1].wait()
            ghandles[c + 1] = pltpu.async_copy(
                table.at[idx_v.at[pl.ds((c + 1) * _CH, _CH)]],
                bufs[(c + 1) % 2], gsems[(c + 1) % 2])
        ghandles[c].wait()
        whandles[c] = pltpu.async_copy(
            bufs[c % 2], out_hbm.at[pl.ds(base + c * _CH, _CH)],
            wsems[c % 2])
    whandles[_NCH - 2].wait()
    whandles[_NCH - 1].wait()


def _k2a_body(sim_hbm, user_hbm, item_hbm, ub_hbm, ib_hbm,
              simg_hbm, ubg_hbm, ibg_hbm,
              uidx_v, iidx_v, sidx_v, rows0_v, rows1_v, brow_v,
              gsem0, gsem1, wsem0, wsem1):
    wid = lax.axis_index("s") * _NC + lax.axis_index("c")
    base = wid * _BPW

    pltpu.sync_copy(user_hbm.at[pl.ds(base, _BPW)], uidx_v)
    pltpu.sync_copy(item_hbm.at[pl.ds(base, _BPW)], iidx_v)

    def _gather_bias_rows(idx_v, table, out_hbm):
        for k in range(_BPW // 16):
            sidx_v[pl.ds(k * 16, 16)] = jnp.right_shift(
                idx_v[pl.ds(k * 16, 16)], 7)
        pltpu.async_copy(table.at[sidx_v], brow_v, gsem0).wait()
        pltpu.sync_copy(brow_v, out_hbm.at[pl.ds(base, _BPW)])

    _gather_bias_rows(uidx_v, ub_hbm, ubg_hbm)
    _gather_bias_rows(iidx_v, ib_hbm, ibg_hbm)

    _gather_rows_pipelined(sim_hbm, uidx_v, simg_hbm, base,
                           rows0_v, rows1_v, (gsem0, gsem1), (wsem0, wsem1))


def _k2b_body(rt_hbm, item_hbm, colg_hbm,
              iidx_v, rows0_v, rows1_v, gsem0, gsem1, wsem0, wsem1):
    wid = lax.axis_index("s") * _NC + lax.axis_index("c")
    base = wid * _BPW
    pltpu.sync_copy(item_hbm.at[pl.ds(base, _BPW)], iidx_v)
    _gather_rows_pipelined(rt_hbm, iidx_v, colg_hbm, base,
                           rows0_v, rows1_v, (gsem0, gsem1), (wsem0, wsem1))


def _sc_gather_sim(sim, user, item, ub, ib):
    fn = pl.kernel(
        _k2a_body,
        mesh=plsc.VectorSubcoreMesh(core_axis_name="c", subcore_axis_name="s"),
        out_type=[
            jax.ShapeDtypeStruct((B, NU), jnp.float32),
            jax.ShapeDtypeStruct((B, 128), jnp.float32),
            jax.ShapeDtypeStruct((B, 128), jnp.float32),
        ],
        scratch_types=[
            pltpu.VMEM((_BPW,), jnp.int32),
            pltpu.VMEM((_BPW,), jnp.int32),
            pltpu.VMEM((_BPW,), jnp.int32),
            pltpu.VMEM((_CH, NU), jnp.float32),
            pltpu.VMEM((_CH, NU), jnp.float32),
            pltpu.VMEM((_BPW, 128), jnp.float32),
            pltpu.SemaphoreType.DMA,
            pltpu.SemaphoreType.DMA,
            pltpu.SemaphoreType.DMA,
            pltpu.SemaphoreType.DMA,
        ],
    )
    return fn(sim, user, item,
              ub.reshape(NU // 128, 128), ib.reshape(NI // 128, 128))


def _sc_gather_cols(rating_t, item):
    fn = pl.kernel(
        _k2b_body,
        mesh=plsc.VectorSubcoreMesh(core_axis_name="c", subcore_axis_name="s"),
        out_type=jax.ShapeDtypeStruct((B, NU // 2), jnp.int32),
        scratch_types=[
            pltpu.VMEM((_BPW,), jnp.int32),
            pltpu.VMEM((_CH, NU // 2), jnp.int32),
            pltpu.VMEM((_CH, NU // 2), jnp.int32),
            pltpu.SemaphoreType.DMA,
            pltpu.SemaphoreType.DMA,
            pltpu.SemaphoreType.DMA,
            pltpu.SemaphoreType.DMA,
        ],
    )
    return fn(rating_t, item)


BT = 256


def _lane_pick(rows, idx):
    lane = jnp.bitwise_and(idx, 127)
    sel = lax.broadcasted_iota(jnp.int32, rows.shape, 1) == lane[:, None]
    return jnp.sum(jnp.where(sel, rows, 0.0), axis=1)


def _k3_body(simg_ref, colg_ref, sum_ref, cnt_ref, ubg_ref, ibg_ref,
             user_ref, item_ref, gb_ref, out_ref):
    s = sum_ref[...]
    c = cnt_ref[...]
    bias_fixed = jnp.where(c > 0.0, s / jnp.maximum(c, 1.0), 0.0)
    h = NU // 2
    packed = colg_ref[...]
    col_lo = jax.lax.bitcast_convert_type(
        jnp.bitwise_and(packed, jnp.int32(-65536)), jnp.float32)
    col_hi = jax.lax.bitcast_convert_type(
        jnp.left_shift(packed, 16), jnp.float32)
    simg = simg_ref[...]
    prod = (simg[:, :h] * (col_lo - bias_fixed[None, :h])
            + simg[:, h:] * (col_hi - bias_fixed[None, h:]))
    acc = jnp.sum(prod, axis=1)
    ubv = _lane_pick(ubg_ref[...], user_ref[...])
    ibv = _lane_pick(ibg_ref[...], item_ref[...])
    score = acc + ubv + ibv + gb_ref[0]
    out_ref[...] = jax.nn.sigmoid(score) * 5.0


def _combine(simg, colg, sums, cnts, ubg, ibg, user, item, gb):
    return pl.pallas_call(
        _k3_body,
        grid=(B // BT,),
        in_specs=[
            pl.BlockSpec((BT, NU), lambda i: (i, 0)),
            pl.BlockSpec((BT, NU // 2), lambda i: (i, 0)),
            pl.BlockSpec((NU,), lambda i: (0,)),
            pl.BlockSpec((NU,), lambda i: (0,)),
            pl.BlockSpec((BT, 128), lambda i: (i, 0)),
            pl.BlockSpec((BT, 128), lambda i: (i, 0)),
            pl.BlockSpec((BT,), lambda i: (i,)),
            pl.BlockSpec((BT,), lambda i: (i,)),
            pl.BlockSpec(memory_space=pltpu.SMEM),
        ],
        out_specs=pl.BlockSpec((BT,), lambda i: (i,)),
        out_shape=jax.ShapeDtypeStruct((B,), jnp.float32),
    )(simg, colg, sums, cnts, ubg, ibg, user, item, gb)


def kernel(user, item, rating_mtx, user_similarity, user_bias, item_bias, global_bias):
    user = user.astype(jnp.int32)
    item = item.astype(jnp.int32)
    simg, ubg, ibg = _sc_gather_sim(
        user_similarity, user, item, user_bias, item_bias)
    rating_t, sums, cnts = _transpose_and_rowstats(rating_mtx)
    colg = _sc_gather_cols(rating_t, item)
    gb = jnp.reshape(global_bias, (1,)).astype(jnp.float32)
    return _combine(simg, colg, sums, cnts, ubg, ibg, user, item, gb)

# --- scband reference (transcript-rebuilt; emitter-appended) ---
"""Pipeline reference for scband-cf-42116449305198 (READ-ONLY COPY).

The authoritative reference and input builder live on the scoring server;
editing this copy changes nothing except your own understanding.
"""

import jax, jax.numpy as jnp
import numpy as np

N_USERS = 4096
N_ITEMS = 16384
BATCH = 4096


def setup_inputs(seed: int = 0) -> dict:
    key = jax.random.key(seed)
    k1, k2, k3, k4 = jax.random.split(key, 4)
    user = jax.random.randint(k1, (BATCH,), 0, N_USERS)
    item = jax.random.randint(k2, (BATCH,), 0, N_ITEMS)
    rating_mtx = jax.random.uniform(k3, (N_USERS, N_ITEMS), dtype=jnp.float32)
    # xavier_normal for square [n_users, n_users]: std = sqrt(2 / (fan_in + fan_out))
    std = float(np.sqrt(2.0 / (N_USERS + N_USERS)))
    user_similarity = jax.random.normal(k4, (N_USERS, N_USERS), dtype=jnp.float32) * std
    mask = rating_mtx > 0
    global_mean = jnp.sum(jnp.where(mask, rating_mtx, 0.0)) / jnp.maximum(jnp.sum(mask), 1).astype(jnp.float32)
    user_bias = global_mean * jnp.ones((N_USERS,), dtype=jnp.float32)
    item_bias = global_mean * jnp.ones((N_ITEMS,), dtype=jnp.float32)
    global_bias = global_mean
    return {"user": user, "item": item, "rating_mtx": rating_mtx,
            "user_similarity": user_similarity, "user_bias": user_bias,
            "item_bias": item_bias, "global_bias": global_bias}


def reference(user, item, rating_mtx, user_similarity, user_bias, item_bias, global_bias):
    # compute_user_bias: per-user mean over nonzero (rated) entries
    mask = rating_mtx != 0
    cnt = jnp.sum(mask, axis=1)
    s = jnp.sum(jnp.where(mask, rating_mtx, 0.0), axis=1)
    user_bias_fixed = jnp.where(cnt > 0, s / jnp.maximum(cnt, 1).astype(rating_mtx.dtype), 0.0)
    adjusted_ratings = rating_mtx - user_bias_fixed[:, None]
    similarities = jnp.take(user_similarity, user, axis=0)          # [B, n_users] gather
    item_ratings = jnp.take(adjusted_ratings, item, axis=1)          # [n_users, B] gather
    user_scores = jnp.sum(similarities * item_ratings.T, axis=1)     # [B]
    bias = jnp.take(user_bias, user) + jnp.take(item_bias, item) + global_bias
    pred_ratings = user_scores + bias
    return jax.nn.sigmoid(pred_ratings) * 5.0

if __name__ == "__main__":
    import jax
    _d = setup_inputs()
    print(jax.jit(kernel)(*tuple(_d.values())))

</pallas_src>

<mosaic_0001>
#map = affine_map<(d0, d1) -> (0, 0)>
#map1 = affine_map<(d0, d1) -> (0)>
module attributes {stable_mosaic.version = 14 : i64} {
  func.func @_k2b_body(%arg0: i32, %arg1: i32, %arg2: memref<16384x2048xi32, #tpu.memory_space<hbm>>, %arg3: memref<4096xi32, #tpu.memory_space<hbm>>, %arg4: memref<4096x2048xi32, #tpu.memory_space<hbm>>, %arg5: memref<128xi32, #tpu.memory_space<vmem>>, %arg6: memref<8x2048xi32, #tpu.memory_space<vmem>>, %arg7: memref<8x2048xi32, #tpu.memory_space<vmem>>, %arg8: memref<!tpu.dma_semaphore, #tpu.memory_space<semaphore_mem>>, %arg9: memref<!tpu.dma_semaphore, #tpu.memory_space<semaphore_mem>>, %arg10: memref<!tpu.dma_semaphore, #tpu.memory_space<semaphore_mem>>, %arg11: memref<!tpu.dma_semaphore, #tpu.memory_space<semaphore_mem>>) attributes {dimension_semantics = [#tpu.dimension_semantics<core_parallel>, #tpu.dimension_semantics<subcore_parallel>], iteration_bounds = array<i64: 2, 16>, scalar_prefetch = 0 : i64, scratch_operands = 7 : i64, tpu.core_type = #tpu.core_type<sc_vector_subcore>, window_params = [{transform_indices = #map}, {transform_indices = #map1}, {transform_indices = #map}]} {
    %mul3A = arith.constant 2 : i32
    %mul3A_0 = arith.muli %arg1, %mul3A : i32
    %add3A = arith.addi %mul3A_0, %arg0 : i32
    %mul3A_1 = arith.constant 128 : i32
    %mul3A_2 = arith.muli %add3A, %mul3A_1 : i32
    "tpu.region"() ({
      %run_scoped3A = tpu.sem_alloc : memref<!tpu.dma_semaphore, #tpu.memory_space<semaphore_mem>>
      %dma_start3A_321 = tpu.memref_slice %arg3[%mul3A_2] : memref<4096xi32, #tpu.memory_space<hbm>> -> memref<128xi32, #tpu.memory_space<hbm>>
      %dma_start3A_322 = tpu.memref_slice %arg3[%mul3A_2] : memref<4096xi32, #tpu.memory_space<hbm>> -> memref<128xi32, #tpu.memory_space<hbm>>
      tpu.enqueue_dma source(%dma_start3A_322 : memref<128xi32, #tpu.memory_space<hbm>>) target(%arg5 : memref<128xi32, #tpu.memory_space<vmem>>) target_semaphore(%run_scoped3A : memref<!tpu.dma_semaphore, #tpu.memory_space<semaphore_mem>>)
      %dma_wait3A_323 = tpu.memref_slice %arg3[%mul3A_2] : memref<4096xi32, #tpu.memory_space<hbm>> -> memref<128xi32, #tpu.memory_space<hbm>>
      %dma_wait3A_324 = tpu.memref_slice %arg3[%mul3A_2] : memref<4096xi32, #tpu.memory_space<hbm>> -> memref<128xi32, #tpu.memory_space<hbm>>
      tpu.wait_dma2 semaphore(%run_scoped3A : memref<!tpu.dma_semaphore, #tpu.memory_space<semaphore_mem>>) src(%dma_wait3A_324 : memref<128xi32, #tpu.memory_space<hbm>>) dst(%arg5 : memref<128xi32, #tpu.memory_space<vmem>>)
      tpu.yield
    }) : () -> ()
    %dma_start3A = arith.constant 0 : i32
    %dma_start3A_3 = tpu.memref_slice %arg5[%dma_start3A] : memref<128xi32, #tpu.memory_space<vmem>> -> memref<8xi32, #tpu.memory_space<vmem>>
    %dma_start3A_4 = arith.constant 0 : i32
    %dma_start3A_5 = arith.constant 0 : i32
    %dma_start3A_6 = tpu.memref_slice %arg2[%dma_start3A_4, %dma_start3A_5] : memref<16384x2048xi32, #tpu.memory_space<hbm>> -> memref<16384x2048xi32, #tpu.memory_space<hbm>>
    tpu.enqueue_indirect_dma source(%dma_start3A_6 : memref<16384x2048xi32, #tpu.memory_space<hbm>>) target(%arg6 : memref<8x2048xi32, #tpu.memory_space<vmem>>) offsets(%dma_start3A_3 : memref<8xi32, #tpu.memory_space<vmem>>) semaphore(%arg8 : memref<!tpu.dma_semaphore, #tpu.memory_space<semaphore_mem>>)
    %dma_start3A_7 = arith.constant 8 : i32
    %dma_start3A_8 = tpu.memref_slice %arg5[%dma_start3A_7] : memref<128xi32, #tpu.memory_space<vmem>> -> memref<8xi32, #tpu.memory_space<vmem>>
    %dma_start3A_9 = arith.constant 0 : i32
    %dma_start3A_10 = arith.constant 0 : i32
    %dma_start3A_11 = tpu.memref_slice %arg2[%dma_start3A_9, %dma_start3A_10] : memref<16384x2048xi32, #tpu.memory_space<hbm>> -> memref<16384x2048xi32, #tpu.memory_space<hbm>>
    tpu.enqueue_indirect_dma source(%dma_start3A_11 : memref<16384x2048xi32, #tpu.memory_space<hbm>>) target(%arg7 : memref<8x2048xi32, #tpu.memory_space<vmem>>) offsets(%dma_start3A_8 : memref<8xi32, #tpu.memory_space<vmem>>) semaphore(%arg9 : memref<!tpu.dma_semaphore, #tpu.memory_space<semaphore_mem>>)
    %dma_wait3A = arith.constant 0 : i32
    %dma_wait3A_12 = tpu.memref_slice %arg5[%dma_wait3A] : memref<128xi32, #tpu.memory_space<vmem>> -> memref<8xi32, #tpu.memory_space<vmem>>
    %dma_wait3A_13 = arith.constant 0 : i32
    %dma_wait3A_14 = arith.constant 0 : i32
    %dma_wait3A_15 = tpu.memref_slice %arg2[%dma_wait3A_13, %dma_wait3A_14] : memref<16384x2048xi32, #tpu.memory_space<hbm>> -> memref<16384x2048xi32, #tpu.memory_space<hbm>>
    tpu.wait_indirect_dma semaphore(%arg8 : memref<!tpu.dma_semaphore, #tpu.memory_space<semaphore_mem>>) src(%dma_wait3A_15 : memref<16384x2048xi32, #tpu.memory_space<hbm>>) dst(%arg6 : memref<8x2048xi32, #tpu.memory_space<vmem>>)
    %add3A_16 = arith.constant 0 : i32
    %add3A_17 = arith.addi %mul3A_2, %add3A_16 : i32
    %dma_start3A_18 = arith.constant 0 : i32
    %dma_start3A_19 = tpu.memref_slice %arg4[%add3A_17, %dma_start3A_18] : memref<4096x2048xi32, #tpu.memory_space<hbm>> -> memref<8x2048xi32, #tpu.memory_space<hbm>>
    %dma_start3A_20 = arith.constant 0 : i32
    %dma_start3A_21 = tpu.memref_slice %arg4[%add3A_17, %dma_start3A_20] : memref<4096x2048xi32, #tpu.memory_space<hbm>> -> memref<8x2048xi32, #tpu.memory_space<hbm>>
    tpu.enqueue_dma source(%arg6 : memref<8x2048xi32, #tpu.memory_space<vmem>>) target(%dma_start3A_21 : memref<8x2048xi32, #tpu.memory_space<hbm>>) target_semaphore(%arg10 : memref<!tpu.dma_semaphore, #tpu.memory_space<semaphore_mem>>)
    %dma_wait3A_22 = arith.constant 0 : i32
    %dma_wait3A_23 = tpu.memref_slice %arg4[%add3A_17, %dma_wait3A_22] : memref<4096x2048xi32, #tpu.memory_space<hbm>> -> memref<8x2048xi32, #tpu.memory_space<hbm>>
    %dma_wait3A_24 = arith.constant 0 : i32
    %dma_wait3A_25 = tpu.memref_slice %arg4[%add3A_17, %dma_wait3A_24] : memref<4096x2048xi32, #tpu.memory_space<hbm>> -> memref<8x2048xi32, #tpu.memory_space<hbm>>
    tpu.wait_dma2 semaphore(%arg10 : memref<!tpu.dma_semaphore, #tpu.memory_space<semaphore_mem>>) src(%arg6 : memref<8x2048xi32, #tpu.memory_space<vmem>>) dst(%dma_wait3A_25 : memref<8x2048xi32, #tpu.memory_space<hbm>>)
    %dma_start3A_26 = arith.constant 16 : i32
    %dma_start3A_27 = tpu.memref_slice %arg5[%dma_start3A_26] : memref<128xi32, #tpu.memory_space<vmem>> -> memref<8xi32, #tpu.memory_space<vmem>>
    %dma_start3A_28 = arith.constant 0 : i32
    %dma_start3A_29 = arith.constant 0 : i32
    %dma_start3A_30 = tpu.memref_slice %arg2[%dma_start3A_28, %dma_start3A_29] : memref<16384x2048xi32, #tpu.memory_space<hbm>> -> memref<16384x2048xi32, #tpu.memory_space<hbm>>
    tpu.enqueue_indirect_dma source(%dma_start3A_30 : memref<16384x2048xi32, #tpu.memory_space<hbm>>) target(%arg6 : memref<8x2048xi32, #tpu.memory_space<vmem>>) offsets(%dma_start3A_27 : memref<8xi32, #tpu.memory_space<vmem>>) semaphore(%arg8 : memref<!tpu.dma_semaphore, #tpu.memory_space<semaphore_mem>>)
    %dma_wait3A_31 = arith.constant 8 : i32
    %dma_wait3A_32 = tpu.memref_slice %arg5[%dma_wait3A_31] : memref<128xi32, #tpu.memory_space<vmem>> -> memref<8xi32, #tpu.memory_space<vmem>>
    %dma_wait3A_33 = arith.constant 0 : i32
    %dma_wait3A_34 = arith.constant 0 : i32
    %dma_wait3A_35 = tpu.memref_slice %arg2[%dma_wait3A_33, %dma_wait3A_34] : memref<16384x2048xi32, #tpu.memory_space<hbm>> -> memref<16384x2048xi32, #tpu.memory_space<hbm>>
    tpu.wait_indirect_dma semaphore(%arg9 : memref<!tpu.dma_semaphore, #tpu.memory_space<semaphore_mem>>) src(%dma_wait3A_35 : memref<16384x2048xi32, #tpu.memory_space<hbm>>) dst(%arg7 : memref<8x2048xi32, #tpu.memory_space<vmem>>)
    %add3A_36 = arith.constant 8 : i32
    %add3A_37 = arith.addi %mul3A_2, %add3A_36 : i32
    %dma_start3A_38 = arith.constant 0 : i32
    %dma_start3A_39 = tpu.memref_slice %arg4[%add3A_37, %dma_start3A_38] : memref<4096x2048xi32, #tpu.memory_space<hbm>> -> memref<8x2048xi32, #tpu.memory_space<hbm>>
    %dma_start3A_40 = arith.constant 0 : i32
    %dma_start3A_41 = tpu.memref_slice %arg4[%add3A_37, %dma_start3A_40] : memref<4096x2048xi32, #tpu.memory_space<hbm>> -> memref<8x2048xi32, #tpu.memory_space<hbm>>
    tpu.enqueue_dma source(%arg7 : memref<8x2048xi32, #tpu.memory_space<vmem>>) target(%dma_start3A_41 : memref<8x2048xi32, #tpu.memory_space<hbm>>) target_semaphore(%arg11 : memref<!tpu.dma_semaphore, #tpu.memory_space<semaphore_mem>>)
    %dma_wait3A_42 = arith.constant 0 : i32
    %dma_wait3A_43 = tpu.memref_slice %arg4[%add3A_37, %dma_wait3A_42] : memref<4096x2048xi32, #tpu.memory_space<hbm>> -> memref<8x2048xi32, #tpu.memory_space<hbm>>
    %dma_wait3A_44 = arith.constant 0 : i32
    %dma_wait3A_45 = tpu.memref_slice %arg4[%add3A_37, %dma_wait3A_44] : memref<4096x2048xi32, #tpu.memory_space<hbm>> -> memref<8x2048xi32, #tpu.memory_space<hbm>>
    tpu.wait_dma2 semaphore(%arg11 : memref<!tpu.dma_semaphore, #tpu.memory_space<semaphore_mem>>) src(%arg7 : memref<8x2048xi32, #tpu.memory_space<vmem>>) dst(%dma_wait3A_45 : memref<8x2048xi32, #tpu.memory_space<hbm>>)
    %dma_start3A_46 = arith.constant 24 : i32
    %dma_start3A_47 = tpu.memref_slice %arg5[%dma_start3A_46] : memref<128xi32, #tpu.memory_space<vmem>> -> memref<8xi32, #tpu.memory_space<vmem>>
    %dma_start3A_48 = arith.constant 0 : i32
    %dma_start3A_49 = arith.constant 0 : i32
    %dma_start3A_50 = tpu.memref_slice %arg2[%dma_start3A_48, %dma_start3A_49] : memref<16384x2048xi32, #tpu.memory_space<hbm>> -> memref<16384x2048xi32, #tpu.memory_space<hbm>>
    tpu.enqueue_indirect_dma source(%dma_start3A_50 : memref<16384x2048xi32, #tpu.memory_space<hbm>>) target(%arg7 : memref<8x2048xi32, #tpu.memory_space<vmem>>) offsets(%dma_start3A_47 : memref<8xi32, #tpu.memory_space<vmem>>) semaphore(%arg9 : memref<!tpu.dma_semaphore, #tpu.memory_space<semaphore_mem>>)
    %dma_wait3A_51 = arith.constant 16 : i32
    %dma_wait3A_52 = tpu.memref_slice %arg5[%dma_wait3A_51] : memref<128xi32, #tpu.memory_space<vmem>> -> memref<8xi32, #tpu.memory_space<vmem>>
    %dma_wait3A_53 = arith.constant 0 : i32
    %dma_wait3A_54 = arith.constant 0 : i32
    %dma_wait3A_55 = tpu.memref_slice %arg2[%dma_wait3A_53, %dma_wait3A_54] : memref<16384x2048xi32, #tpu.memory_space<hbm>> -> memref<16384x2048xi32, #tpu.memory_space<hbm>>
    tpu.wait_indirect_dma semaphore(%arg8 : memref<!tpu.dma_semaphore, #tpu.memory_space<semaphore_mem>>) src(%dma_wait3A_55 : memref<16384x2048xi32, #tpu.memory_space<hbm>>) dst(%arg6 : memref<8x2048xi32, #tpu.memory_space<vmem>>)
    %add3A_56 = arith.constant 16 : i32
    %add3A_57 = arith.addi %mul3A_2, %add3A_56 : i32
    %dma_start3A_58 = arith.constant 0 : i32
    %dma_start3A_59 = tpu.memref_slice %arg4[%add3A_57, %dma_start3A_58] : memref<4096x2048xi32, #tpu.memory_space<hbm>> -> memref<8x2048xi32, #tpu.memory_space<hbm>>
    %dma_start3A_60 = arith.constant 0 : i32
    %dma_start3A_61 = tpu.memref_slice %arg4[%add3A_57, %dma_start3A_60] : memref<4096x2048xi32, #tpu.memory_space<hbm>> -> memref<8x2048xi32, #tpu.memory_space<hbm>>
    tpu.enqueue_dma source(%arg6 : memref<8x2048xi32, #tpu.memory_space<vmem>>) target(%dma_start3A_61 : memref<8x2048xi32, #tpu.memory_space<hbm>>) target_semaphore(%arg10 : memref<!tpu.dma_semaphore, #tpu.memory_space<semaphore_mem>>)
    %dma_wait3A_62 = arith.constant 0 : i32
    %dma_wait3A_63 = tpu.memref_slice %arg4[%add3A_57, %dma_wait3A_62] : memref<4096x2048xi32, #tpu.memory_space<hbm>> -> memref<8x2048xi32, #tpu.memory_space<hbm>>
    %dma_wait3A_64 = arith.constant 0 : i32
    %dma_wait3A_65 = tpu.memref_slice %arg4[%add3A_57, %dma_wait3A_64] : memref<4096x2048xi32, #tpu.memory_space<hbm>> -> memref<8x2048xi32, #tpu.memory_space<hbm>>
    tpu.wait_dma2 semaphore(%arg10 : memref<!tpu.dma_semaphore, #tpu.memory_space<semaphore_mem>>) src(%arg6 : memref<8x2048xi32, #tpu.memory_space<vmem>>) dst(%dma_wait3A_65 : memref<8x2048xi32, #tpu.memory_space<hbm>>)
    %dma_start3A_66 = arith.constant 32 : i32
    %dma_start3A_67 = tpu.memref_slice %arg5[%dma_start3A_66] : memref<128xi32, #tpu.memory_space<vmem>> -> memref<8xi32, #tpu.memory_space<vmem>>
    %dma_start3A_68 = arith.constant 0 : i32
    %dma_start3A_69 = arith.constant 0 : i32
    %dma_start3A_70 = tpu.memref_slice %arg2[%dma_start3A_68, %dma_start3A_69] : memref<16384x2048xi32, #tpu.memory_space<hbm>> -> memref<16384x2048xi32, #tpu.memory_space<hbm>>
    tpu.enqueue_indirect_dma source(%dma_start3A_70 : memref<16384x2048xi32, #tpu.memory_space<hbm>>) target(%arg6 : memref<8x2048xi32, #tpu.memory_space<vmem>>) offsets(%dma_start3A_67 : memref<8xi32, #tpu.memory_space<vmem>>) semaphore(%arg8 : memref<!tpu.dma_semaphore, #tpu.memory_space<semaphore_mem>>)
    %dma_wait3A_71 = arith.constant 24 : i32
    %dma_wait3A_72 = tpu.memref_slice %arg5[%dma_wait3A_71] : memref<128xi32, #tpu.memory_space<vmem>> -> memref<8xi32, #tpu.memory_space<vmem>>
    %dma_wait3A_73 = arith.constant 0 : i32
    %dma_wait3A_74 = arith.constant 0 : i32
    %dma_wait3A_75 = tpu.memref_slice %arg2[%dma_wait3A_73, %dma_wait3A_74] : memref<16384x2048xi32, #tpu.memory_space<hbm>> -> memref<16384x2048xi32, #tpu.memory_space<hbm>>
    tpu.wait_indirect_dma semaphore(%arg9 : memref<!tpu.dma_semaphore, #tpu.memory_space<semaphore_mem>>) src(%dma_wait3A_75 : memref<16384x2048xi32, #tpu.memory_space<hbm>>) dst(%arg7 : memref<8x2048xi32, #tpu.memory_space<vmem>>)
    %add3A_76 = arith.constant 24 : i32
    %add3A_77 = arith.addi %mul3A_2, %add3A_76 : i32
    %dma_start3A_78 = arith.constant 0 : i32
    %dma_start3A_79 = tpu.memref_slice %arg4[%add3A_77, %dma_start3A_78] : memref<4096x2048xi32, #tpu.memory_space<hbm>> -> memref<8x2048xi32, #tpu.memory_space<hbm>>
    %dma_start3A_80 = arith.constant 0 : i32
    %dma_start3A_81 = tpu.memref_slice %arg4[%add3A_77, %dma_start3A_80] : memref<4096x2048xi32, #tpu.memory_space<hbm>> -> memref<8x2048xi32, #tpu.memory_space<hbm>>
    tpu.enqueue_dma source(%arg7 : memref<8x2048xi32, #tpu.memory_space<vmem>>) target(%dma_start3A_81 : memref<8x2048xi32, #tpu.memory_space<hbm>>) target_semaphore(%arg11 : memref<!tpu.dma_semaphore, #tpu.memory_space<semaphore_mem>>)
    %dma_wait3A_82 = arith.constant 0 : i32
    %dma_wait3A_83 = tpu.memref_slice %arg4[%add3A_77, %dma_wait3A_82] : memref<4096x2048xi32, #tpu.memory_space<hbm>> -> memref<8x2048xi32, #tpu.memory_space<hbm>>
    %dma_wait3A_84 = arith.constant 0 : i32
    %dma_wait3A_85 = tpu.memref_slice %arg4[%add3A_77, %dma_wait3A_84] : memref<4096x2048xi32, #tpu.memory_space<hbm>> -> memref<8x2048xi32, #tpu.memory_space<hbm>>
    tpu.wait_dma2 semaphore(%arg11 : memref<!tpu.dma_semaphore, #tpu.memory_space<semaphore_mem>>) src(%arg7 : memref<8x2048xi32, #tpu.memory_space<vmem>>) dst(%dma_wait3A_85 : memref<8x2048xi32, #tpu.memory_space<hbm>>)
    %dma_start3A_86 = arith.constant 40 : i32
    %dma_start3A_87 = tpu.memref_slice %arg5[%dma_start3A_86] : memref<128xi32, #tpu.memory_space<vmem>> -> memref<8xi32, #tpu.memory_space<vmem>>
    %dma_start3A_88 = arith.constant 0 : i32
    %dma_start3A_89 = arith.constant 0 : i32
    %dma_start3A_90 = tpu.memref_slice %arg2[%dma_start3A_88, %dma_start3A_89] : memref<16384x2048xi32, #tpu.memory_space<hbm>> -> memref<16384x2048xi32, #tpu.memory_space<hbm>>
    tpu.enqueue_indirect_dma source(%dma_start3A_90 : memref<16384x2048xi32, #tpu.memory_space<hbm>>) target(%arg7 : memref<8x2048xi32, #tpu.memory_space<vmem>>) offsets(%dma_start3A_87 : memref<8xi32, #tpu.memory_space<vmem>>) semaphore(%arg9 : memref<!tpu.dma_semaphore, #tpu.memory_space<semaphore_mem>>)
    %dma_wait3A_91 = arith.constant 32 : i32
    %dma_wait3A_92 = tpu.memref_slice %arg5[%dma_wait3A_91] : memref<128xi32, #tpu.memory_space<vmem>> -> memref<8xi32, #tpu.memory_space<vmem>>
    %dma_wait3A_93 = arith.constant 0 : i32
    %dma_wait3A_94 = arith.constant 0 : i32
    %dma_wait3A_95 = tpu.memref_slice %arg2[%dma_wait3A_93, %dma_wait3A_94] : memref<16384x2048xi32, #tpu.memory_space<hbm>> -> memref<16384x2048xi32, #tpu.memory_space<hbm>>
    tpu.wait_indirect_dma semaphore(%arg8 : memref<!tpu.dma_semaphore, #tpu.memory_space<semaphore_mem>>) src(%dma_wait3A_95 : memref<16384x2048xi32, #tpu.memory_space<hbm>>) dst(%arg6 : memref<8x2048xi32, #tpu.memory_space<vmem>>)
    %add3A_96 = arith.constant 32 : i32
    %add3A_97 = arith.addi %mul3A_2, %add3A_96 : i32
    %dma_start3A_98 = arith.constant 0 : i32
    %dma_start3A_99 = tpu.memref_slice %arg4[%add3A_97, %dma_start3A_98] : memref<4096x2048xi32, #tpu.memory_space<hbm>> -> memref<8x2048xi32, #tpu.memory_space<hbm>>
    %dma_start3A_100 = arith.constant 0 : i32
    %dma_start3A_101 = tpu.memref_slice %arg4[%add3A_97, %dma_start3A_100] : memref<4096x2048xi32, #tpu.memory_space<hbm>> -> memref<8x2048xi32, #tpu.memory_space<hbm>>
    tpu.enqueue_dma source(%arg6 : memref<8x2048xi32, #tpu.memory_space<vmem>>) target(%dma_start3A_101 : memref<8x2048xi32, #tpu.memory_space<hbm>>) target_semaphore(%arg10 : memref<!tpu.dma_semaphore, #tpu.memory_space<semaphore_mem>>)
    %dma_wait3A_102 = arith.constant 0 : i32
    %dma_wait3A_103 = tpu.memref_slice %arg4[%add3A_97, %dma_wait3A_102] : memref<4096x2048xi32, #tpu.memory_space<hbm>> -> memref<8x2048xi32, #tpu.memory_space<hbm>>
    %dma_wait3A_104 = arith.constant 0 : i32
    %dma_wait3A_105 = tpu.memref_slice %arg4[%add3A_97, %dma_wait3A_104] : memref<4096x2048xi32, #tpu.memory_space<hbm>> -> memref<8x2048xi32, #tpu.memory_space<hbm>>
    tpu.wait_dma2 semaphore(%arg10 : memref<!tpu.dma_semaphore, #tpu.memory_space<semaphore_mem>>) src(%arg6 : memref<8x2048xi32, #tpu.memory_space<vmem>>) dst(%dma_wait3A_105 : memref<8x2048xi32, #tpu.memory_space<hbm>>)
    %dma_start3A_106 = arith.constant 48 : i32
    %dma_start3A_107 = tpu.memref_slice %arg5[%dma_start3A_106] : memref<128xi32, #tpu.memory_space<vmem>> -> memref<8xi32, #tpu.memory_space<vmem>>
    %dma_start3A_108 = arith.constant 0 : i32
    %dma_start3A_109 = arith.constant 0 : i32
    %dma_start3A_110 = tpu.memref_slice %arg2[%dma_start3A_108, %dma_start3A_109] : memref<16384x2048xi32, #tpu.memory_space<hbm>> -> memref<16384x2048xi32, #tpu.memory_space<hbm>>
    tpu.enqueue_indirect_dma source(%dma_start3A_110 : memref<16384x2048xi32, #tpu.memory_space<hbm>>) target(%arg6 : memref<8x2048xi32, #tpu.memory_space<vmem>>) offsets(%dma_start3A_107 : memref<8xi32, #tpu.memory_space<vmem>>) semaphore(%arg8 : memref<!tpu.dma_semaphore, #tpu.memory_space<semaphore_mem>>)
    %dma_wait3A_111 = arith.constant 40 : i32
    %dma_wait3A_112 = tpu.memref_slice %arg5[%dma_wait3A_111] : memref<128xi32, #tpu.memory_space<vmem>> -> memref<8xi32, #tpu.memory_space<vmem>>
    %dma_wait3A_113 = arith.constant 0 : i32
    %dma_wait3A_114 = arith.constant 0 : i32
    %dma_wait3A_115 = tpu.memref_slice %arg2[%dma_wait3A_113, %dma_wait3A_114] : memref<16384x2048xi32, #tpu.memory_space<hbm>> -> memref<16384x2048xi32, #tpu.memory_space<hbm>>
    tpu.wait_indirect_dma semaphore(%arg9 : memref<!tpu.dma_semaphore, #tpu.memory_space<semaphore_mem>>) src(%dma_wait3A_115 : memref<16384x2048xi32, #tpu.memory_space<hbm>>) dst(%arg7 : memref<8x2048xi32, #tpu.memory_space<vmem>>)
    %add3A_116 = arith.constant 40 : i32
    %add3A_117 = arith.addi %mul3A_2, %add3A_116 : i32
    %dma_start3A_118 = arith.constant 0 : i32
    %dma_start3A_119 = tpu.memref_slice %arg4[%add3A_117, %dma_start3A_118] : memref<4096x2048xi32, #tpu.memory_space<hbm>> -> memref<8x2048xi32, #tpu.memory_space<hbm>>
    %dma_start3A_120 = arith.constant 0 : i32
    %dma_start3A_121 = tpu.memref_slice %arg4[%add3A_117, %dma_start3A_120] : memref<4096x2048xi32, #tpu.memory_space<hbm>> -> memref<8x2048xi32, #tpu.memory_space<hbm>>
    tpu.enqueue_dma source(%arg7 : memref<8x2048xi32, #tpu.memory_space<vmem>>) target(%dma_start3A_121 : memref<8x2048xi32, #tpu.memory_space<hbm>>) target_semaphore(%arg11 : memref<!tpu.dma_semaphore, #tpu.memory_space<semaphore_mem>>)
    %dma_wait3A_122 = arith.constant 0 : i32
    %dma_wait3A_123 = tpu.memref_slice %arg4[%add3A_117, %dma_wait3A_122] : memref<4096x2048xi32, #tpu.memory_space<hbm>> -> memref<8x2048xi32, #tpu.memory_space<hbm>>
    %dma_wait3A_124 = arith.constant 0 : i32
    %dma_wait3A_125 = tpu.memref_slice %arg4[%add3A_117, %dma_wait3A_124] : memref<4096x2048xi32, #tpu.memory_space<hbm>> -> memref<8x2048xi32, #tpu.memory_space<hbm>>
    tpu.wait_dma2 semaphore(%arg11 : memref<!tpu.dma_semaphore, #tpu.memory_space<semaphore_mem>>) src(%arg7 : memref<8x2048xi32, #tpu.memory_space<vmem>>) dst(%dma_wait3A_125 : memref<8x2048xi32, #tpu.memory_space<hbm>>)
    %dma_start3A_126 = arith.constant 56 : i32
    %dma_start3A_127 = tpu.memref_slice %arg5[%dma_start3A_126] : memref<128xi32, #tpu.memory_space<vmem>> -> memref<8xi32, #tpu.memory_space<vmem>>
    %dma_start3A_128 = arith.constant 0 : i32
    %dma_start3A_129 = arith.constant 0 : i32
    %dma_start3A_130 = tpu.memref_slice %arg2[%dma_start3A_128, %dma_start3A_129] : memref<16384x2048xi32, #tpu.memory_space<hbm>> -> memref<16384x2048xi32, #tpu.memory_space<hbm>>
    tpu.enqueue_indirect_dma source(%dma_start3A_130 : memref<16384x2048xi32, #tpu.memory_space<hbm>>) target(%arg7 : memref<8x2048xi32, #tpu.memory_space<vmem>>) offsets(%dma_start3A_127 : memref<8xi32, #tpu.memory_space<vmem>>) semaphore(%arg9 : memref<!tpu.dma_semaphore, #tpu.memory_space<semaphore_mem>>)
    %dma_wait3A_131 = arith.constant 48 : i32
    %dma_wait3A_132 = tpu.memref_slice %arg5[%dma_wait3A_131] : memref<128xi32, #tpu.memory_space<vmem>> -> memref<8xi32, #tpu.memory_space<vmem>>
    %dma_wait3A_133 = arith.constant 0 : i32
    %dma_wait3A_134 = arith.constant 0 : i32
    %dma_wait3A_135 = tpu.memref_slice %arg2[%dma_wait3A_133, %dma_wait3A_134] : memref<16384x2048xi32, #tpu.memory_space<hbm>> -> memref<16384x2048xi32, #tpu.memory_space<hbm>>
    tpu.wait_indirect_dma semaphore(%arg8 : memref<!tpu.dma_semaphore, #tpu.memory_space<semaphore_mem>>) src(%dma_wait3A_135 : memref<16384x2048xi32, #tpu.memory_space<hbm>>) dst(%arg6 : memref<8x2048xi32, #tpu.memory_space<vmem>>)
    %add3A_136 = arith.constant 48 : i32
    %add3A_137 = arith.addi %mul3A_2, %add3A_136 : i32
    %dma_start3A_138 = arith.constant 0 : i32
    %dma_start3A_139 = tpu.memref_slice %arg4[%add3A_137, %dma_start3A_138] : memref<4096x2048xi32, #tpu.memory_space<hbm>> -> memref<8x2048xi32, #tpu.memory_space<hbm>>
    %dma_start3A_140 = arith.constant 0 : i32
    %dma_start3A_141 = tpu.memref_slice %arg4[%add3A_137, %dma_start3A_140] : memref<4096x2048xi32, #tpu.memory_space<hbm>> -> memref<8x2048xi32, #tpu.memory_space<hbm>>
    tpu.enqueue_dma source(%arg6 : memref<8x2048xi32, #tpu.memory_space<vmem>>) target(%dma_start3A_141 : memref<8x2048xi32, #tpu.memory_space<hbm>>) target_semaphore(%arg10 : memref<!tpu.dma_semaphore, #tpu.memory_space<semaphore_mem>>)
    %dma_wait3A_142 = arith.constant 0 : i32
    %dma_wait3A_143 = tpu.memref_slice %arg4[%add3A_137, %dma_wait3A_142] : memref<4096x2048xi32, #tpu.memory_space<hbm>> -> memref<8x2048xi32, #tpu.memory_space<hbm>>
    %dma_wait3A_144 = arith.constant 0 : i32
    %dma_wait3A_145 = tpu.memref_slice %arg4[%add3A_137, %dma_wait3A_144] : memref<4096x2048xi32, #tpu.memory_space<hbm>> -> memref<8x2048xi32, #tpu.memory_space<hbm>>
    tpu.wait_dma2 semaphore(%arg10 : memref<!tpu.dma_semaphore, #tpu.memory_space<semaphore_mem>>) src(%arg6 : memref<8x2048xi32, #tpu.memory_space<vmem>>) dst(%dma_wait3A_145 : memref<8x2048xi32, #tpu.memory_space<hbm>>)
    %dma_start3A_146 = arith.constant 64 : i32
    %dma_start3A_147 = tpu.memref_slice %arg5[%dma_start3A_146] : memref<128xi32, #tpu.memory_space<vmem>> -> memref<8xi32, #tpu.memory_space<vmem>>
    %dma_start3A_148 = arith.constant 0 : i32
    %dma_start3A_149 = arith.constant 0 : i32
    %dma_start3A_150 = tpu.memref_slice %arg2[%dma_start3A_148, %dma_start3A_149] : memref<16384x2048xi32, #tpu.memory_space<hbm>> -> memref<16384x2048xi32, #tpu.memory_space<hbm>>
    tpu.enqueue_indirect_dma source(%dma_start3A_150 : memref<16384x2048xi32, #tpu.memory_space<hbm>>) target(%arg6 : memref<8x2048xi32, #tpu.memory_space<vmem>>) offsets(%dma_start3A_147 : memref<8xi32, #tpu.memory_space<vmem>>) semaphore(%arg8 : memref<!tpu.dma_semaphore, #tpu.memory_space<semaphore_mem>>)
    %dma_wait3A_151 = arith.constant 56 : i32
    %dma_wait3A_152 = tpu.memref_slice %arg5[%dma_wait3A_151] : memref<128xi32, #tpu.memory_space<vmem>> -> memref<8xi32, #tpu.memory_space<vmem>>
    %dma_wait3A_153 = arith.constant 0 : i32
    %dma_wait3A_154 = arith.constant 0 : i32
    %dma_wait3A_155 = tpu.memref_slice %arg2[%dma_wait3A_153, %dma_wait3A_154] : memref<16384x2048xi32, #tpu.memory_space<hbm>> -> memref<16384x2048xi32, #tpu.memory_space<hbm>>
    tpu.wait_indirect_dma semaphore(%arg9 : memref<!tpu.dma_semaphore, #tpu.memory_space<semaphore_mem>>) src(%dma_wait3A_155 : memref<16384x2048xi32, #tpu.memory_space<hbm>>) dst(%arg7 : memref<8x2048xi32, #tpu.memory_space<vmem>>)
    %add3A_156 = arith.constant 56 : i32
    %add3A_157 = arith.addi %mul3A_2, %add3A_156 : i32
    %dma_start3A_158 = arith.constant 0 : i32
    %dma_start3A_159 = tpu.memref_slice %arg4[%add3A_157, %dma_start3A_158] : memref<4096x2048xi32, #tpu.memory_space<hbm>> -> memref<8x2048xi32, #tpu.memory_space<hbm>>
    %dma_start3A_160 = arith.constant 0 : i32
    %dma_start3A_161 = tpu.memref_slice %arg4[%add3A_157, %dma_start3A_160] : memref<4096x2048xi32, #tpu.memory_space<hbm>> -> memref<8x2048xi32, #tpu.memory_space<hbm>>
    tpu.enqueue_dma source(%arg7 : memref<8x2048xi32, #tpu.memory_space<vmem>>) target(%dma_start3A_161 : memref<8x2048xi32, #tpu.memory_space<hbm>>) target_semaphore(%arg11 : memref<!tpu.dma_semaphore, #tpu.memory_space<semaphore_mem>>)
    %dma_wait3A_162 = arith.constant 0 : i32
    %dma_wait3A_163 = tpu.memref_slice %arg4[%add3A_157, %dma_wait3A_162] : memref<4096x2048xi32, #tpu.memory_space<hbm>> -> memref<8x2048xi32, #tpu.memory_space<hbm>>
    %dma_wait3A_164 = arith.constant 0 : i32
    %dma_wait3A_165 = tpu.memref_slice %arg4[%add3A_157, %dma_wait3A_164] : memref<4096x2048xi32, #tpu.memory_space<hbm>> -> memref<8x2048xi32, #tpu.memory_space<hbm>>
    tpu.wait_dma2 semaphore(%arg11 : memref<!tpu.dma_semaphore, #tpu.memory_space<semaphore_mem>>) src(%arg7 : memref<8x2048xi32, #tpu.memory_space<vmem>>) dst(%dma_wait3A_165 : memref<8x2048xi32, #tpu.memory_space<hbm>>)
    %dma_start3A_166 = arith.constant 72 : i32
    %dma_start3A_167 = tpu.memref_slice %arg5[%dma_start3A_166] : memref<128xi32, #tpu.memory_space<vmem>> -> memref<8xi32, #tpu.memory_space<vmem>>
    %dma_start3A_168 = arith.constant 0 : i32
    %dma_start3A_169 = arith.constant 0 : i32
    %dma_start3A_170 = tpu.memref_slice %arg2[%dma_start3A_168, %dma_start3A_169] : memref<16384x2048xi32, #tpu.memory_space<hbm>> -> memref<16384x2048xi32, #tpu.memory_space<hbm>>
    tpu.enqueue_indirect_dma source(%dma_start3A_170 : memref<16384x2048xi32, #tpu.memory_space<hbm>>) target(%arg7 : memref<8x2048xi32, #tpu.memory_space<vmem>>) offsets(%dma_start3A_167 : memref<8xi32, #tpu.memory_space<vmem>>) semaphore(%arg9 : memref<!tpu.dma_semaphore, #tpu.memory_space<semaphore_mem>>)
    %dma_wait3A_171 = arith.constant 64 : i32
    %dma_wait3A_172 = tpu.memref_slice %arg5[%dma_wait3A_171] : memref<128xi32, #tpu.memory_space<vmem>> -> memref<8xi32, #tpu.memory_space<vmem>>
    %dma_wait3A_173 = arith.constant 0 : i32
    %dma_wait3A_174 = arith.constant 0 : i32
    %dma_wait3A_175 = tpu.memref_slice %arg2[%dma_wait3A_173, %dma_wait3A_174] : memref<16384x2048xi32, #tpu.memory_space<hbm>> -> memref<16384x2048xi32, #tpu.memory_space<hbm>>
    tpu.wait_indirect_dma semaphore(%arg8 : memref<!tpu.dma_semaphore, #tpu.memory_space<semaphore_mem>>) src(%dma_wait3A_175 : memref<16384x2048xi32, #tpu.memory_space<hbm>>) dst(%arg6 : memref<8x2048xi32, #tpu.memory_space<vmem>>)
    %add3A_176 = arith.constant 64 : i32
    %add3A_177 = arith.addi %mul3A_2, %add3A_176 : i32
    %dma_start3A_178 = arith.constant 0 : i32
    %dma_start3A_179 = tpu.memref_slice %arg4[%add3A_177, %dma_start3A_178] : memref<4096x2048xi32, #tpu.memory_space<hbm>> -> memref<8x2048xi32, #tpu.memory_space<hbm>>
    %dma_start3A_180 = arith.constant 0 : i32
    %dma_start3A_181 = tpu.memref_slice %arg4[%add3A_177, %dma_start3A_180] : memref<4096x2048xi32, #tpu.memory_space<hbm>> -> memref<8x2048xi32, #tpu.memory_space<hbm>>
    tpu.enqueue_dma source(%arg6 : memref<8x2048xi32, #tpu.memory_space<vmem>>) target(%dma_start3A_181 : memref<8x2048xi32, #tpu.memory_space<hbm>>) target_semaphore(%arg10 : memref<!tpu.dma_semaphore, #tpu.memory_space<semaphore_mem>>)
    %dma_wait3A_182 = arith.constant 0 : i32
    %dma_wait3A_183 = tpu.memref_slice %arg4[%add3A_177, %dma_wait3A_182] : memref<4096x2048xi32, #tpu.memory_space<hbm>> -> memref<8x2048xi32, #tpu.memory_space<hbm>>
    %dma_wait3A_184 = arith.constant 0 : i32
    %dma_wait3A_185 = tpu.memref_slice %arg4[%add3A_177, %dma_wait3A_184] : memref<4096x2048xi32, #tpu.memory_space<hbm>> -> memref<8x2048xi32, #tpu.memory_space<hbm>>
    tpu.wait_dma2 semaphore(%arg10 : memref<!tpu.dma_semaphore, #tpu.memory_space<semaphore_mem>>) src(%arg6 : memref<8x2048xi32, #tpu.memory_space<vmem>>) dst(%dma_wait3A_185 : memref<8x2048xi32, #tpu.memory_space<hbm>>)
    %dma_start3A_186 = arith.constant 80 : i32
    %dma_start3A_187 = tpu.memref_slice %arg5[%dma_start3A_186] : memref<128xi32, #tpu.memory_space<vmem>> -> memref<8xi32, #tpu.memory_space<vmem>>
    %dma_start3A_188 = arith.constant 0 : i32
    %dma_start3A_189 = arith.constant 0 : i32
    %dma_start3A_190 = tpu.memref_slice %arg2[%dma_start3A_188, %dma_start3A_189] : memref<16384x2048xi32, #tpu.memory_space<hbm>> -> memref<16384x2048xi32, #tpu.memory_space<hbm>>
    tpu.enqueue_indirect_dma source(%dma_start3A_190 : memref<16384x2048xi32, #tpu.memory_space<hbm>>) target(%arg6 : memref<8x2048xi32, #tpu.memory_space<vmem>>) offsets(%dma_start3A_187 : memref<8xi32, #tpu.memory_space<vmem>>) semaphore(%arg8 : memref<!tpu.dma_semaphore, #tpu.memory_space<semaphore_mem>>)
    %dma_wait3A_191 = arith.constant 72 : i32
    %dma_wait3A_192 = tpu.memref_slice %arg5[%dma_wait3A_191] : memref<128xi32, #tpu.memory_space<vmem>> -> memref<8xi32, #tpu.memory_space<vmem>>
    %dma_wait3A_193 = arith.constant 0 : i32
    %dma_wait3A_194 = arith.constant 0 : i32
    %dma_wait3A_195 = tpu.memref_slice %arg2[%dma_wait3A_193, %dma_wait3A_194] : memref<16384x2048xi32, #tpu.memory_space<hbm>> -> memref<16384x2048xi32, #tpu.memory_space<hbm>>
    tpu.wait_indirect_dma semaphore(%arg9 : memref<!tpu.dma_semaphore, #tpu.memory_space<semaphore_mem>>) src(%dma_wait3A_195 : memref<16384x2048xi32, #tpu.memory_space<hbm>>) dst(%arg7 : memref<8x2048xi32, #tpu.memory_space<vmem>>)
    %add3A_196 = arith.constant 72 : i32
    %add3A_197 = arith.addi %mul3A_2, %add3A_196 : i32
    %dma_start3A_198 = arith.constant 0 : i32
    %dma_start3A_199 = tpu.memref_slice %arg4[%add3A_197, %dma_start3A_198] : memref<4096x2048xi32, #tpu.memory_space<hbm>> -> memref<8x2048xi32, #tpu.memory_space<hbm>>
    %dma_start3A_200 = arith.constant 0 : i32
    %dma_start3A_201 = tpu.memref_slice %arg4[%add3A_197, %dma_start3A_200] : memref<4096x2048xi32, #tpu.memory_space<hbm>> -> memref<8x2048xi32, #tpu.memory_space<hbm>>
    tpu.enqueue_dma source(%arg7 : memref<8x2048xi32, #tpu.memory_space<vmem>>) target(%dma_start3A_201 : memref<8x2048xi32, #tpu.memory_space<hbm>>) target_semaphore(%arg11 : memref<!tpu.dma_semaphore, #tpu.memory_space<semaphore_mem>>)
    %dma_wait3A_202 = arith.constant 0 : i32
    %dma_wait3A_203 = tpu.memref_slice %arg4[%add3A_197, %dma_wait3A_202] : memref<4096x2048xi32, #tpu.memory_space<hbm>> -> memref<8x2048xi32, #tpu.memory_space<hbm>>
    %dma_wait3A_204 = arith.constant 0 : i32
    %dma_wait3A_205 = tpu.memref_slice %arg4[%add3A_197, %dma_wait3A_204] : memref<4096x2048xi32, #tpu.memory_space<hbm>> -> memref<8x2048xi32, #tpu.memory_space<hbm>>
    tpu.wait_dma2 semaphore(%arg11 : memref<!tpu.dma_semaphore, #tpu.memory_space<semaphore_mem>>) src(%arg7 : memref<8x2048xi32, #tpu.memory_space<vmem>>) dst(%dma_wait3A_205 : memref<8x2048xi32, #tpu.memory_space<hbm>>)
    %dma_start3A_206 = arith.constant 88 : i32
    %dma_start3A_207 = tpu.memref_slice %arg5[%dma_start3A_206] : memref<128xi32, #tpu.memory_space<vmem>> -> memref<8xi32, #tpu.memory_space<vmem>>
    %dma_start3A_208 = arith.constant 0 : i32
    %dma_start3A_209 = arith.constant 0 : i32
    %dma_start3A_210 = tpu.memref_slice %arg2[%dma_start3A_208, %dma_start3A_209] : memref<16384x2048xi32, #tpu.memory_space<hbm>> -> memref<16384x2048xi32, #tpu.memory_space<hbm>>
    tpu.enqueue_indirect_dma source(%dma_start3A_210 : memref<16384x2048xi32, #tpu.memory_space<hbm>>) target(%arg7 : memref<8x2048xi32, #tpu.memory_space<vmem>>) offsets(%dma_start3A_207 : memref<8xi32, #tpu.memory_space<vmem>>) semaphore(%arg9 : memref<!tpu.dma_semaphore, #tpu.memory_space<semaphore_mem>>)
    %dma_wait3A_211 = arith.constant 80 : i32
    %dma_wait3A_212 = tpu.memref_slice %arg5[%dma_wait3A_211] : memref<128xi32, #tpu.memory_space<vmem>> -> memref<8xi32, #tpu.memory_space<vmem>>
    %dma_wait3A_213 = arith.constant 0 : i32
    %dma_wait3A_214 = arith.constant 0 : i32
    %dma_wait3A_215 = tpu.memref_slice %arg2[%dma_wait3A_213, %dma_wait3A_214] : memref<16384x2048xi32, #tpu.memory_space<hbm>> -> memref<16384x2048xi32, #tpu.memory_space<hbm>>
    tpu.wait_indirect_dma semaphore(%arg8 : memref<!tpu.dma_semaphore, #tpu.memory_space<semaphore_mem>>) src(%dma_wait3A_215 : memref<16384x2048xi32, #tpu.memory_space<hbm>>) dst(%arg6 : memref<8x2048xi32, #tpu.memory_space<vmem>>)
    %add3A_216 = arith.constant 80 : i32
    %add3A_217 = arith.addi %mul3A_2, %add3A_216 : i32
    %dma_start3A_218 = arith.constant 0 : i32
    %dma_start3A_219 = tpu.memref_slice %arg4[%add3A_217, %dma_start3A_218] : memref<4096x2048xi32, #tpu.memory_space<hbm>> -> memref<8x2048xi32, #tpu.memory_space<hbm>>
    %dma_start3A_220 = arith.constant 0 : i32
    %dma_start3A_221 = tpu.memref_slice %arg4[%add3A_217, %dma_start3A_220] : memref<4096x2048xi32, #tpu.memory_space<hbm>> -> memref<8x2048xi32, #tpu.memory_space<hbm>>
    tpu.enqueue_dma source(%arg6 : memref<8x2048xi32, #tpu.memory_space<vmem>>) target(%dma_start3A_221 : memref<8x2048xi32, #tpu.memory_space<hbm>>) target_semaphore(%arg10 : memref<!tpu.dma_semaphore, #tpu.memory_space<semaphore_mem>>)
    %dma_wait3A_222 = arith.constant 0 : i32
    %dma_wait3A_223 = tpu.memref_slice %arg4[%add3A_217, %dma_wait3A_222] : memref<4096x2048xi32, #tpu.memory_space<hbm>> -> memref<8x2048xi32, #tpu.memory_space<hbm>>
    %dma_wait3A_224 = arith.constant 0 : i32
    %dma_wait3A_225 = tpu.memref_slice %arg4[%add3A_217, %dma_wait3A_224] : memref<4096x2048xi32, #tpu.memory_space<hbm>> -> memref<8x2048xi32, #tpu.memory_space<hbm>>
    tpu.wait_dma2 semaphore(%arg10 : memref<!tpu.dma_semaphore, #tpu.memory_space<semaphore_mem>>) src(%arg6 : memref<8x2048xi32, #tpu.memory_space<vmem>>) dst(%dma_wait3A_225 : memref<8x2048xi32, #tpu.memory_space<hbm>>)
    %dma_start3A_226 = arith.constant 96 : i32
    %dma_start3A_227 = tpu.memref_slice %arg5[%dma_start3A_226] : memref<128xi32, #tpu.memory_space<vmem>> -> memref<8xi32, #tpu.memory_space<vmem>>
    %dma_start3A_228 = arith.constant 0 : i32
    %dma_start3A_229 = arith.constant 0 : i32
    %dma_start3A_230 = tpu.memref_slice %arg2[%dma_start3A_228, %dma_start3A_229] : memref<16384x2048xi32, #tpu.memory_space<hbm>> -> memref<16384x2048xi32, #tpu.memory_space<hbm>>
    tpu.enqueue_indirect_dma source(%dma_start3A_230 : memref<16384x2048xi32, #tpu.memory_space<hbm>>) target(%arg6 : memref<8x2048xi32, #tpu.memory_space<vmem>>) offsets(%dma_start3A_227 : memref<8xi32, #tpu.memory_space<vmem>>) semaphore(%arg8 : memref<!tpu.dma_semaphore, #tpu.memory_space<semaphore_mem>>)
    %dma_wait3A_231 = arith.constant 88 : i32
    %dma_wait3A_232 = tpu.memref_slice %arg5[%dma_wait3A_231] : memref<128xi32, #tpu.memory_space<vmem>> -> memref<8xi32, #tpu.memory_space<vmem>>
    %dma_wait3A_233 = arith.constant 0 : i32
    %dma_wait3A_234 = arith.constant 0 : i32
    %dma_wait3A_235 = tpu.memref_slice %arg2[%dma_wait3A_233, %dma_wait3A_234] : memref<16384x2048xi32, #tpu.memory_space<hbm>> -> memref<16384x2048xi32, #tpu.memory_space<hbm>>
    tpu.wait_indirect_dma semaphore(%arg9 : memref<!tpu.dma_semaphore, #tpu.memory_space<semaphore_mem>>) src(%dma_wait3A_235 : memref<16384x2048xi32, #tpu.memory_space<hbm>>) dst(%arg7 : memref<8x2048xi32, #tpu.memory_space<vmem>>)
    %add3A_236 = arith.constant 88 : i32
    %add3A_237 = arith.addi %mul3A_2, %add3A_236 : i32
    %dma_start3A_238 = arith.constant 0 : i32
    %dma_start3A_239 = tpu.memref_slice %arg4[%add3A_237, %dma_start3A_238] : memref<4096x2048xi32, #tpu.memory_space<hbm>> -> memref<8x2048xi32, #tpu.memory_space<hbm>>
    %dma_start3A_240 = arith.constant 0 : i32
    %dma_start3A_241 = tpu.memref_slice %arg4[%add3A_237, %dma_start3A_240] : memref<4096x2048xi32, #tpu.memory_space<hbm>> -> memref<8x2048xi32, #tpu.memory_space<hbm>>
    tpu.enqueue_dma source(%arg7 : memref<8x2048xi32, #tpu.memory_space<vmem>>) target(%dma_start3A_241 : memref<8x2048xi32, #tpu.memory_space<hbm>>) target_semaphore(%arg11 : memref<!tpu.dma_semaphore, #tpu.memory_space<semaphore_mem>>)
    %dma_wait3A_242 = arith.constant 0 : i32
    %dma_wait3A_243 = tpu.memref_slice %arg4[%add3A_237, %dma_wait3A_242] : memref<4096x2048xi32, #tpu.memory_space<hbm>> -> memref<8x2048xi32, #tpu.memory_space<hbm>>
    %dma_wait3A_244 = arith.constant 0 : i32
    %dma_wait3A_245 = tpu.memref_slice %arg4[%add3A_237, %dma_wait3A_244] : memref<4096x2048xi32, #tpu.memory_space<hbm>> -> memref<8x2048xi32, #tpu.memory_space<hbm>>
    tpu.wait_dma2 semaphore(%arg11 : memref<!tpu.dma_semaphore, #tpu.memory_space<semaphore_mem>>) src(%arg7 : memref<8x2048xi32, #tpu.memory_space<vmem>>) dst(%dma_wait3A_245 : memref<8x2048xi32, #tpu.memory_space<hbm>>)
    %dma_start3A_246 = arith.constant 104 : i32
    %dma_start3A_247 = tpu.memref_slice %arg5[%dma_start3A_246] : memref<128xi32, #tpu.memory_space<vmem>> -> memref<8xi32, #tpu.memory_space<vmem>>
    %dma_start3A_248 = arith.constant 0 : i32
    %dma_start3A_249 = arith.constant 0 : i32
    %dma_start3A_250 = tpu.memref_slice %arg2[%dma_start3A_248, %dma_start3A_249] : memref<16384x2048xi32, #tpu.memory_space<hbm>> -> memref<16384x2048xi32, #tpu.memory_space<hbm>>
    tpu.enqueue_indirect_dma source(%dma_start3A_250 : memref<16384x2048xi32, #tpu.memory_space<hbm>>) target(%arg7 : memref<8x2048xi32, #tpu.memory_space<vmem>>) offsets(%dma_start3A_247 : memref<8xi32, #tpu.memory_space<vmem>>) semaphore(%arg9 : memref<!tpu.dma_semaphore, #tpu.memory_space<semaphore_mem>>)
    %dma_wait3A_251 = arith.constant 96 : i32
    %dma_wait3A_252 = tpu.memref_slice %arg5[%dma_wait3A_251] : memref<128xi32, #tpu.memory_space<vmem>> -> memref<8xi32, #tpu.memory_space<vmem>>
    %dma_wait3A_253 = arith.constant 0 : i32
    %dma_wait3A_254 = arith.constant 0 : i32
    %dma_wait3A_255 = tpu.memref_slice %arg2[%dma_wait3A_253, %dma_wait3A_254] : memref<16384x2048xi32, #tpu.memory_space<hbm>> -> memref<16384x2048xi32, #tpu.memory_space<hbm>>
    tpu.wait_indirect_dma semaphore(%arg8 : memref<!tpu.dma_semaphore, #tpu.memory_space<semaphore_mem>>) src(%dma_wait3A_255 : memref<16384x2048xi32, #tpu.memory_space<hbm>>) dst(%arg6 : memref<8x2048xi32, #tpu.memory_space<vmem>>)
    %add3A_256 = arith.constant 96 : i32
    %add3A_257 = arith.addi %mul3A_2, %add3A_256 : i32
    %dma_start3A_258 = arith.constant 0 : i32
    %dma_start3A_259 = tpu.memref_slice %arg4[%add3A_257, %dma_start3A_258] : memref<4096x2048xi32, #tpu.memory_space<hbm>> -> memref<8x2048xi32, #tpu.memory_space<hbm>>
    %dma_start3A_260 = arith.constant 0 : i32
    %dma_start3A_261 = tpu.memref_slice %arg4[%add3A_257, %dma_start3A_260] : memref<4096x2048xi32, #tpu.memory_space<hbm>> -> memref<8x2048xi32, #tpu.memory_space<hbm>>
    tpu.enqueue_dma source(%arg6 : memref<8x2048xi32, #tpu.memory_space<vmem>>) target(%dma_start3A_261 : memref<8x2048xi32, #tpu.memory_space<hbm>>) target_semaphore(%arg10 : memref<!tpu.dma_semaphore, #tpu.memory_space<semaphore_mem>>)
    %dma_wait3A_262 = arith.constant 0 : i32
    %dma_wait3A_263 = tpu.memref_slice %arg4[%add3A_257, %dma_wait3A_262] : memref<4096x2048xi32, #tpu.memory_space<hbm>> -> memref<8x2048xi32, #tpu.memory_space<hbm>>
    %dma_wait3A_264 = arith.constant 0 : i32
    %dma_wait3A_265 = tpu.memref_slice %arg4[%add3A_257, %dma_wait3A_264] : memref<4096x2048xi32, #tpu.memory_space<hbm>> -> memref<8x2048xi32, #tpu.memory_space<hbm>>
    tpu.wait_dma2 semaphore(%arg10 : memref<!tpu.dma_semaphore, #tpu.memory_space<semaphore_mem>>) src(%arg6 : memref<8x2048xi32, #tpu.memory_space<vmem>>) dst(%dma_wait3A_265 : memref<8x2048xi32, #tpu.memory_space<hbm>>)
    %dma_start3A_266 = arith.constant 112 : i32
    %dma_start3A_267 = tpu.memref_slice %arg5[%dma_start3A_266] : memref<128xi32, #tpu.memory_space<vmem>> -> memref<8xi32, #tpu.memory_space<vmem>>
    %dma_start3A_268 = arith.constant 0 : i32
    %dma_start3A_269 = arith.constant 0 : i32
    %dma_start3A_270 = tpu.memref_slice %arg2[%dma_start3A_268, %dma_start3A_269] : memref<16384x2048xi32, #tpu.memory_space<hbm>> -> memref<16384x2048xi32, #tpu.memory_space<hbm>>
    tpu.enqueue_indirect_dma source(%dma_start3A_270 : memref<16384x2048xi32, #tpu.memory_space<hbm>>) target(%arg6 : memref<8x2048xi32, #tpu.memory_space<vmem>>) offsets(%dma_start3A_267 : memref<8xi32, #tpu.memory_space<vmem>>) semaphore(%arg8 : memref<!tpu.dma_semaphore, #tpu.memory_space<semaphore_mem>>)
    %dma_wait3A_271 = arith.constant 104 : i32
    %dma_wait3A_272 = tpu.memref_slice %arg5[%dma_wait3A_271] : memref<128xi32, #tpu.memory_space<vmem>> -> memref<8xi32, #tpu.memory_space<vmem>>
    %dma_wait3A_273 = arith.constant 0 : i32
    %dma_wait3A_274 = arith.constant 0 : i32
    %dma_wait3A_275 = tpu.memref_slice %arg2[%dma_wait3A_273, %dma_wait3A_274] : memref<16384x2048xi32, #tpu.memory_space<hbm>> -> memref<16384x2048xi32, #tpu.memory_space<hbm>>
    tpu.wait_indirect_dma semaphore(%arg9 : memref<!tpu.dma_semaphore, #tpu.memory_space<semaphore_mem>>) src(%dma_wait3A_275 : memref<16384x2048xi32, #tpu.memory_space<hbm>>) dst(%arg7 : memref<8x2048xi32, #tpu.memory_space<vmem>>)
    %add3A_276 = arith.constant 104 : i32
    %add3A_277 = arith.addi %mul3A_2, %add3A_276 : i32
    %dma_start3A_278 = arith.constant 0 : i32
    %dma_start3A_279 = tpu.memref_slice %arg4[%add3A_277, %dma_start3A_278] : memref<4096x2048xi32, #tpu.memory_space<hbm>> -> memref<8x2048xi32, #tpu.memory_space<hbm>>
    %dma_start3A_280 = arith.constant 0 : i32
    %dma_start3A_281 = tpu.memref_slice %arg4[%add3A_277, %dma_start3A_280] : memref<4096x2048xi32, #tpu.memory_space<hbm>> -> memref<8x2048xi32, #tpu.memory_space<hbm>>
    tpu.enqueue_dma source(%arg7 : memref<8x2048xi32, #tpu.memory_space<vmem>>) target(%dma_start3A_281 : memref<8x2048xi32, #tpu.memory_space<hbm>>) target_semaphore(%arg11 : memref<!tpu.dma_semaphore, #tpu.memory_space<semaphore_mem>>)
    %dma_wait3A_282 = arith.constant 0 : i32
    %dma_wait3A_283 = tpu.memref_slice %arg4[%add3A_277, %dma_wait3A_282] : memref<4096x2048xi32, #tpu.memory_space<hbm>> -> memref<8x2048xi32, #tpu.memory_space<hbm>>
    %dma_wait3A_284 = arith.constant 0 : i32
    %dma_wait3A_285 = tpu.memref_slice %arg4[%add3A_277, %dma_wait3A_284] : memref<4096x2048xi32, #tpu.memory_space<hbm>> -> memref<8x2048xi32, #tpu.memory_space<hbm>>
    tpu.wait_dma2 semaphore(%arg11 : memref<!tpu.dma_semaphore, #tpu.memory_space<semaphore_mem>>) src(%arg7 : memref<8x2048xi32, #tpu.memory_space<vmem>>) dst(%dma_wait3A_285 : memref<8x2048xi32, #tpu.memory_space<hbm>>)
    %dma_start3A_286 = arith.constant 120 : i32
    %dma_start3A_287 = tpu.memref_slice %arg5[%dma_start3A_286] : memref<128xi32, #tpu.memory_space<vmem>> -> memref<8xi32, #tpu.memory_space<vmem>>
    %dma_start3A_288 = arith.constant 0 : i32
    %dma_start3A_289 = arith.constant 0 : i32
    %dma_start3A_290 = tpu.memref_slice %arg2[%dma_start3A_288, %dma_start3A_289] : memref<16384x2048xi32, #tpu.memory_space<hbm>> -> memref<16384x2048xi32, #tpu.memory_space<hbm>>
    tpu.enqueue_indirect_dma source(%dma_start3A_290 : memref<16384x2048xi32, #tpu.memory_space<hbm>>) target(%arg7 : memref<8x2048xi32, #tpu.memory_space<vmem>>) offsets(%dma_start3A_287 : memref<8xi32, #tpu.memory_space<vmem>>) semaphore(%arg9 : memref<!tpu.dma_semaphore, #tpu.memory_space<semaphore_mem>>)
    %dma_wait3A_291 = arith.constant 112 : i32
    %dma_wait3A_292 = tpu.memref_slice %arg5[%dma_wait3A_291] : memref<128xi32, #tpu.memory_space<vmem>> -> memref<8xi32, #tpu.memory_space<vmem>>
    %dma_wait3A_293 = arith.constant 0 : i32
    %dma_wait3A_294 = arith.constant 0 : i32
    %dma_wait3A_295 = tpu.memref_slice %arg2[%dma_wait3A_293, %dma_wait3A_294] : memref<16384x2048xi32, #tpu.memory_space<hbm>> -> memref<16384x2048xi32, #tpu.memory_space<hbm>>
    tpu.wait_indirect_dma semaphore(%arg8 : memref<!tpu.dma_semaphore, #tpu.memory_space<semaphore_mem>>) src(%dma_wait3A_295 : memref<16384x2048xi32, #tpu.memory_space<hbm>>) dst(%arg6 : memref<8x2048xi32, #tpu.memory_space<vmem>>)
    %add3A_296 = arith.constant 112 : i32
    %add3A_297 = arith.addi %mul3A_2, %add3A_296 : i32
    %dma_start3A_298 = arith.constant 0 : i32
    %dma_start3A_299 = tpu.memref_slice %arg4[%add3A_297, %dma_start3A_298] : memref<4096x2048xi32, #tpu.memory_space<hbm>> -> memref<8x2048xi32, #tpu.memory_space<hbm>>
    %dma_start3A_300 = arith.constant 0 : i32
    %dma_start3A_301 = tpu.memref_slice %arg4[%add3A_297, %dma_start3A_300] : memref<4096x2048xi32, #tpu.memory_space<hbm>> -> memref<8x2048xi32, #tpu.memory_space<hbm>>
    tpu.enqueue_dma source(%arg6 : memref<8x2048xi32, #tpu.memory_space<vmem>>) target(%dma_start3A_301 : memref<8x2048xi32, #tpu.memory_space<hbm>>) target_semaphore(%arg10 : memref<!tpu.dma_semaphore, #tpu.memory_space<semaphore_mem>>)
    %dma_wait3A_302 = arith.constant 120 : i32
    %dma_wait3A_303 = tpu.memref_slice %arg5[%dma_wait3A_302] : memref<128xi32, #tpu.memory_space<vmem>> -> memref<8xi32, #tpu.memory_space<vmem>>
    %dma_wait3A_304 = arith.constant 0 : i32
    %dma_wait3A_305 = arith.constant 0 : i32
    %dma_wait3A_306 = tpu.memref_slice %arg2[%dma_wait3A_304, %dma_wait3A_305] : memref<16384x2048xi32, #tpu.memory_space<hbm>> -> memref<16384x2048xi32, #tpu.memory_space<hbm>>
    tpu.wait_indirect_dma semaphore(%arg9 : memref<!tpu.dma_semaphore, #tpu.memory_space<semaphore_mem>>) src(%dma_wait3A_306 : memref<16384x2048xi32, #tpu.memory_space<hbm>>) dst(%arg7 : memref<8x2048xi32, #tpu.memory_space<vmem>>)
    %add3A_307 = arith.constant 120 : i32
    %add3A_308 = arith.addi %mul3A_2, %add3A_307 : i32
    %dma_start3A_309 = arith.constant 0 : i32
    %dma_start3A_310 = tpu.memref_slice %arg4[%add3A_308, %dma_start3A_309] : memref<4096x2048xi32, #tpu.memory_space<hbm>> -> memref<8x2048xi32, #tpu.memory_space<hbm>>
    %dma_start3A_311 = arith.constant 0 : i32
    %dma_start3A_312 = tpu.memref_slice %arg4[%add3A_308, %dma_start3A_311] : memref<4096x2048xi32, #tpu.memory_space<hbm>> -> memref<8x2048xi32, #tpu.memory_space<hbm>>
    tpu.enqueue_dma source(%arg7 : memref<8x2048xi32, #tpu.memory_space<vmem>>) target(%dma_start3A_312 : memref<8x2048xi32, #tpu.memory_space<hbm>>) target_semaphore(%arg11 : memref<!tpu.dma_semaphore, #tpu.memory_space<semaphore_mem>>)
    %dma_wait3A_313 = arith.constant 0 : i32
    %dma_wait3A_314 = tpu.memref_slice %arg4[%add3A_297, %dma_wait3A_313] : memref<4096x2048xi32, #tpu.memory_space<hbm>> -> memref<8x2048xi32, #tpu.memory_space<hbm>>
    %dma_wait3A_315 = arith.constant 0 : i32
    %dma_wait3A_316 = tpu.memref_slice %arg4[%add3A_297, %dma_wait3A_315] : memref<4096x2048xi32, #tpu.memory_space<hbm>> -> memref<8x2048xi32, #tpu.memory_space<hbm>>
    tpu.wait_dma2 semaphore(%arg10 : memref<!tpu.dma_semaphore, #tpu.memory_space<semaphore_mem>>) src(%arg6 : memref<8x2048xi32, #tpu.memory_space<vmem>>) dst(%dma_wait3A_316 : memref<8x2048xi32, #tpu.memory_space<hbm>>)
    %dma_wait3A_317 = arith.constant 0 : i32
    %dma_wait3A_318 = tpu.memref_slice %arg4[%add3A_308, %dma_wait3A_317] : memref<4096x2048xi32, #tpu.memory_space<hbm>> -> memref<8x2048xi32, #tpu.memory_space<hbm>>
    %dma_wait3A_319 = arith.constant 0 : i32
    %dma_wait3A_320 = tpu.memref_slice %arg4[%add3A_308, %dma_wait3A_319] : memref<4096x2048xi32, #tpu.memory_space<hbm>> -> memref<8x2048xi32, #tpu.memory_space<hbm>>
    tpu.wait_dma2 semaphore(%arg11 : memref<!tpu.dma_semaphore, #tpu.memory_space<semaphore_mem>>) src(%arg7 : memref<8x2048xi32, #tpu.memory_space<vmem>>) dst(%dma_wait3A_320 : memref<8x2048xi32, #tpu.memory_space<hbm>>)
    return
  }
}

#map = affine_map<(d0, d1) -> (0, 0)>
#map1 = affine_map<(d0, d1) -> (0)>
module attributes {stable_mosaic.version = 14 : i64} {
  func.func @_k2a_body(%arg0: i32, %arg1: i32, %arg2: memref<4096x4096xf32, #tpu.memory_space<hbm>>, %arg3: memref<4096xi32, #tpu.memory_space<hbm>>, %arg4: memref<4096xi32, #tpu.memory_space<hbm>>, %arg5: memref<32x128xf32, #tpu.memory_space<hbm>>, %arg6: memref<128x128xf32, #tpu.memory_space<hbm>>, %arg7: memref<4096x4096xf32, #tpu.memory_space<hbm>>, %arg8: memref<4096x128xf32, #tpu.memory_space<hbm>>, %arg9: memref<4096x128xf32, #tpu.memory_space<hbm>>, %arg10: memref<128xi32, #tpu.memory_space<vmem>>, %arg11: memref<128xi32, #tpu.memory_space<vmem>>, %arg12: memref<128xi32, #tpu.memory_space<vmem>>, %arg13: memref<8x4096xf32, #tpu.memory_space<vmem>>, %arg14: memref<8x4096xf32, #tpu.memory_space<vmem>>, %arg15: memref<128x128xf32, #tpu.memory_space<vmem>>, %arg16: memref<!tpu.dma_semaphore, #tpu.memory_space<semaphore_mem>>, %arg17: memref<!tpu.dma_semaphore, #tpu.memory_space<semaphore_mem>>, %arg18: memref<!tpu.dma_semaphore, #tpu.memory_space<semaphore_mem>>, %arg19: memref<!tpu.dma_semaphore, #tpu.memory_space<semaphore_mem>>) attributes {dimension_semantics = [#tpu.dimension_semantics<core_parallel>, #tpu.dimension_semantics<subcore_parallel>], iteration_bounds = array<i64: 2, 16>, scalar_prefetch = 0 : i64, scratch_operands = 10 : i64, tpu.core_type = #tpu.core_type<sc_vector_subcore>, window_params = [{transform_indices = #map}, {transform_indices = #map1}, {transform_indices = #map1}, {transform_indices = #map}, {transform_indices = #map}, {transform_indices = #map}, {transform_indices = #map}, {transform_indices = #map}]} {
    %mul3A = arith.constant 2 : i32
    %mul3A_0 = arith.muli %arg1, %mul3A : i32
    %add3A = arith.addi %mul3A_0, %arg0 : i32
    %mul3A_1 = arith.constant 128 : i32
    %mul3A_2 = arith.muli %add3A, %mul3A_1 : i32
    "tpu.region"() ({
      %run_scoped3A = tpu.sem_alloc : memref<!tpu.dma_semaphore, #tpu.memory_space<semaphore_mem>>
      %dma_start3A_490 = tpu.memref_slice %arg3[%mul3A_2] : memref<4096xi32, #tpu.memory_space<hbm>> -> memref<128xi32, #tpu.memory_space<hbm>>
      %dma_start3A_491 = tpu.memref_slice %arg3[%mul3A_2] : memref<4096xi32, #tpu.memory_space<hbm>> -> memref<128xi32, #tpu.memory_space<hbm>>
      tpu.enqueue_dma source(%dma_start3A_491 : memref<128xi32, #tpu.memory_space<hbm>>) target(%arg10 : memref<128xi32, #tpu.memory_space<vmem>>) target_semaphore(%run_scoped3A : memref<!tpu.dma_semaphore, #tpu.memory_space<semaphore_mem>>)
      %dma_wait3A_492 = tpu.memref_slice %arg3[%mul3A_2] : memref<4096xi32, #tpu.memory_space<hbm>> -> memref<128xi32, #tpu.memory_space<hbm>>
      %dma_wait3A_493 = tpu.memref_slice %arg3[%mul3A_2] : memref<4096xi32, #tpu.memory_space<hbm>> -> memref<128xi32, #tpu.memory_space<hbm>>
      tpu.wait_dma2 semaphore(%run_scoped3A : memref<!tpu.dma_semaphore, #tpu.memory_space<semaphore_mem>>) src(%dma_wait3A_493 : memref<128xi32, #tpu.memory_space<hbm>>) dst(%arg10 : memref<128xi32, #tpu.memory_space<vmem>>)
      tpu.yield
    }) : () -> ()
    "tpu.region"() ({
      %run_scoped3A = tpu.sem_alloc : memref<!tpu.dma_semaphore, #tpu.memory_space<semaphore_mem>>
      %dma_start3A_490 = tpu.memref_slice %arg4[%mul3A_2] : memref<4096xi32, #tpu.memory_space<hbm>> -> memref<128xi32, #tpu.memory_space<hbm>>
      %dma_start3A_491 = tpu.memref_slice %arg4[%mul3A_2] : memref<4096xi32, #tpu.memory_space<hbm>> -> memref<128xi32, #tpu.memory_space<hbm>>
      tpu.enqueue_dma source(%dma_start3A_491 : memref<128xi32, #tpu.memory_space<hbm>>) target(%arg11 : memref<128xi32, #tpu.memory_space<vmem>>) target_semaphore(%run_scoped3A : memref<!tpu.dma_semaphore, #tpu.memory_space<semaphore_mem>>)
      %dma_wait3A_492 = tpu.memref_slice %arg4[%mul3A_2] : memref<4096xi32, #tpu.memory_space<hbm>> -> memref<128xi32, #tpu.memory_space<hbm>>
      %dma_wait3A_493 = tpu.memref_slice %arg4[%mul3A_2] : memref<4096xi32, #tpu.memory_space<hbm>> -> memref<128xi32, #tpu.memory_space<hbm>>
      tpu.wait_dma2 semaphore(%run_scoped3A : memref<!tpu.dma_semaphore, #tpu.memory_space<semaphore_mem>>) src(%dma_wait3A_493 : memref<128xi32, #tpu.memory_space<hbm>>) dst(%arg11 : memref<128xi32, #tpu.memory_space<vmem>>)
      tpu.yield
    }) : () -> ()
    %get3A = arith.constant 0 : index
    %get3A_3 = tpu.vector_load %arg10[%get3A] {strides = array<i32>} : memref<128xi32, #tpu.memory_space<vmem>>, vector<16xi32>,
    %get3A_4 = vector.shape_cast %get3A_3 : vector<16xi32> to vector<16xi32>
    %shift_right_arithmetic3A = arith.constant 7 : i32
    %shift_right_arithmetic3A_5 = vector.broadcast %shift_right_arithmetic3A : i32 to vector<16xi32>
    %shift_right_arithmetic3A_6 = arith.shrsi %get3A_4, %shift_right_arithmetic3A_5 : vector<16xi32>
    %swap3A = arith.constant 0 : index
    %swap3A_7 = tpu.vector_load %arg12[%swap3A] {strides = array<i32>} : memref<128xi32, #tpu.memory_space<vmem>>, vector<16xi32>,
    %swap3A_8 = vector.shape_cast %swap3A_7 : vector<16xi32> to vector<16xi32>
    %swap3A_9 = vector.shape_cast %shift_right_arithmetic3A_6 : vector<16xi32> to vector<16xi32>
    tpu.vector_store %arg12[%swap3A], %swap3A_9 {strides = array<i32>} : memref<128xi32, #tpu.memory_space<vmem>>, vector<16xi32>,
    %get3A_10 = arith.constant 16 : index
    %get3A_11 = tpu.vector_load %arg10[%get3A_10] {strides = array<i32>} : memref<128xi32, #tpu.memory_space<vmem>>, vector<16xi32>,
    %get3A_12 = vector.shape_cast %get3A_11 : vector<16xi32> to vector<16xi32>
    %shift_right_arithmetic3A_13 = arith.constant 7 : i32
    %shift_right_arithmetic3A_14 = vector.broadcast %shift_right_arithmetic3A_13 : i32 to vector<16xi32>
    %shift_right_arithmetic3A_15 = arith.shrsi %get3A_12, %shift_right_arithmetic3A_14 : vector<16xi32>
    %swap3A_16 = arith.constant 16 : index
    %swap3A_17 = tpu.vector_load %arg12[%swap3A_16] {strides = array<i32>} : memref<128xi32, #tpu.memory_space<vmem>>, vector<16xi32>,
    %swap3A_18 = vector.shape_cast %swap3A_17 : vector<16xi32> to vector<16xi32>
    %swap3A_19 = vector.shape_cast %shift_right_arithmetic3A_15 : vector<16xi32> to vector<16xi32>
    tpu.vector_store %arg12[%swap3A_16], %swap3A_19 {strides = array<i32>} : memref<128xi32, #tpu.memory_space<vmem>>, vector<16xi32>,
    %get3A_20 = arith.constant 32 : index
    %get3A_21 = tpu.vector_load %arg10[%get3A_20] {strides = array<i32>} : memref<128xi32, #tpu.memory_space<vmem>>, vector<16xi32>,
    %get3A_22 = vector.shape_cast %get3A_21 : vector<16xi32> to vector<16xi32>
    %shift_right_arithmetic3A_23 = arith.constant 7 : i32
    %shift_right_arithmetic3A_24 = vector.broadcast %shift_right_arithmetic3A_23 : i32 to vector<16xi32>
    %shift_right_arithmetic3A_25 = arith.shrsi %get3A_22, %shift_right_arithmetic3A_24 : vector<16xi32>
    %swap3A_26 = arith.constant 32 : index
    %swap3A_27 = tpu.vector_load %arg12[%swap3A_26] {strides = array<i32>} : memref<128xi32, #tpu.memory_space<vmem>>, vector<16xi32>,
    %swap3A_28 = vector.shape_cast %swap3A_27 : vector<16xi32> to vector<16xi32>
    %swap3A_29 = vector.shape_cast %shift_right_arithmetic3A_25 : vector<16xi32> to vector<16xi32>
    tpu.vector_store %arg12[%swap3A_26], %swap3A_29 {strides = array<i32>} : memref<128xi32, #tpu.memory_space<vmem>>, vector<16xi32>,
    %get3A_30 = arith.constant 48 : index
    %get3A_31 = tpu.vector_load %arg10[%get3A_30] {strides = array<i32>} : memref<128xi32, #tpu.memory_space<vmem>>, vector<16xi32>,
    %get3A_32 = vector.shape_cast %get3A_31 : vector<16xi32> to vector<16xi32>
    %shift_right_arithmetic3A_33 = arith.constant 7 : i32
    %shift_right_arithmetic3A_34 = vector.broadcast %shift_right_arithmetic3A_33 : i32 to vector<16xi32>
    %shift_right_arithmetic3A_35 = arith.shrsi %get3A_32, %shift_right_arithmetic3A_34 : vector<16xi32>
    %swap3A_36 = arith.constant 48 : index
    %swap3A_37 = tpu.vector_load %arg12[%swap3A_36] {strides = array<i32>} : memref<128xi32, #tpu.memory_space<vmem>>, vector<16xi32>,
    %swap3A_38 = vector.shape_cast %swap3A_37 : vector<16xi32> to vector<16xi32>
    %swap3A_39 = vector.shape_cast %shift_right_arithmetic3A_35 : vector<16xi32> to vector<16xi32>
    tpu.vector_store %arg12[%swap3A_36], %swap3A_39 {strides = array<i32>} : memref<128xi32, #tpu.memory_space<vmem>>, vector<16xi32>,
    %get3A_40 = arith.constant 64 : index
    %get3A_41 = tpu.vector_load %arg10[%get3A_40] {strides = array<i32>} : memref<128xi32, #tpu.memory_space<vmem>>, vector<16xi32>,
    %get3A_42 = vector.shape_cast %get3A_41 : vector<16xi32> to vector<16xi32>
    %shift_right_arithmetic3A_43 = arith.constant 7 : i32
    %shift_right_arithmetic3A_44 = vector.broadcast %shift_right_arithmetic3A_43 : i32 to vector<16xi32>
    %shift_right_arithmetic3A_45 = arith.shrsi %get3A_42, %shift_right_arithmetic3A_44 : vector<16xi32>
    %swap3A_46 = arith.constant 64 : index
    %swap3A_47 = tpu.vector_load %arg12[%swap3A_46] {strides = array<i32>} : memref<128xi32, #tpu.memory_space<vmem>>, vector<16xi32>,
    %swap3A_48 = vector.shape_cast %swap3A_47 : vector<16xi32> to vector<16xi32>
    %swap3A_49 = vector.shape_cast %shift_right_arithmetic3A_45 : vector<16xi32> to vector<16xi32>
    tpu.vector_store %arg12[%swap3A_46], %swap3A_49 {strides = array<i32>} : memref<128xi32, #tpu.memory_space<vmem>>, vector<16xi32>,
    %get3A_50 = arith.constant 80 : index
    %get3A_51 = tpu.vector_load %arg10[%get3A_50] {strides = array<i32>} : memref<128xi32, #tpu.memory_space<vmem>>, vector<16xi32>,
    %get3A_52 = vector.shape_cast %get3A_51 : vector<16xi32> to vector<16xi32>
    %shift_right_arithmetic3A_53 = arith.constant 7 : i32
    %shift_right_arithmetic3A_54 = vector.broadcast %shift_right_arithmetic3A_53 : i32 to vector<16xi32>
    %shift_right_arithmetic3A_55 = arith.shrsi %get3A_52, %shift_right_arithmetic3A_54 : vector<16xi32>
    %swap3A_56 = arith.constant 80 : index
    %swap3A_57 = tpu.vector_load %arg12[%swap3A_56] {strides = array<i32>} : memref<128xi32, #tpu.memory_space<vmem>>, vector<16xi32>,
    %swap3A_58 = vector.shape_cast %swap3A_57 : vector<16xi32> to vector<16xi32>
    %swap3A_59 = vector.shape_cast %shift_right_arithmetic3A_55 : vector<16xi32> to vector<16xi32>
    tpu.vector_store %arg12[%swap3A_56], %swap3A_59 {strides = array<i32>} : memref<128xi32, #tpu.memory_space<vmem>>, vector<16xi32>,
    %get3A_60 = arith.constant 96 : index
    %get3A_61 = tpu.vector_load %arg10[%get3A_60] {strides = array<i32>} : memref<128xi32, #tpu.memory_space<vmem>>, vector<16xi32>,
    %get3A_62 = vector.shape_cast %get3A_61 : vector<16xi32> to vector<16xi32>
    %shift_right_arithmetic3A_63 = arith.constant 7 : i32
    %shift_right_arithmetic3A_64 = vector.broadcast %shift_right_arithmetic3A_63 : i32 to vector<16xi32>
    %shift_right_arithmetic3A_65 = arith.shrsi %get3A_62, %shift_right_arithmetic3A_64 : vector<16xi32>
    %swap3A_66 = arith.constant 96 : index
    %swap3A_67 = tpu.vector_load %arg12[%swap3A_66] {strides = array<i32>} : memref<128xi32, #tpu.memory_space<vmem>>, vector<16xi32>,
    %swap3A_68 = vector.shape_cast %swap3A_67 : vector<16xi32> to vector<16xi32>
    %swap3A_69 = vector.shape_cast %shift_right_arithmetic3A_65 : vector<16xi32> to vector<16xi32>
    tpu.vector_store %arg12[%swap3A_66], %swap3A_69 {strides = array<i32>} : memref<128xi32, #tpu.memory_space<vmem>>, vector<16xi32>,
    %get3A_70 = arith.constant 112 : index
    %get3A_71 = tpu.vector_load %arg10[%get3A_70] {strides = array<i32>} : memref<128xi32, #tpu.memory_space<vmem>>, vector<16xi32>,
    %get3A_72 = vector.shape_cast %get3A_71 : vector<16xi32> to vector<16xi32>
    %shift_right_arithmetic3A_73 = arith.constant 7 : i32
    %shift_right_arithmetic3A_74 = vector.broadcast %shift_right_arithmetic3A_73 : i32 to vector<16xi32>
    %shift_right_arithmetic3A_75 = arith.shrsi %get3A_72, %shift_right_arithmetic3A_74 : vector<16xi32>
    %swap3A_76 = arith.constant 112 : index
    %swap3A_77 = tpu.vector_load %arg12[%swap3A_76] {strides = array<i32>} : memref<128xi32, #tpu.memory_space<vmem>>, vector<16xi32>,
    %swap3A_78 = vector.shape_cast %swap3A_77 : vector<16xi32> to vector<16xi32>
    %swap3A_79 = vector.shape_cast %shift_right_arithmetic3A_75 : vector<16xi32> to vector<16xi32>
    tpu.vector_store %arg12[%swap3A_76], %swap3A_79 {strides = array<i32>} : memref<128xi32, #tpu.memory_space<vmem>>, vector<16xi32>,
    %dma_start3A = arith.constant 0 : i32
    %dma_start3A_80 = arith.constant 0 : i32
    %dma_start3A_81 = tpu.memref_slice %arg5[%dma_start3A, %dma_start3A_80] : memref<32x128xf32, #tpu.memory_space<hbm>> -> memref<32x128xf32, #tpu.memory_space<hbm>>
    tpu.enqueue_indirect_dma source(%dma_start3A_81 : memref<32x128xf32, #tpu.memory_space<hbm>>) target(%arg15 : memref<128x128xf32, #tpu.memory_space<vmem>>) offsets(%arg12 : memref<128xi32, #tpu.memory_space<vmem>>) semaphore(%arg16 : memref<!tpu.dma_semaphore, #tpu.memory_space<semaphore_mem>>)
    %dma_wait3A = arith.constant 0 : i32
    %dma_wait3A_82 = arith.constant 0 : i32
    %dma_wait3A_83 = tpu.memref_slice %arg5[%dma_wait3A, %dma_wait3A_82] : memref<32x128xf32, #tpu.memory_space<hbm>> -> memref<32x128xf32, #tpu.memory_space<hbm>>
    tpu.wait_indirect_dma semaphore(%arg16 : memref<!tpu.dma_semaphore, #tpu.memory_space<semaphore_mem>>) src(%dma_wait3A_83 : memref<32x128xf32, #tpu.memory_space<hbm>>) dst(%arg15 : memref<128x128xf32, #tpu.memory_space<vmem>>)
    "tpu.region"() ({
      %run_scoped3A = tpu.sem_alloc : memref<!tpu.dma_semaphore, #tpu.memory_space<semaphore_mem>>
      %dma_start3A_490 = arith.constant 0 : i32
      %dma_start3A_491 = tpu.memref_slice %arg8[%mul3A_2, %dma_start3A_490] : memref<4096x128xf32, #tpu.memory_space<hbm>> -> memref<128x128xf32, #tpu.memory_space<hbm>>
      %dma_start3A_492 = arith.constant 0 : i32
      %dma_start3A_493 = tpu.memref_slice %arg8[%mul3A_2, %dma_start3A_492] : memref<4096x128xf32, #tpu.memory_space<hbm>> -> memref<128x128xf32, #tpu.memory_space<hbm>>
      tpu.enqueue_dma source(%arg15 : memref<128x128xf32, #tpu.memory_space<vmem>>) target(%dma_start3A_493 : memref<128x128xf32, #tpu.memory_space<hbm>>) target_semaphore(%run_scoped3A : memref<!tpu.dma_semaphore, #tpu.memory_space<semaphore_mem>>)
      %dma_wait3A_494 = arith.constant 0 : i32
      %dma_wait3A_495 = tpu.memref_slice %arg8[%mul3A_2, %dma_wait3A_494] : memref<4096x128xf32, #tpu.memory_space<hbm>> -> memref<128x128xf32, #tpu.memory_space<hbm>>
      %dma_wait3A_496 = arith.constant 0 : i32
      %dma_wait3A_497 = tpu.memref_slice %arg8[%mul3A_2, %dma_wait3A_496] : memref<4096x128xf32, #tpu.memory_space<hbm>> -> memref<128x128xf32, #tpu.memory_space<hbm>>
      tpu.wait_dma2 semaphore(%run_scoped3A : memref<!tpu.dma_semaphore, #tpu.memory_space<semaphore_mem>>) src(%arg15 : memref<128x128xf32, #tpu.memory_space<vmem>>) dst(%dma_wait3A_497 : memref<128x128xf32, #tpu.memory_space<hbm>>)
      tpu.yield
    }) : () -> ()
    %get3A_84 = arith.constant 0 : index
    %get3A_85 = tpu.vector_load %arg11[%get3A_84] {strides = array<i32>} : memref<128xi32, #tpu.memory_space<vmem>>, vector<16xi32>,
    %get3A_86 = vector.shape_cast %get3A_85 : vector<16xi32> to vector<16xi32>
    %shift_right_arithmetic3A_87 = arith.constant 7 : i32
    %shift_right_arithmetic3A_88 = vector.broadcast %shift_right_arithmetic3A_87 : i32 to vector<16xi32>
    %shift_right_arithmetic3A_89 = arith.shrsi %get3A_86, %shift_right_arithmetic3A_88 : vector<16xi32>
    %swap3A_90 = arith.constant 0 : index
    %swap3A_91 = tpu.vector_load %arg12[%swap3A_90] {strides = array<i32>} : memref<128xi32, #tpu.memory_space<vmem>>, vector<16xi32>,
    %swap3A_92 = vector.shape_cast %swap3A_91 : vector<16xi32> to vector<16xi32>
    %swap3A_93 = vector.shape_cast %shift_right_arithmetic3A_89 : vector<16xi32> to vector<16xi32>
    tpu.vector_store %arg12[%swap3A_90], %swap3A_93 {strides = array<i32>} : memref<128xi32, #tpu.memory_space<vmem>>, vector<16xi32>,
    %get3A_94 = arith.constant 16 : index
    %get3A_95 = tpu.vector_load %arg11[%get3A_94] {strides = array<i32>} : memref<128xi32, #tpu.memory_space<vmem>>, vector<16xi32>,
    %get3A_96 = vector.shape_cast %get3A_95 : vector<16xi32> to vector<16xi32>
    %shift_right_arithmetic3A_97 = arith.constant 7 : i32
    %shift_right_arithmetic3A_98 = vector.broadcast %shift_right_arithmetic3A_97 : i32 to vector<16xi32>
    %shift_right_arithmetic3A_99 = arith.shrsi %get3A_96, %shift_right_arithmetic3A_98 : vector<16xi32>
    %swap3A_100 = arith.constant 16 : index
    %swap3A_101 = tpu.vector_load %arg12[%swap3A_100] {strides = array<i32>} : memref<128xi32, #tpu.memory_space<vmem>>, vector<16xi32>,
    %swap3A_102 = vector.shape_cast %swap3A_101 : vector<16xi32> to vector<16xi32>
    %swap3A_103 = vector.shape_cast %shift_right_arithmetic3A_99 : vector<16xi32> to vector<16xi32>
    tpu.vector_store %arg12[%swap3A_100], %swap3A_103 {strides = array<i32>} : memref<128xi32, #tpu.memory_space<vmem>>, vector<16xi32>,
    %get3A_104 = arith.constant 32 : index
    %get3A_105 = tpu.vector_load %arg11[%get3A_104] {strides = array<i32>} : memref<128xi32, #tpu.memory_space<vmem>>, vector<16xi32>,
    %get3A_106 = vector.shape_cast %get3A_105 : vector<16xi32> to vector<16xi32>
    %shift_right_arithmetic3A_107 = arith.constant 7 : i32
    %shift_right_arithmetic3A_108 = vector.broadcast %shift_right_arithmetic3A_107 : i32 to vector<16xi32>
    %shift_right_arithmetic3A_109 = arith.shrsi %get3A_106, %shift_right_arithmetic3A_108 : vector<16xi32>
    %swap3A_110 = arith.constant 32 : index
    %swap3A_111 = tpu.vector_load %arg12[%swap3A_110] {strides = array<i32>} : memref<128xi32, #tpu.memory_space<vmem>>, vector<16xi32>,
    %swap3A_112 = vector.shape_cast %swap3A_111 : vector<16xi32> to vector<16xi32>
    %swap3A_113 = vector.shape_cast %shift_right_arithmetic3A_109 : vector<16xi32> to vector<16xi32>
    tpu.vector_store %arg12[%swap3A_110], %swap3A_113 {strides = array<i32>} : memref<128xi32, #tpu.memory_space<vmem>>, vector<16xi32>,
    %get3A_114 = arith.constant 48 : index
    %get3A_115 = tpu.vector_load %arg11[%get3A_114] {strides = array<i32>} : memref<128xi32, #tpu.memory_space<vmem>>, vector<16xi32>,
    %get3A_116 = vector.shape_cast %get3A_115 : vector<16xi32> to vector<16xi32>
    %shift_right_arithmetic3A_117 = arith.constant 7 : i32
    %shift_right_arithmetic3A_118 = vector.broadcast %shift_right_arithmetic3A_117 : i32 to vector<16xi32>
    %shift_right_arithmetic3A_119 = arith.shrsi %get3A_116, %shift_right_arithmetic3A_118 : vector<16xi32>
    %swap3A_120 = arith.constant 48 : index
    %swap3A_121 = tpu.vector_load %arg12[%swap3A_120] {strides = array<i32>} : memref<128xi32, #tpu.memory_space<vmem>>, vector<16xi32>,
    %swap3A_122 = vector.shape_cast %swap3A_121 : vector<16xi32> to vector<16xi32>
    %swap3A_123 = vector.shape_cast %shift_right_arithmetic3A_119 : vector<16xi32> to vector<16xi32>
    tpu.vector_store %arg12[%swap3A_120], %swap3A_123 {strides = array<i32>} : memref<128xi32, #tpu.memory_space<vmem>>, vector<16xi32>,
    %get3A_124 = arith.constant 64 : index
    %get3A_125 = tpu.vector_load %arg11[%get3A_124] {strides = array<i32>} : memref<128xi32, #tpu.memory_space<vmem>>, vector<16xi32>,
    %get3A_126 = vector.shape_cast %get3A_125 : vector<16xi32> to vector<16xi32>
    %shift_right_arithmetic3A_127 = arith.constant 7 : i32
    %shift_right_arithmetic3A_128 = vector.broadcast %shift_right_arithmetic3A_127 : i32 to vector<16xi32>
    %shift_right_arithmetic3A_129 = arith.shrsi %get3A_126, %shift_right_arithmetic3A_128 : vector<16xi32>
    %swap3A_130 = arith.constant 64 : index
    %swap3A_131 = tpu.vector_load %arg12[%swap3A_130] {strides = array<i32>} : memref<128xi32, #tpu.memory_space<vmem>>, vector<16xi32>,
    %swap3A_132 = vector.shape_cast %swap3A_131 : vector<16xi32> to vector<16xi32>
    %swap3A_133 = vector.shape_cast %shift_right_arithmetic3A_129 : vector<16xi32> to vector<16xi32>
    tpu.vector_store %arg12[%swap3A_130], %swap3A_133 {strides = array<i32>} : memref<128xi32, #tpu.memory_space<vmem>>, vector<16xi32>,
    %get3A_134 = arith.constant 80 : index
    %get3A_135 = tpu.vector_load %arg11[%get3A_134] {strides = array<i32>} : memref<128xi32, #tpu.memory_space<vmem>>, vector<16xi32>,
    %get3A_136 = vector.shape_cast %get3A_135 : vector<16xi32> to vector<16xi32>
    %shift_right_arithmetic3A_137 = arith.constant 7 : i32
    %shift_right_arithmetic3A_138 = vector.broadcast %shift_right_arithmetic3A_137 : i32 to vector<16xi32>
    %shift_right_arithmetic3A_139 = arith.shrsi %get3A_136, %shift_right_arithmetic3A_138 : vector<16xi32>
    %swap3A_140 = arith.constant 80 : index
    %swap3A_141 = tpu.vector_load %arg12[%swap3A_140] {strides = array<i32>} : memref<128xi32, #tpu.memory_space<vmem>>, vector<16xi32>,
    %swap3A_142 = vector.shape_cast %swap3A_141 : vector<16xi32> to vector<16xi32>
    %swap3A_143 = vector.shape_cast %shift_right_arithmetic3A_139 : vector<16xi32> to vector<16xi32>
    tpu.vector_store %arg12[%swap3A_140], %swap3A_143 {strides = array<i32>} : memref<128xi32, #tpu.memory_space<vmem>>, vector<16xi32>,
    %get3A_144 = arith.constant 96 : index
    %get3A_145 = tpu.vector_load %arg11[%get3A_144] {strides = array<i32>} : memref<128xi32, #tpu.memory_space<vmem>>, vector<16xi32>,
    %get3A_146 = vector.shape_cast %get3A_145 : vector<16xi32> to vector<16xi32>
    %shift_right_arithmetic3A_147 = arith.constant 7 : i32
    %shift_right_arithmetic3A_148 = vector.broadcast %shift_right_arithmetic3A_147 : i32 to vector<16xi32>
    %shift_right_arithmetic3A_149 = arith.shrsi %get3A_146, %shift_right_arithmetic3A_148 : vector<16xi32>
    %swap3A_150 = arith.constant 96 : index
    %swap3A_151 = tpu.vector_load %arg12[%swap3A_150] {strides = array<i32>} : memref<128xi32, #tpu.memory_space<vmem>>, vector<16xi32>,
    %swap3A_152 = vector.shape_cast %swap3A_151 : vector<16xi32> to vector<16xi32>
    %swap3A_153 = vector.shape_cast %shift_right_arithmetic3A_149 : vector<16xi32> to vector<16xi32>
    tpu.vector_store %arg12[%swap3A_150], %swap3A_153 {strides = array<i32>} : memref<128xi32, #tpu.memory_space<vmem>>, vector<16xi32>,
    %get3A_154 = arith.constant 112 : index
    %get3A_155 = tpu.vector_load %arg11[%get3A_154] {strides = array<i32>} : memref<128xi32, #tpu.memory_space<vmem>>, vector<16xi32>,
    %get3A_156 = vector.shape_cast %get3A_155 : vector<16xi32> to vector<16xi32>
    %shift_right_arithmetic3A_157 = arith.constant 7 : i32
    %shift_right_arithmetic3A_158 = vector.broadcast %shift_right_arithmetic3A_157 : i32 to vector<16xi32>
    %shift_right_arithmetic3A_159 = arith.shrsi %get3A_156, %shift_right_arithmetic3A_158 : vector<16xi32>
    %swap3A_160 = arith.constant 112 : index
    %swap3A_161 = tpu.vector_load %arg12[%swap3A_160] {strides = array<i32>} : memref<128xi32, #tpu.memory_space<vmem>>, vector<16xi32>,
    %swap3A_162 = vector.shape_cast %swap3A_161 : vector<16xi32> to vector<16xi32>
    %swap3A_163 = vector.shape_cast %shift_right_arithmetic3A_159 : vector<16xi32> to vector<16xi32>
    tpu.vector_store %arg12[%swap3A_160], %swap3A_163 {strides = array<i32>} : memref<128xi32, #tpu.memory_space<vmem>>, vector<16xi32>,
    %dma_start3A_164 = arith.constant 0 : i32
    %dma_start3A_165 = arith.constant 0 : i32
    %dma_start3A_166 = tpu.memref_slice %arg6[%dma_start3A_164, %dma_start3A_165] : memref<128x128xf32, #tpu.memory_space<hbm>> -> memref<128x128xf32, #tpu.memory_space<hbm>>
    tpu.enqueue_indirect_dma source(%dma_start3A_166 : memref<128x128xf32, #tpu.memory_space<hbm>>) target(%arg15 : memref<128x128xf32, #tpu.memory_space<vmem>>) offsets(%arg12 : memref<128xi32, #tpu.memory_space<vmem>>) semaphore(%arg16 : memref<!tpu.dma_semaphore, #tpu.memory_space<semaphore_mem>>)
    %dma_wait3A_167 = arith.constant 0 : i32
    %dma_wait3A_168 = arith.constant 0 : i32
    %dma_wait3A_169 = tpu.memref_slice %arg6[%dma_wait3A_167, %dma_wait3A_168] : memref<128x128xf32, #tpu.memory_space<hbm>> -> memref<128x128xf32, #tpu.memory_space<hbm>>
    tpu.wait_indirect_dma semaphore(%arg16 : memref<!tpu.dma_semaphore, #tpu.memory_space<semaphore_mem>>) src(%dma_wait3A_169 : memref<128x128xf32, #tpu.memory_space<hbm>>) dst(%arg15 : memref<128x128xf32, #tpu.memory_space<vmem>>)
    "tpu.region"() ({
      %run_scoped3A = tpu.sem_alloc : memref<!tpu.dma_semaphore, #tpu.memory_space<semaphore_mem>>
      %dma_start3A_490 = arith.constant 0 : i32
      %dma_start3A_491 = tpu.memref_slice %arg9[%mul3A_2, %dma_start3A_490] : memref<4096x128xf32, #tpu.memory_space<hbm>> -> memref<128x128xf32, #tpu.memory_space<hbm>>
      %dma_start3A_492 = arith.constant 0 : i32
      %dma_start3A_493 = tpu.memref_slice %arg9[%mul3A_2, %dma_start3A_492] : memref<4096x128xf32, #tpu.memory_space<hbm>> -> memref<128x128xf32, #tpu.memory_space<hbm>>
      tpu.enqueue_dma source(%arg15 : memref<128x128xf32, #tpu.memory_space<vmem>>) target(%dma_start3A_493 : memref<128x128xf32, #tpu.memory_space<hbm>>) target_semaphore(%run_scoped3A : memref<!tpu.dma_semaphore, #tpu.memory_space<semaphore_mem>>)
      %dma_wait3A_494 = arith.constant 0 : i32
      %dma_wait3A_495 = tpu.memref_slice %arg9[%mul3A_2, %dma_wait3A_494] : memref<4096x128xf32, #tpu.memory_space<hbm>> -> memref<128x128xf32, #tpu.memory_space<hbm>>
      %dma_wait3A_496 = arith.constant 0 : i32
      %dma_wait3A_497 = tpu.memref_slice %arg9[%mul3A_2, %dma_wait3A_496] : memref<4096x128xf32, #tpu.memory_space<hbm>> -> memref<128x128xf32, #tpu.memory_space<hbm>>
      tpu.wait_dma2 semaphore(%run_scoped3A : memref<!tpu.dma_semaphore, #tpu.memory_space<semaphore_mem>>) src(%arg15 : memref<128x128xf32, #tpu.memory_space<vmem>>) dst(%dma_wait3A_497 : memref<128x128xf32, #tpu.memory_space<hbm>>)
      tpu.yield
    }) : () -> ()
    %dma_start3A_170 = arith.constant 0 : i32
    %dma_start3A_171 = tpu.memref_slice %arg10[%dma_start3A_170] : memref<128xi32, #tpu.memory_space<vmem>> -> memref<8xi32, #tpu.memory_space<vmem>>
    %dma_start3A_172 = arith.constant 0 : i32
    %dma_start3A_173 = arith.constant 0 : i32
    %dma_start3A_174 = tpu.memref_slice %arg2[%dma_start3A_172, %dma_start3A_173] : memref<4096x4096xf32, #tpu.memory_space<hbm>> -> memref<4096x4096xf32, #tpu.memory_space<hbm>>
    tpu.enqueue_indirect_dma source(%dma_start3A_174 : memref<4096x4096xf32, #tpu.memory_space<hbm>>) target(%arg13 : memref<8x4096xf32, #tpu.memory_space<vmem>>) offsets(%dma_start3A_171 : memref<8xi32, #tpu.memory_space<vmem>>) semaphore(%arg16 : memref<!tpu.dma_semaphore, #tpu.memory_space<semaphore_mem>>)
    %dma_start3A_175 = arith.constant 8 : i32
    %dma_start3A_176 = tpu.memref_slice %arg10[%dma_start3A_175] : memref<128xi32, #tpu.memory_space<vmem>> -> memref<8xi32, #tpu.memory_space<vmem>>
    %dma_start3A_177 = arith.constant 0 : i32
    %dma_start3A_178 = arith.constant 0 : i32
    %dma_start3A_179 = tpu.memref_slice %arg2[%dma_start3A_177, %dma_start3A_178] : memref<4096x4096xf32, #tpu.memory_space<hbm>> -> memref<4096x4096xf32, #tpu.memory_space<hbm>>
    tpu.enqueue_indirect_dma source(%dma_start3A_179 : memref<4096x4096xf32, #tpu.memory_space<hbm>>) target(%arg14 : memref<8x4096xf32, #tpu.memory_space<vmem>>) offsets(%dma_start3A_176 : memref<8xi32, #tpu.memory_space<vmem>>) semaphore(%arg17 : memref<!tpu.dma_semaphore, #tpu.memory_space<semaphore_mem>>)
    %dma_wait3A_180 = arith.constant 0 : i32
    %dma_wait3A_181 = tpu.memref_slice %arg10[%dma_wait3A_180] : memref<128xi32, #tpu.memory_space<vmem>> -> memref<8xi32, #tpu.memory_space<vmem>>
    %dma_wait3A_182 = arith.constant 0 : i32
    %dma_wait3A_183 = arith.constant 0 : i32
    %dma_wait3A_184 = tpu.memref_slice %arg2[%dma_wait3A_182, %dma_wait3A_183] : memref<4096x4096xf32, #tpu.memory_space<hbm>> -> memref<4096x4096xf32, #tpu.memory_space<hbm>>
    tpu.wait_indirect_dma semaphore(%arg16 : memref<!tpu.dma_semaphore, #tpu.memory_space<semaphore_mem>>) src(%dma_wait3A_184 : memref<4096x4096xf32, #tpu.memory_space<hbm>>) dst(%arg13 : memref<8x4096xf32, #tpu.memory_space<vmem>>)
    %add3A_185 = arith.constant 0 : i32
    %add3A_186 = arith.addi %mul3A_2, %add3A_185 : i32
    %dma_start3A_187 = arith.constant 0 : i32
    %dma_start3A_188 = tpu.memref_slice %arg7[%add3A_186, %dma_start3A_187] : memref<4096x4096xf32, #tpu.memory_space<hbm>> -> memref<8x4096xf32, #tpu.memory_space<hbm>>
    %dma_start3A_189 = arith.constant 0 : i32
    %dma_start3A_190 = tpu.memref_slice %arg7[%add3A_186, %dma_start3A_189] : memref<4096x4096xf32, #tpu.memory_space<hbm>> -> memref<8x4096xf32, #tpu.memory_space<hbm>>
    tpu.enqueue_dma source(%arg13 : memref<8x4096xf32, #tpu.memory_space<vmem>>) target(%dma_start3A_190 : memref<8x4096xf32, #tpu.memory_space<hbm>>) target_semaphore(%arg18 : memref<!tpu.dma_semaphore, #tpu.memory_space<semaphore_mem>>)
    %dma_wait3A_191 = arith.constant 0 : i32
    %dma_wait3A_192 = tpu.memref_slice %arg7[%add3A_186, %dma_wait3A_191] : memref<4096x4096xf32, #tpu.memory_space<hbm>> -> memref<8x4096xf32, #tpu.memory_space<hbm>>
    %dma_wait3A_193 = arith.constant 0 : i32
    %dma_wait3A_194 = tpu.memref_slice %arg7[%add3A_186, %dma_wait3A_193] : memref<4096x4096xf32, #tpu.memory_space<hbm>> -> memref<8x4096xf32, #tpu.memory_space<hbm>>
    tpu.wait_dma2 semaphore(%arg18 : memref<!tpu.dma_semaphore, #tpu.memory_space<semaphore_mem>>) src(%arg13 : memref<8x4096xf32, #tpu.memory_space<vmem>>) dst(%dma_wait3A_194 : memref<8x4096xf32, #tpu.memory_space<hbm>>)
    %dma_start3A_195 = arith.constant 16 : i32
    %dma_start3A_196 = tpu.memref_slice %arg10[%dma_start3A_195] : memref<128xi32, #tpu.memory_space<vmem>> -> memref<8xi32, #tpu.memory_space<vmem>>
    %dma_start3A_197 = arith.constant 0 : i32
    %dma_start3A_198 = arith.constant 0 : i32
    %dma_start3A_199 = tpu.memref_slice %arg2[%dma_start3A_197, %dma_start3A_198] : memref<4096x4096xf32, #tpu.memory_space<hbm>> -> memref<4096x4096xf32, #tpu.memory_space<hbm>>
    tpu.enqueue_indirect_dma source(%dma_start3A_199 : memref<4096x4096xf32, #tpu.memory_space<hbm>>) target(%arg13 : memref<8x4096xf32, #tpu.memory_space<vmem>>) offsets(%dma_start3A_196 : memref<8xi32, #tpu.memory_space<vmem>>) semaphore(%arg16 : memref<!tpu.dma_semaphore, #tpu.memory_space<semaphore_mem>>)
    %dma_wait3A_200 = arith.constant 8 : i32
    %dma_wait3A_201 = tpu.memref_slice %arg10[%dma_wait3A_200] : memref<128xi32, #tpu.memory_space<vmem>> -> memref<8xi32, #tpu.memory_space<vmem>>
    %dma_wait3A_202 = arith.constant 0 : i32
    %dma_wait3A_203 = arith.constant 0 : i32
    %dma_wait3A_204 = tpu.memref_slice %arg2[%dma_wait3A_202, %dma_wait3A_203] : memref<4096x4096xf32, #tpu.memory_space<hbm>> -> memref<4096x4096xf32, #tpu.memory_space<hbm>>
    tpu.wait_indirect_dma semaphore(%arg17 : memref<!tpu.dma_semaphore, #tpu.memory_space<semaphore_mem>>) src(%dma_wait3A_204 : memref<4096x4096xf32, #tpu.memory_space<hbm>>) dst(%arg14 : memref<8x4096xf32, #tpu.memory_space<vmem>>)
    %add3A_205 = arith.constant 8 : i32
    %add3A_206 = arith.addi %mul3A_2, %add3A_205 : i32
    %dma_start3A_207 = arith.constant 0 : i32
    %dma_start3A_208 = tpu.memref_slice %arg7[%add3A_206, %dma_start3A_207] : memref<4096x4096xf32, #tpu.memory_space<hbm>> -> memref<8x4096xf32, #tpu.memory_space<hbm>>
    %dma_start3A_209 = arith.constant 0 : i32
    %dma_start3A_210 = tpu.memref_slice %arg7[%add3A_206, %dma_start3A_209] : memref<4096x4096xf32, #tpu.memory_space<hbm>> -> memref<8x4096xf32, #tpu.memory_space<hbm>>
    tpu.enqueue_dma source(%arg14 : memref<8x4096xf32, #tpu.memory_space<vmem>>) target(%dma_start3A_210 : memref<8x4096xf32, #tpu.memory_space<hbm>>) target_semaphore(%arg19 : memref<!tpu.dma_semaphore, #tpu.memory_space<semaphore_mem>>)
    %dma_wait3A_211 = arith.constant 0 : i32
    %dma_wait3A_212 = tpu.memref_slice %arg7[%add3A_206, %dma_wait3A_211] : memref<4096x4096xf32, #tpu.memory_space<hbm>> -> memref<8x4096xf32, #tpu.memory_space<hbm>>
    %dma_wait3A_213 = arith.constant 0 : i32
    %dma_wait3A_214 = tpu.memref_slice %arg7[%add3A_206, %dma_wait3A_213] : memref<4096x4096xf32, #tpu.memory_space<hbm>> -> memref<8x4096xf32, #tpu.memory_space<hbm>>
    tpu.wait_dma2 semaphore(%arg19 : memref<!tpu.dma_semaphore, #tpu.memory_space<semaphore_mem>>) src(%arg14 : memref<8x4096xf32, #tpu.memory_space<vmem>>) dst(%dma_wait3A_214 : memref<8x4096xf32, #tpu.memory_space<hbm>>)
    %dma_start3A_215 = arith.constant 24 : i32
    %dma_start3A_216 = tpu.memref_slice %arg10[%dma_start3A_215] : memref<128xi32, #tpu.memory_space<vmem>> -> memref<8xi32, #tpu.memory_space<vmem>>
    %dma_start3A_217 = arith.constant 0 : i32
    %dma_start3A_218 = arith.constant 0 : i32
    %dma_start3A_219 = tpu.memref_slice %arg2[%dma_start3A_217, %dma_start3A_218] : memref<4096x4096xf32, #tpu.memory_space<hbm>> -> memref<4096x4096xf32, #tpu.memory_space<hbm>>
    tpu.enqueue_indirect_dma source(%dma_start3A_219 : memref<4096x4096xf32, #tpu.memory_space<hbm>>) target(%arg14 : memref<8x4096xf32, #tpu.memory_space<vmem>>) offsets(%dma_start3A_216 : memref<8xi32, #tpu.memory_space<vmem>>) semaphore(%arg17 : memref<!tpu.dma_semaphore, #tpu.memory_space<semaphore_mem>>)
    %dma_wait3A_220 = arith.constant 16 : i32
    %dma_wait3A_221 = tpu.memref_slice %arg10[%dma_wait3A_220] : memref<128xi32, #tpu.memory_space<vmem>> -> memref<8xi32, #tpu.memory_space<vmem>>
    %dma_wait3A_222 = arith.constant 0 : i32
    %dma_wait3A_223 = arith.constant 0 : i32
    %dma_wait3A_224 = tpu.memref_slice %arg2[%dma_wait3A_222, %dma_wait3A_223] : memref<4096x4096xf32, #tpu.memory_space<hbm>> -> memref<4096x4096xf32, #tpu.memory_space<hbm>>
    tpu.wait_indirect_dma semaphore(%arg16 : memref<!tpu.dma_semaphore, #tpu.memory_space<semaphore_mem>>) src(%dma_wait3A_224 : memref<4096x4096xf32, #tpu.memory_space<hbm>>) dst(%arg13 : memref<8x4096xf32, #tpu.memory_space<vmem>>)
    %add3A_225 = arith.constant 16 : i32
    %add3A_226 = arith.addi %mul3A_2, %add3A_225 : i32
    %dma_start3A_227 = arith.constant 0 : i32
    %dma_start3A_228 = tpu.memref_slice %arg7[%add3A_226, %dma_start3A_227] : memref<4096x4096xf32, #tpu.memory_space<hbm>> -> memref<8x4096xf32, #tpu.memory_space<hbm>>
    %dma_start3A_229 = arith.constant 0 : i32
    %dma_start3A_230 = tpu.memref_slice %arg7[%add3A_226, %dma_start3A_229] : memref<4096x4096xf32, #tpu.memory_space<hbm>> -> memref<8x4096xf32, #tpu.memory_space<hbm>>
    tpu.enqueue_dma source(%arg13 : memref<8x4096xf32, #tpu.memory_space<vmem>>) target(%dma_start3A_230 : memref<8x4096xf32, #tpu.memory_space<hbm>>) target_semaphore(%arg18 : memref<!tpu.dma_semaphore, #tpu.memory_space<semaphore_mem>>)
    %dma_wait3A_231 = arith.constant 0 : i32
    %dma_wait3A_232 = tpu.memref_slice %arg7[%add3A_226, %dma_wait3A_231] : memref<4096x4096xf32, #tpu.memory_space<hbm>> -> memref<8x4096xf32, #tpu.memory_space<hbm>>
    %dma_wait3A_233 = arith.constant 0 : i32
    %dma_wait3A_234 = tpu.memref_slice %arg7[%add3A_226, %dma_wait3A_233] : memref<4096x4096xf32, #tpu.memory_space<hbm>> -> memref<8x4096xf32, #tpu.memory_space<hbm>>
    tpu.wait_dma2 semaphore(%arg18 : memref<!tpu.dma_semaphore, #tpu.memory_space<semaphore_mem>>) src(%arg13 : memref<8x4096xf32, #tpu.memory_space<vmem>>) dst(%dma_wait3A_234 : memref<8x4096xf32, #tpu.memory_space<hbm>>)
    %dma_start3A_235 = arith.constant 32 : i32
    %dma_start3A_236 = tpu.memref_slice %arg10[%dma_start3A_235] : memref<128xi32, #tpu.memory_space<vmem>> -> memref<8xi32, #tpu.memory_space<vmem>>
    %dma_start3A_237 = arith.constant 0 : i32
    %dma_start3A_238 = arith.constant 0 : i32
    %dma_start3A_239 = tpu.memref_slice %arg2[%dma_start3A_237, %dma_start3A_238] : memref<4096x4096xf32, #tpu.memory_space<hbm>> -> memref<4096x4096xf32, #tpu.memory_space<hbm>>
    tpu.enqueue_indirect_dma source(%dma_start3A_239 : memref<4096x4096xf32, #tpu.memory_space<hbm>>) target(%arg13 : memref<8x4096xf32, #tpu.memory_space<vmem>>) offsets(%dma_start3A_236 : memref<8xi32, #tpu.memory_space<vmem>>) semaphore(%arg16 : memref<!tpu.dma_semaphore, #tpu.memory_space<semaphore_mem>>)
    %dma_wait3A_240 = arith.constant 24 : i32
    %dma_wait3A_241 = tpu.memref_slice %arg10[%dma_wait3A_240] : memref<128xi32, #tpu.memory_space<vmem>> -> memref<8xi32, #tpu.memory_space<vmem>>
    %dma_wait3A_242 = arith.constant 0 : i32
    %dma_wait3A_243 = arith.constant 0 : i32
    %dma_wait3A_244 = tpu.memref_slice %arg2[%dma_wait3A_242, %dma_wait3A_243] : memref<4096x4096xf32, #tpu.memory_space<hbm>> -> memref<4096x4096xf32, #tpu.memory_space<hbm>>
    tpu.wait_indirect_dma semaphore(%arg17 : memref<!tpu.dma_semaphore, #tpu.memory_space<semaphore_mem>>) src(%dma_wait3A_244 : memref<4096x4096xf32, #tpu.memory_space<hbm>>) dst(%arg14 : memref<8x4096xf32, #tpu.memory_space<vmem>>)
    %add3A_245 = arith.constant 24 : i32
    %add3A_246 = arith.addi %mul3A_2, %add3A_245 : i32
    %dma_start3A_247 = arith.constant 0 : i32
    %dma_start3A_248 = tpu.memref_slice %arg7[%add3A_246, %dma_start3A_247] : memref<4096x4096xf32, #tpu.memory_space<hbm>> -> memref<8x4096xf32, #tpu.memory_space<hbm>>
    %dma_start3A_249 = arith.constant 0 : i32
    %dma_start3A_250 = tpu.memref_slice %arg7[%add3A_246, %dma_start3A_249] : memref<4096x4096xf32, #tpu.memory_space<hbm>> -> memref<8x4096xf32, #tpu.memory_space<hbm>>
    tpu.enqueue_dma source(%arg14 : memref<8x4096xf32, #tpu.memory_space<vmem>>) target(%dma_start3A_250 : memref<8x4096xf32, #tpu.memory_space<hbm>>) target_semaphore(%arg19 : memref<!tpu.dma_semaphore, #tpu.memory_space<semaphore_mem>>)
    %dma_wait3A_251 = arith.constant 0 : i32
    %dma_wait3A_252 = tpu.memref_slice %arg7[%add3A_246, %dma_wait3A_251] : memref<4096x4096xf32, #tpu.memory_space<hbm>> -> memref<8x4096xf32, #tpu.memory_space<hbm>>
    %dma_wait3A_253 = arith.constant 0 : i32
    %dma_wait3A_254 = tpu.memref_slice %arg7[%add3A_246, %dma_wait3A_253] : memref<4096x4096xf32, #tpu.memory_space<hbm>> -> memref<8x4096xf32, #tpu.memory_space<hbm>>
    tpu.wait_dma2 semaphore(%arg19 : memref<!tpu.dma_semaphore, #tpu.memory_space<semaphore_mem>>) src(%arg14 : memref<8x4096xf32, #tpu.memory_space<vmem>>) dst(%dma_wait3A_254 : memref<8x4096xf32, #tpu.memory_space<hbm>>)
    %dma_start3A_255 = arith.constant 40 : i32
    %dma_start3A_256 = tpu.memref_slice %arg10[%dma_start3A_255] : memref<128xi32, #tpu.memory_space<vmem>> -> memref<8xi32, #tpu.memory_space<vmem>>
    %dma_start3A_257 = arith.constant 0 : i32
    %dma_start3A_258 = arith.constant 0 : i32
    %dma_start3A_259 = tpu.memref_slice %arg2[%dma_start3A_257, %dma_start3A_258] : memref<4096x4096xf32, #tpu.memory_space<hbm>> -> memref<4096x4096xf32, #tpu.memory_space<hbm>>
    tpu.enqueue_indirect_dma source(%dma_start3A_259 : memref<4096x4096xf32, #tpu.memory_space<hbm>>) target(%arg14 : memref<8x4096xf32, #tpu.memory_space<vmem>>) offsets(%dma_start3A_256 : memref<8xi32, #tpu.memory_space<vmem>>) semaphore(%arg17 : memref<!tpu.dma_semaphore, #tpu.memory_space<semaphore_mem>>)
    %dma_wait3A_260 = arith.constant 32 : i32
    %dma_wait3A_261 = tpu.memref_slice %arg10[%dma_wait3A_260] : memref<128xi32, #tpu.memory_space<vmem>> -> memref<8xi32, #tpu.memory_space<vmem>>
    %dma_wait3A_262 = arith.constant 0 : i32
    %dma_wait3A_263 = arith.constant 0 : i32
    %dma_wait3A_264 = tpu.memref_slice %arg2[%dma_wait3A_262, %dma_wait3A_263] : memref<4096x4096xf32, #tpu.memory_space<hbm>> -> memref<4096x4096xf32, #tpu.memory_space<hbm>>
    tpu.wait_indirect_dma semaphore(%arg16 : memref<!tpu.dma_semaphore, #tpu.memory_space<semaphore_mem>>) src(%dma_wait3A_264 : memref<4096x4096xf32, #tpu.memory_space<hbm>>) dst(%arg13 : memref<8x4096xf32, #tpu.memory_space<vmem>>)
    %add3A_265 = arith.constant 32 : i32
    %add3A_266 = arith.addi %mul3A_2, %add3A_265 : i32
    %dma_start3A_267 = arith.constant 0 : i32
    %dma_start3A_268 = tpu.memref_slice %arg7[%add3A_266, %dma_start3A_267] : memref<4096x4096xf32, #tpu.memory_space<hbm>> -> memref<8x4096xf32, #tpu.memory_space<hbm>>
    %dma_start3A_269 = arith.constant 0 : i32
    %dma_start3A_270 = tpu.memref_slice %arg7[%add3A_266, %dma_start3A_269] : memref<4096x4096xf32, #tpu.memory_space<hbm>> -> memref<8x4096xf32, #tpu.memory_space<hbm>>
    tpu.enqueue_dma source(%arg13 : memref<8x4096xf32, #tpu.memory_space<vmem>>) target(%dma_start3A_270 : memref<8x4096xf32, #tpu.memory_space<hbm>>) target_semaphore(%arg18 : memref<!tpu.dma_semaphore, #tpu.memory_space<semaphore_mem>>)
    %dma_wait3A_271 = arith.constant 0 : i32
    %dma_wait3A_272 = tpu.memref_slice %arg7[%add3A_266, %dma_wait3A_271] : memref<4096x4096xf32, #tpu.memory_space<hbm>> -> memref<8x4096xf32, #tpu.memory_space<hbm>>
    %dma_wait3A_273 = arith.constant 0 : i32
    %dma_wait3A_274 = tpu.memref_slice %arg7[%add3A_266, %dma_wait3A_273] : memref<4096x4096xf32, #tpu.memory_space<hbm>> -> memref<8x4096xf32, #tpu.memory_space<hbm>>
    tpu.wait_dma2 semaphore(%arg18 : memref<!tpu.dma_semaphore, #tpu.memory_space<semaphore_mem>>) src(%arg13 : memref<8x4096xf32, #tpu.memory_space<vmem>>) dst(%dma_wait3A_274 : memref<8x4096xf32, #tpu.memory_space<hbm>>)
    %dma_start3A_275 = arith.constant 48 : i32
    %dma_start3A_276 = tpu.memref_slice %arg10[%dma_start3A_275] : memref<128xi32, #tpu.memory_space<vmem>> -> memref<8xi32, #tpu.memory_space<vmem>>
    %dma_start3A_277 = arith.constant 0 : i32
    %dma_start3A_278 = arith.constant 0 : i32
    %dma_start3A_279 = tpu.memref_slice %arg2[%dma_start3A_277, %dma_start3A_278] : memref<4096x4096xf32, #tpu.memory_space<hbm>> -> memref<4096x4096xf32, #tpu.memory_space<hbm>>
    tpu.enqueue_indirect_dma source(%dma_start3A_279 : memref<4096x4096xf32, #tpu.memory_space<hbm>>) target(%arg13 : memref<8x4096xf32, #tpu.memory_space<vmem>>) offsets(%dma_start3A_276 : memref<8xi32, #tpu.memory_space<vmem>>) semaphore(%arg16 : memref<!tpu.dma_semaphore, #tpu.memory_space<semaphore_mem>>)
    %dma_wait3A_280 = arith.constant 40 : i32
    %dma_wait3A_281 = tpu.memref_slice %arg10[%dma_wait3A_280] : memref<128xi32, #tpu.memory_space<vmem>> -> memref<8xi32, #tpu.memory_space<vmem>>
    %dma_wait3A_282 = arith.constant 0 : i32
    %dma_wait3A_283 = arith.constant 0 : i32
    %dma_wait3A_284 = tpu.memref_slice %arg2[%dma_wait3A_282, %dma_wait3A_283] : memref<4096x4096xf32, #tpu.memory_space<hbm>> -> memref<4096x4096xf32, #tpu.memory_space<hbm>>
    tpu.wait_indirect_dma semaphore(%arg17 : memref<!tpu.dma_semaphore, #tpu.memory_space<semaphore_mem>>) src(%dma_wait3A_284 : memref<4096x4096xf32, #tpu.memory_space<hbm>>) dst(%arg14 : memref<8x4096xf32, #tpu.memory_space<vmem>>)
    %add3A_285 = arith.constant 40 : i32
    %add3A_286 = arith.addi %mul3A_2, %add3A_285 : i32
    %dma_start3A_287 = arith.constant 0 : i32
    %dma_start3A_288 = tpu.memref_slice %arg7[%add3A_286, %dma_start3A_287] : memref<4096x4096xf32, #tpu.memory_space<hbm>> -> memref<8x4096xf32, #tpu.memory_space<hbm>>
    %dma_start3A_289 = arith.constant 0 : i32
    %dma_start3A_290 = tpu.memref_slice %arg7[%add3A_286, %dma_start3A_289] : memref<4096x4096xf32, #tpu.memory_space<hbm>> -> memref<8x4096xf32, #tpu.memory_space<hbm>>
    tpu.enqueue_dma source(%arg14 : memref<8x4096xf32, #tpu.memory_space<vmem>>) target(%dma_start3A_290 : memref<8x4096xf32, #tpu.memory_space<hbm>>) target_semaphore(%arg19 : memref<!tpu.dma_semaphore, #tpu.memory_space<semaphore_mem>>)
    %dma_wait3A_291 = arith.constant 0 : i32
    %dma_wait3A_292 = tpu.memref_slice %arg7[%add3A_286, %dma_wait3A_291] : memref<4096x4096xf32, #tpu.memory_space<hbm>> -> memref<8x4096xf32, #tpu.memory_space<hbm>>
    %dma_wait3A_293 = arith.constant 0 : i32
    %dma_wait3A_294 = tpu.memref_slice %arg7[%add3A_286, %dma_wait3A_293] : memref<4096x4096xf32, #tpu.memory_space<hbm>> -> memref<8x4096xf32, #tpu.memory_space<hbm>>
    tpu.wait_dma2 semaphore(%arg19 : memref<!tpu.dma_semaphore, #tpu.memory_space<semaphore_mem>>) src(%arg14 : memref<8x4096xf32, #tpu.memory_space<vmem>>) dst(%dma_wait3A_294 : memref<8x4096xf32, #tpu.memory_space<hbm>>)
    %dma_start3A_295 = arith.constant 56 : i32
    %dma_start3A_296 = tpu.memref_slice %arg10[%dma_start3A_295] : memref<128xi32, #tpu.memory_space<vmem>> -> memref<8xi32, #tpu.memory_space<vmem>>
    %dma_start3A_297 = arith.constant 0 : i32
    %dma_start3A_298 = arith.constant 0 : i32
    %dma_start3A_299 = tpu.memref_slice %arg2[%dma_start3A_297, %dma_start3A_298] : memref<4096x4096xf32, #tpu.memory_space<hbm>> -> memref<4096x4096xf32, #tpu.memory_space<hbm>>
    tpu.enqueue_indirect_dma source(%dma_start3A_299 : memref<4096x4096xf32, #tpu.memory_space<hbm>>) target(%arg14 : memref<8x4096xf32, #tpu.memory_space<vmem>>) offsets(%dma_start3A_296 : memref<8xi32, #tpu.memory_space<vmem>>) semaphore(%arg17 : memref<!tpu.dma_semaphore, #tpu.memory_space<semaphore_mem>>)
    %dma_wait3A_300 = arith.constant 48 : i32
    %dma_wait3A_301 = tpu.memref_slice %arg10[%dma_wait3A_300] : memref<128xi32, #tpu.memory_space<vmem>> -> memref<8xi32, #tpu.memory_space<vmem>>
    %dma_wait3A_302 = arith.constant 0 : i32
    %dma_wait3A_303 = arith.constant 0 : i32
    %dma_wait3A_304 = tpu.memref_slice %arg2[%dma_wait3A_302, %dma_wait3A_303] : memref<4096x4096xf32, #tpu.memory_space<hbm>> -> memref<4096x4096xf32, #tpu.memory_space<hbm>>
    tpu.wait_indirect_dma semaphore(%arg16 : memref<!tpu.dma_semaphore, #tpu.memory_space<semaphore_mem>>) src(%dma_wait3A_304 : memref<4096x4096xf32, #tpu.memory_space<hbm>>) dst(%arg13 : memref<8x4096xf32, #tpu.memory_space<vmem>>)
    %add3A_305 = arith.constant 48 : i32
    %add3A_306 = arith.addi %mul3A_2, %add3A_305 : i32
    %dma_start3A_307 = arith.constant 0 : i32
    %dma_start3A_308 = tpu.memref_slice %arg7[%add3A_306, %dma_start3A_307] : memref<4096x4096xf32, #tpu.memory_space<hbm>> -> memref<8x4096xf32, #tpu.memory_space<hbm>>
    %dma_start3A_309 = arith.constant 0 : i32
    %dma_start3A_310 = tpu.memref_slice %arg7[%add3A_306, %dma_start3A_309] : memref<4096x4096xf32, #tpu.memory_space<hbm>> -> memref<8x4096xf32, #tpu.memory_space<hbm>>
    tpu.enqueue_dma source(%arg13 : memref<8x4096xf32, #tpu.memory_space<vmem>>) target(%dma_start3A_310 : memref<8x4096xf32, #tpu.memory_space<hbm>>) target_semaphore(%arg18 : memref<!tpu.dma_semaphore, #tpu.memory_space<semaphore_mem>>)
    %dma_wait3A_311 = arith.constant 0 : i32
    %dma_wait3A_312 = tpu.memref_slice %arg7[%add3A_306, %dma_wait3A_311] : memref<4096x4096xf32, #tpu.memory_space<hbm>> -> memref<8x4096xf32, #tpu.memory_space<hbm>>
    %dma_wait3A_313 = arith.constant 0 : i32
    %dma_wait3A_314 = tpu.memref_slice %arg7[%add3A_306, %dma_wait3A_313] : memref<4096x4096xf32, #tpu.memory_space<hbm>> -> memref<8x4096xf32, #tpu.memory_space<hbm>>
    tpu.wait_dma2 semaphore(%arg18 : memref<!tpu.dma_semaphore, #tpu.memory_space<semaphore_mem>>) src(%arg13 : memref<8x4096xf32, #tpu.memory_space<vmem>>) dst(%dma_wait3A_314 : memref<8x4096xf32, #tpu.memory_space<hbm>>)
    %dma_start3A_315 = arith.constant 64 : i32
    %dma_start3A_316 = tpu.memref_slice %arg10[%dma_start3A_315] : memref<128xi32, #tpu.memory_space<vmem>> -> memref<8xi32, #tpu.memory_space<vmem>>
    %dma_start3A_317 = arith.constant 0 : i32
    %dma_start3A_318 = arith.constant 0 : i32
    %dma_start3A_319 = tpu.memref_slice %arg2[%dma_start3A_317, %dma_start3A_318] : memref<4096x4096xf32, #tpu.memory_space<hbm>> -> memref<4096x4096xf32, #tpu.memory_space<hbm>>
    tpu.enqueue_indirect_dma source(%dma_start3A_319 : memref<4096x4096xf32, #tpu.memory_space<hbm>>) target(%arg13 : memref<8x4096xf32, #tpu.memory_space<vmem>>) offsets(%dma_start3A_316 : memref<8xi32, #tpu.memory_space<vmem>>) semaphore(%arg16 : memref<!tpu.dma_semaphore, #tpu.memory_space<semaphore_mem>>)
    %dma_wait3A_320 = arith.constant 56 : i32
    %dma_wait3A_321 = tpu.memref_slice %arg10[%dma_wait3A_320] : memref<128xi32, #tpu.memory_space<vmem>> -> memref<8xi32, #tpu.memory_space<vmem>>
    %dma_wait3A_322 = arith.constant 0 : i32
    %dma_wait3A_323 = arith.constant 0 : i32
    %dma_wait3A_324 = tpu.memref_slice %arg2[%dma_wait3A_322, %dma_wait3A_323] : memref<4096x4096xf32, #tpu.memory_space<hbm>> -> memref<4096x4096xf32, #tpu.memory_space<hbm>>
    tpu.wait_indirect_dma semaphore(%arg17 : memref<!tpu.dma_semaphore, #tpu.memory_space<semaphore_mem>>) src(%dma_wait3A_324 : memref<4096x4096xf32, #tpu.memory_space<hbm>>) dst(%arg14 : memref<8x4096xf32, #tpu.memory_space<vmem>>)
    %add3A_325 = arith.constant 56 : i32
    %add3A_326 = arith.addi %mul3A_2, %add3A_325 : i32
    %dma_start3A_327 = arith.constant 0 : i32
    %dma_start3A_328 = tpu.memref_slice %arg7[%add3A_326, %dma_start3A_327] : memref<4096x4096xf32, #tpu.memory_space<hbm>> -> memref<8x4096xf32, #tpu.memory_space<hbm>>
    %dma_start3A_329 = arith.constant 0 : i32
    %dma_start3A_330 = tpu.memref_slice %arg7[%add3A_326, %dma_start3A_329] : memref<4096x4096xf32, #tpu.memory_space<hbm>> -> memref<8x4096xf32, #tpu.memory_space<hbm>>
    tpu.enqueue_dma source(%arg14 : memref<8x4096xf32, #tpu.memory_space<vmem>>) target(%dma_start3A_330 : memref<8x4096xf32, #tpu.memory_space<hbm>>) target_semaphore(%arg19 : memref<!tpu.dma_semaphore, #tpu.memory_space<semaphore_mem>>)
    %dma_wait3A_331 = arith.constant 0 : i32
    %dma_wait3A_332 = tpu.memref_slice %arg7[%add3A_326, %dma_wait3A_331] : memref<4096x4096xf32, #tpu.memory_space<hbm>> -> memref<8x4096xf32, #tpu.memory_space<hbm>>
    %dma_wait3A_333 = arith.constant 0 : i32
    %dma_wait3A_334 = tpu.memref_slice %arg7[%add3A_326, %dma_wait3A_333] : memref<4096x4096xf32, #tpu.memory_space<hbm>> -> memref<8x4096xf32, #tpu.memory_space<hbm>>
    tpu.wait_dma2 semaphore(%arg19 : memref<!tpu.dma_semaphore, #tpu.memory_space<semaphore_mem>>) src(%arg14 : memref<8x4096xf32, #tpu.memory_space<vmem>>) dst(%dma_wait3A_334 : memref<8x4096xf32, #tpu.memory_space<hbm>>)
    %dma_start3A_335 = arith.constant 72 : i32
    %dma_start3A_336 = tpu.memref_slice %arg10[%dma_start3A_335] : memref<128xi32, #tpu.memory_space<vmem>> -> memref<8xi32, #tpu.memory_space<vmem>>
    %dma_start3A_337 = arith.constant 0 : i32
    %dma_start3A_338 = arith.constant 0 : i32
    %dma_start3A_339 = tpu.memref_slice %arg2[%dma_start3A_337, %dma_start3A_338] : memref<4096x4096xf32, #tpu.memory_space<hbm>> -> memref<4096x4096xf32, #tpu.memory_space<hbm>>
    tpu.enqueue_indirect_dma source(%dma_start3A_339 : memref<4096x4096xf32, #tpu.memory_space<hbm>>) target(%arg14 : memref<8x4096xf32, #tpu.memory_space<vmem>>) offsets(%dma_start3A_336 : memref<8xi32, #tpu.memory_space<vmem>>) semaphore(%arg17 : memref<!tpu.dma_semaphore, #tpu.memory_space<semaphore_mem>>)
    %dma_wait3A_340 = arith.constant 64 : i32
    %dma_wait3A_341 = tpu.memref_slice %arg10[%dma_wait3A_340] : memref<128xi32, #tpu.memory_space<vmem>> -> memref<8xi32, #tpu.memory_space<vmem>>
    %dma_wait3A_342 = arith.constant 0 : i32
    %dma_wait3A_343 = arith.constant 0 : i32
    %dma_wait3A_344 = tpu.memref_slice %arg2[%dma_wait3A_342, %dma_wait3A_343] : memref<4096x4096xf32, #tpu.memory_space<hbm>> -> memref<4096x4096xf32, #tpu.memory_space<hbm>>
    tpu.wait_indirect_dma semaphore(%arg16 : memref<!tpu.dma_semaphore, #tpu.memory_space<semaphore_mem>>) src(%dma_wait3A_344 : memref<4096x4096xf32, #tpu.memory_space<hbm>>) dst(%arg13 : memref<8x4096xf32, #tpu.memory_space<vmem>>)
    %add3A_345 = arith.constant 64 : i32
    %add3A_346 = arith.addi %mul3A_2, %add3A_345 : i32
    %dma_start3A_347 = arith.constant 0 : i32
    %dma_start3A_348 = tpu.memref_slice %arg7[%add3A_346, %dma_start3A_347] : memref<4096x4096xf32, #tpu.memory_space<hbm>> -> memref<8x4096xf32, #tpu.memory_space<hbm>>
    %dma_start3A_349 = arith.constant 0 : i32
    %dma_start3A_350 = tpu.memref_slice %arg7[%add3A_346, %dma_start3A_349] : memref<4096x4096xf32, #tpu.memory_space<hbm>> -> memref<8x4096xf32, #tpu.memory_space<hbm>>
    tpu.enqueue_dma source(%arg13 : memref<8x4096xf32, #tpu.memory_space<vmem>>) target(%dma_start3A_350 : memref<8x4096xf32, #tpu.memory_space<hbm>>) target_semaphore(%arg18 : memref<!tpu.dma_semaphore, #tpu.memory_space<semaphore_mem>>)
    %dma_wait3A_351 = arith.constant 0 : i32
    %dma_wait3A_352 = tpu.memref_slice %arg7[%add3A_346, %dma_wait3A_351] : memref<4096x4096xf32, #tpu.memory_space<hbm>> -> memref<8x4096xf32, #tpu.memory_space<hbm>>
    %dma_wait3A_353 = arith.constant 0 : i32
    %dma_wait3A_354 = tpu.memref_slice %arg7[%add3A_346, %dma_wait3A_353] : memref<4096x4096xf32, #tpu.memory_space<hbm>> -> memref<8x4096xf32, #tpu.memory_space<hbm>>
    tpu.wait_dma2 semaphore(%arg18 : memref<!tpu.dma_semaphore, #tpu.memory_space<semaphore_mem>>) src(%arg13 : memref<8x4096xf32, #tpu.memory_space<vmem>>) dst(%dma_wait3A_354 : memref<8x4096xf32, #tpu.memory_space<hbm>>)
    %dma_start3A_355 = arith.constant 80 : i32
    %dma_start3A_356 = tpu.memref_slice %arg10[%dma_start3A_355] : memref<128xi32, #tpu.memory_space<vmem>> -> memref<8xi32, #tpu.memory_space<vmem>>
    %dma_start3A_357 = arith.constant 0 : i32
    %dma_start3A_358 = arith.constant 0 : i32
    %dma_start3A_359 = tpu.memref_slice %arg2[%dma_start3A_357, %dma_start3A_358] : memref<4096x4096xf32, #tpu.memory_space<hbm>> -> memref<4096x4096xf32, #tpu.memory_space<hbm>>
    tpu.enqueue_indirect_dma source(%dma_start3A_359 : memref<4096x4096xf32, #tpu.memory_space<hbm>>) target(%arg13 : memref<8x4096xf32, #tpu.memory_space<vmem>>) offsets(%dma_start3A_356 : memref<8xi32, #tpu.memory_space<vmem>>) semaphore(%arg16 : memref<!tpu.dma_semaphore, #tpu.memory_space<semaphore_mem>>)
    %dma_wait3A_360 = arith.constant 72 : i32
    %dma_wait3A_361 = tpu.memref_slice %arg10[%dma_wait3A_360] : memref<128xi32, #tpu.memory_space<vmem>> -> memref<8xi32, #tpu.memory_space<vmem>>
    %dma_wait3A_362 = arith.constant 0 : i32
    %dma_wait3A_363 = arith.constant 0 : i32
    %dma_wait3A_364 = tpu.memref_slice %arg2[%dma_wait3A_362, %dma_wait3A_363] : memref<4096x4096xf32, #tpu.memory_space<hbm>> -> memref<4096x4096xf32, #tpu.memory_space<hbm>>
    tpu.wait_indirect_dma semaphore(%arg17 : memref<!tpu.dma_semaphore, #tpu.memory_space<semaphore_mem>>) src(%dma_wait3A_364 : memref<4096x4096xf32, #tpu.memory_space<hbm>>) dst(%arg14 : memref<8x4096xf32, #tpu.memory_space<vmem>>)
    %add3A_365 = arith.constant 72 : i32
    %add3A_366 = arith.addi %mul3A_2, %add3A_365 : i32
    %dma_start3A_367 = arith.constant 0 : i32
    %dma_start3A_368 = tpu.memref_slice %arg7[%add3A_366, %dma_start3A_367] : memref<4096x4096xf32, #tpu.memory_space<hbm>> -> memref<8x4096xf32, #tpu.memory_space<hbm>>
    %dma_start3A_369 = arith.constant 0 : i32
    %dma_start3A_370 = tpu.memref_slice %arg7[%add3A_366, %dma_start3A_369] : memref<4096x4096xf32, #tpu.memory_space<hbm>> -> memref<8x4096xf32, #tpu.memory_space<hbm>>
    tpu.enqueue_dma source(%arg14 : memref<8x4096xf32, #tpu.memory_space<vmem>>) target(%dma_start3A_370 : memref<8x4096xf32, #tpu.memory_space<hbm>>) target_semaphore(%arg19 : memref<!tpu.dma_semaphore, #tpu.memory_space<semaphore_mem>>)
    %dma_wait3A_371 = arith.constant 0 : i32
    %dma_wait3A_372 = tpu.memref_slice %arg7[%add3A_366, %dma_wait3A_371] : memref<4096x4096xf32, #tpu.memory_space<hbm>> -> memref<8x4096xf32, #tpu.memory_space<hbm>>
    %dma_wait3A_373 = arith.constant 0 : i32
    %dma_wait3A_374 = tpu.memref_slice %arg7[%add3A_366, %dma_wait3A_373] : memref<4096x4096xf32, #tpu.memory_space<hbm>> -> memref<8x4096xf32, #tpu.memory_space<hbm>>
    tpu.wait_dma2 semaphore(%arg19 : memref<!tpu.dma_semaphore, #tpu.memory_space<semaphore_mem>>) src(%arg14 : memref<8x4096xf32, #tpu.memory_space<vmem>>) dst(%dma_wait3A_374 : memref<8x4096xf32, #tpu.memory_space<hbm>>)
    %dma_start3A_375 = arith.constant 88 : i32
    %dma_start3A_376 = tpu.memref_slice %arg10[%dma_start3A_375] : memref<128xi32, #tpu.memory_space<vmem>> -> memref<8xi32, #tpu.memory_space<vmem>>
    %dma_start3A_377 = arith.constant 0 : i32
    %dma_start3A_378 = arith.constant 0 : i32
    %dma_start3A_379 = tpu.memref_slice %arg2[%dma_start3A_377, %dma_start3A_378] : memref<4096x4096xf32, #tpu.memory_space<hbm>> -> memref<4096x4096xf32, #tpu.memory_space<hbm>>
    tpu.enqueue_indirect_dma source(%dma_start3A_379 : memref<4096x4096xf32, #tpu.memory_space<hbm>>) target(%arg14 : memref<8x4096xf32, #tpu.memory_space<vmem>>) offsets(%dma_start3A_376 : memref<8xi32, #tpu.memory_space<vmem>>) semaphore(%arg17 : memref<!tpu.dma_semaphore, #tpu.memory_space<semaphore_mem>>)
    %dma_wait3A_380 = arith.constant 80 : i32
    %dma_wait3A_381 = tpu.memref_slice %arg10[%dma_wait3A_380] : memref<128xi32, #tpu.memory_space<vmem>> -> memref<8xi32, #tpu.memory_space<vmem>>
    %dma_wait3A_382 = arith.constant 0 : i32
    %dma_wait3A_383 = arith.constant 0 : i32
    %dma_wait3A_384 = tpu.memref_slice %arg2[%dma_wait3A_382, %dma_wait3A_383] : memref<4096x4096xf32, #tpu.memory_space<hbm>> -> memref<4096x4096xf32, #tpu.memory_space<hbm>>
    tpu.wait_indirect_dma semaphore(%arg16 : memref<!tpu.dma_semaphore, #tpu.memory_space<semaphore_mem>>) src(%dma_wait3A_384 : memref<4096x4096xf32, #tpu.memory_space<hbm>>) dst(%arg13 : memref<8x4096xf32, #tpu.memory_space<vmem>>)
    %add3A_385 = arith.constant 80 : i32
    %add3A_386 = arith.addi %mul3A_2, %add3A_385 : i32
    %dma_start3A_387 = arith.constant 0 : i32
    %dma_start3A_388 = tpu.memref_slice %arg7[%add3A_386, %dma_start3A_387] : memref<4096x4096xf32, #tpu.memory_space<hbm>> -> memref<8x4096xf32, #tpu.memory_space<hbm>>
    %dma_start3A_389 = arith.constant 0 : i32
    %dma_start3A_390 = tpu.memref_slice %arg7[%add3A_386, %dma_start3A_389] : memref<4096x4096xf32, #tpu.memory_space<hbm>> -> memref<8x4096xf32, #tpu.memory_space<hbm>>
    tpu.enqueue_dma source(%arg13 : memref<8x4096xf32, #tpu.memory_space<vmem>>) target(%dma_start3A_390 : memref<8x4096xf32, #tpu.memory_space<hbm>>) target_semaphore(%arg18 : memref<!tpu.dma_semaphore, #tpu.memory_space<semaphore_mem>>)
    %dma_wait3A_391 = arith.constant 0 : i32
    %dma_wait3A_392 = tpu.memref_slice %arg7[%add3A_386, %dma_wait3A_391] : memref<4096x4096xf32, #tpu.memory_space<hbm>> -> memref<8x4096xf32, #tpu.memory_space<hbm>>
    %dma_wait3A_393 = arith.constant 0 : i32
    %dma_wait3A_394 = tpu.memref_slice %arg7[%add3A_386, %dma_wait3A_393] : memref<4096x4096xf32, #tpu.memory_space<hbm>> -> memref<8x4096xf32, #tpu.memory_space<hbm>>
    tpu.wait_dma2 semaphore(%arg18 : memref<!tpu.dma_semaphore, #tpu.memory_space<semaphore_mem>>) src(%arg13 : memref<8x4096xf32, #tpu.memory_space<vmem>>) dst(%dma_wait3A_394 : memref<8x4096xf32, #tpu.memory_space<hbm>>)
    %dma_start3A_395 = arith.constant 96 : i32
    %dma_start3A_396 = tpu.memref_slice %arg10[%dma_start3A_395] : memref<128xi32, #tpu.memory_space<vmem>> -> memref<8xi32, #tpu.memory_space<vmem>>
    %dma_start3A_397 = arith.constant 0 : i32
    %dma_start3A_398 = arith.constant 0 : i32
    %dma_start3A_399 = tpu.memref_slice %arg2[%dma_start3A_397, %dma_start3A_398] : memref<4096x4096xf32, #tpu.memory_space<hbm>> -> memref<4096x4096xf32, #tpu.memory_space<hbm>>
    tpu.enqueue_indirect_dma source(%dma_start3A_399 : memref<4096x4096xf32, #tpu.memory_space<hbm>>) target(%arg13 : memref<8x4096xf32, #tpu.memory_space<vmem>>) offsets(%dma_start3A_396 : memref<8xi32, #tpu.memory_space<vmem>>) semaphore(%arg16 : memref<!tpu.dma_semaphore, #tpu.memory_space<semaphore_mem>>)
    %dma_wait3A_400 = arith.constant 88 : i32
    %dma_wait3A_401 = tpu.memref_slice %arg10[%dma_wait3A_400] : memref<128xi32, #tpu.memory_space<vmem>> -> memref<8xi32, #tpu.memory_space<vmem>>
    %dma_wait3A_402 = arith.constant 0 : i32
    %dma_wait3A_403 = arith.constant 0 : i32
    %dma_wait3A_404 = tpu.memref_slice %arg2[%dma_wait3A_402, %dma_wait3A_403] : memref<4096x4096xf32, #tpu.memory_space<hbm>> -> memref<4096x4096xf32, #tpu.memory_space<hbm>>
    tpu.wait_indirect_dma semaphore(%arg17 : memref<!tpu.dma_semaphore, #tpu.memory_space<semaphore_mem>>) src(%dma_wait3A_404 : memref<4096x4096xf32, #tpu.memory_space<hbm>>) dst(%arg14 : memref<8x4096xf32, #tpu.memory_space<vmem>>)
    %add3A_405 = arith.constant 88 : i32
    %add3A_406 = arith.addi %mul3A_2, %add3A_405 : i32
    %dma_start3A_407 = arith.constant 0 : i32
    %dma_start3A_408 = tpu.memref_slice %arg7[%add3A_406, %dma_start3A_407] : memref<4096x4096xf32, #tpu.memory_space<hbm>> -> memref<8x4096xf32, #tpu.memory_space<hbm>>
    %dma_start3A_409 = arith.constant 0 : i32
    %dma_start3A_410 = tpu.memref_slice %arg7[%add3A_406, %dma_start3A_409] : memref<4096x4096xf32, #tpu.memory_space<hbm>> -> memref<8x4096xf32, #tpu.memory_space<hbm>>
    tpu.enqueue_dma source(%arg14 : memref<8x4096xf32, #tpu.memory_space<vmem>>) target(%dma_start3A_410 : memref<8x4096xf32, #tpu.memory_space<hbm>>) target_semaphore(%arg19 : memref<!tpu.dma_semaphore, #tpu.memory_space<semaphore_mem>>)
    %dma_wait3A_411 = arith.constant 0 : i32
    %dma_wait3A_412 = tpu.memref_slice %arg7[%add3A_406, %dma_wait3A_411] : memref<4096x4096xf32, #tpu.memory_space<hbm>> -> memref<8x4096xf32, #tpu.memory_space<hbm>>
    %dma_wait3A_413 = arith.constant 0 : i32
    %dma_wait3A_414 = tpu.memref_slice %arg7[%add3A_406, %dma_wait3A_413] : memref<4096x4096xf32, #tpu.memory_space<hbm>> -> memref<8x4096xf32, #tpu.memory_space<hbm>>
    tpu.wait_dma2 semaphore(%arg19 : memref<!tpu.dma_semaphore, #tpu.memory_space<semaphore_mem>>) src(%arg14 : memref<8x4096xf32, #tpu.memory_space<vmem>>) dst(%dma_wait3A_414 : memref<8x4096xf32, #tpu.memory_space<hbm>>)
    %dma_start3A_415 = arith.constant 104 : i32
    %dma_start3A_416 = tpu.memref_slice %arg10[%dma_start3A_415] : memref<128xi32, #tpu.memory_space<vmem>> -> memref<8xi32, #tpu.memory_space<vmem>>
    %dma_start3A_417 = arith.constant 0 : i32
    %dma_start3A_418 = arith.constant 0 : i32
    %dma_start3A_419 = tpu.memref_slice %arg2[%dma_start3A_417, %dma_start3A_418] : memref<4096x4096xf32, #tpu.memory_space<hbm>> -> memref<4096x4096xf32, #tpu.memory_space<hbm>>
    tpu.enqueue_indirect_dma source(%dma_start3A_419 : memref<4096x4096xf32, #tpu.memory_space<hbm>>) target(%arg14 : memref<8x4096xf32, #tpu.memory_space<vmem>>) offsets(%dma_start3A_416 : memref<8xi32, #tpu.memory_space<vmem>>) semaphore(%arg17 : memref<!tpu.dma_semaphore, #tpu.memory_space<semaphore_mem>>)
    %dma_wait3A_420 = arith.constant 96 : i32
    %dma_wait3A_421 = tpu.memref_slice %arg10[%dma_wait3A_420] : memref<128xi32, #tpu.memory_space<vmem>> -> memref<8xi32, #tpu.memory_space<vmem>>
    %dma_wait3A_422 = arith.constant 0 : i32
    %dma_wait3A_423 = arith.constant 0 : i32
    %dma_wait3A_424 = tpu.memref_slice %arg2[%dma_wait3A_422, %dma_wait3A_423] : memref<4096x4096xf32, #tpu.memory_space<hbm>> -> memref<4096x4096xf32, #tpu.memory_space<hbm>>
    tpu.wait_indirect_dma semaphore(%arg16 : memref<!tpu.dma_semaphore, #tpu.memory_space<semaphore_mem>>) src(%dma_wait3A_424 : memref<4096x4096xf32, #tpu.memory_space<hbm>>) dst(%arg13 : memref<8x4096xf32, #tpu.memory_space<vmem>>)
    %add3A_425 = arith.constant 96 : i32
    %add3A_426 = arith.addi %mul3A_2, %add3A_425 : i32
    %dma_start3A_427 = arith.constant 0 : i32
    %dma_start3A_428 = tpu.memref_slice %arg7[%add3A_426, %dma_start3A_427] : memref<4096x4096xf32, #tpu.memory_space<hbm>> -> memref<8x4096xf32, #tpu.memory_space<hbm>>
    %dma_start3A_429 = arith.constant 0 : i32
    %dma_start3A_430 = tpu.memref_slice %arg7[%add3A_426, %dma_start3A_429] : memref<4096x4096xf32, #tpu.memory_space<hbm>> -> memref<8x4096xf32, #tpu.memory_space<hbm>>
    tpu.enqueue_dma source(%arg13 : memref<8x4096xf32, #tpu.memory_space<vmem>>) target(%dma_start3A_430 : memref<8x4096xf32, #tpu.memory_space<hbm>>) target_semaphore(%arg18 : memref<!tpu.dma_semaphore, #tpu.memory_space<semaphore_mem>>)
    %dma_wait3A_431 = arith.constant 0 : i32
    %dma_wait3A_432 = tpu.memref_slice %arg7[%add3A_426, %dma_wait3A_431] : memref<4096x4096xf32, #tpu.memory_space<hbm>> -> memref<8x4096xf32, #tpu.memory_space<hbm>>
    %dma_wait3A_433 = arith.constant 0 : i32
    %dma_wait3A_434 = tpu.memref_slice %arg7[%add3A_426, %dma_wait3A_433] : memref<4096x4096xf32, #tpu.memory_space<hbm>> -> memref<8x4096xf32, #tpu.memory_space<hbm>>
    tpu.wait_dma2 semaphore(%arg18 : memref<!tpu.dma_semaphore, #tpu.memory_space<semaphore_mem>>) src(%arg13 : memref<8x4096xf32, #tpu.memory_space<vmem>>) dst(%dma_wait3A_434 : memref<8x4096xf32, #tpu.memory_space<hbm>>)
    %dma_start3A_435 = arith.constant 112 : i32
    %dma_start3A_436 = tpu.memref_slice %arg10[%dma_start3A_435] : memref<128xi32, #tpu.memory_space<vmem>> -> memref<8xi32, #tpu.memory_space<vmem>>
    %dma_start3A_437 = arith.constant 0 : i32
    %dma_start3A_438 = arith.constant 0 : i32
    %dma_start3A_439 = tpu.memref_slice %arg2[%dma_start3A_437, %dma_start3A_438] : memref<4096x4096xf32, #tpu.memory_space<hbm>> -> memref<4096x4096xf32, #tpu.memory_space<hbm>>
    tpu.enqueue_indirect_dma source(%dma_start3A_439 : memref<4096x4096xf32, #tpu.memory_space<hbm>>) target(%arg13 : memref<8x4096xf32, #tpu.memory_space<vmem>>) offsets(%dma_start3A_436 : memref<8xi32, #tpu.memory_space<vmem>>) semaphore(%arg16 : memref<!tpu.dma_semaphore, #tpu.memory_space<semaphore_mem>>)
    %dma_wait3A_440 = arith.constant 104 : i32
    %dma_wait3A_441 = tpu.memref_slice %arg10[%dma_wait3A_440] : memref<128xi32, #tpu.memory_space<vmem>> -> memref<8xi32, #tpu.memory_space<vmem>>
    %dma_wait3A_442 = arith.constant 0 : i32
    %dma_wait3A_443 = arith.constant 0 : i32
    %dma_wait3A_444 = tpu.memref_slice %arg2[%dma_wait3A_442, %dma_wait3A_443] : memref<4096x4096xf32, #tpu.memory_space<hbm>> -> memref<4096x4096xf32, #tpu.memory_space<hbm>>
    tpu.wait_indirect_dma semaphore(%arg17 : memref<!tpu.dma_semaphore, #tpu.memory_space<semaphore_mem>>) src(%dma_wait3A_444 : memref<4096x4096xf32, #tpu.memory_space<hbm>>) dst(%arg14 : memref<8x4096xf32, #tpu.memory_space<vmem>>)
    %add3A_445 = arith.constant 104 : i32
    %add3A_446 = arith.addi %mul3A_2, %add3A_445 : i32
    %dma_start3A_447 = arith.constant 0 : i32
    %dma_start3A_448 = tpu.memref_slice %arg7[%add3A_446, %dma_start3A_447] : memref<4096x4096xf32, #tpu.memory_space<hbm>> -> memref<8x4096xf32, #tpu.memory_space<hbm>>
    %dma_start3A_449 = arith.constant 0 : i32
    %dma_start3A_450 = tpu.memref_slice %arg7[%add3A_446, %dma_start3A_449] : memref<4096x4096xf32, #tpu.memory_space<hbm>> -> memref<8x4096xf32, #tpu.memory_space<hbm>>
    tpu.enqueue_dma source(%arg14 : memref<8x4096xf32, #tpu.memory_space<vmem>>) target(%dma_start3A_450 : memref<8x4096xf32, #tpu.memory_space<hbm>>) target_semaphore(%arg19 : memref<!tpu.dma_semaphore, #tpu.memory_space<semaphore_mem>>)
    %dma_wait3A_451 = arith.constant 0 : i32
    %dma_wait3A_452 = tpu.memref_slice %arg7[%add3A_446, %dma_wait3A_451] : memref<4096x4096xf32, #tpu.memory_space<hbm>> -> memref<8x4096xf32, #tpu.memory_space<hbm>>
    %dma_wait3A_453 = arith.constant 0 : i32
    %dma_wait3A_454 = tpu.memref_slice %arg7[%add3A_446, %dma_wait3A_453] : memref<4096x4096xf32, #tpu.memory_space<hbm>> -> memref<8x4096xf32, #tpu.memory_space<hbm>>
    tpu.wait_dma2 semaphore(%arg19 : memref<!tpu.dma_semaphore, #tpu.memory_space<semaphore_mem>>) src(%arg14 : memref<8x4096xf32, #tpu.memory_space<vmem>>) dst(%dma_wait3A_454 : memref<8x4096xf32, #tpu.memory_space<hbm>>)
    %dma_start3A_455 = arith.constant 120 : i32
    %dma_start3A_456 = tpu.memref_slice %arg10[%dma_start3A_455] : memref<128xi32, #tpu.memory_space<vmem>> -> memref<8xi32, #tpu.memory_space<vmem>>
    %dma_start3A_457 = arith.constant 0 : i32
    %dma_start3A_458 = arith.constant 0 : i32
    %dma_start3A_459 = tpu.memref_slice %arg2[%dma_start3A_457, %dma_start3A_458] : memref<4096x4096xf32, #tpu.memory_space<hbm>> -> memref<4096x4096xf32, #tpu.memory_space<hbm>>
    tpu.enqueue_indirect_dma source(%dma_start3A_459 : memref<4096x4096xf32, #tpu.memory_space<hbm>>) target(%arg14 : memref<8x4096xf32, #tpu.memory_space<vmem>>) offsets(%dma_start3A_456 : memref<8xi32, #tpu.memory_space<vmem>>) semaphore(%arg17 : memref<!tpu.dma_semaphore, #tpu.memory_space<semaphore_mem>>)
    %dma_wait3A_460 = arith.constant 112 : i32
    %dma_wait3A_461 = tpu.memref_slice %arg10[%dma_wait3A_460] : memref<128xi32, #tpu.memory_space<vmem>> -> memref<8xi32, #tpu.memory_space<vmem>>
    %dma_wait3A_462 = arith.constant 0 : i32
    %dma_wait3A_463 = arith.constant 0 : i32
    %dma_wait3A_464 = tpu.memref_slice %arg2[%dma_wait3A_462, %dma_wait3A_463] : memref<4096x4096xf32, #tpu.memory_space<hbm>> -> memref<4096x4096xf32, #tpu.memory_space<hbm>>
    tpu.wait_indirect_dma semaphore(%arg16 : memref<!tpu.dma_semaphore, #tpu.memory_space<semaphore_mem>>) src(%dma_wait3A_464 : memref<4096x4096xf32, #tpu.memory_space<hbm>>) dst(%arg13 : memref<8x4096xf32, #tpu.memory_space<vmem>>)
    %add3A_465 = arith.constant 112 : i32
    %add3A_466 = arith.addi %mul3A_2, %add3A_465 : i32
    %dma_start3A_467 = arith.constant 0 : i32
    %dma_start3A_468 = tpu.memref_slice %arg7[%add3A_466, %dma_start3A_467] : memref<4096x4096xf32, #tpu.memory_space<hbm>> -> memref<8x4096xf32, #tpu.memory_space<hbm>>
    %dma_start3A_469 = arith.constant 0 : i32
    %dma_start3A_470 = tpu.memref_slice %arg7[%add3A_466, %dma_start3A_469] : memref<4096x4096xf32, #tpu.memory_space<hbm>> -> memref<8x4096xf32, #tpu.memory_space<hbm>>
    tpu.enqueue_dma source(%arg13 : memref<8x4096xf32, #tpu.memory_space<vmem>>) target(%dma_start3A_470 : memref<8x4096xf32, #tpu.memory_space<hbm>>) target_semaphore(%arg18 : memref<!tpu.dma_semaphore, #tpu.memory_space<semaphore_mem>>)
    %dma_wait3A_471 = arith.constant 120 : i32
    %dma_wait3A_472 = tpu.memref_slice %arg10[%dma_wait3A_471] : memref<128xi32, #tpu.memory_space<vmem>> -> memref<8xi32, #tpu.memory_space<vmem>>
    %dma_wait3A_473 = arith.constant 0 : i32
    %dma_wait3A_474 = arith.constant 0 : i32
    %dma_wait3A_475 = tpu.memref_slice %arg2[%dma_wait3A_473, %dma_wait3A_474] : memref<4096x4096xf32, #tpu.memory_space<hbm>> -> memref<4096x4096xf32, #tpu.memory_space<hbm>>
    tpu.wait_indirect_dma semaphore(%arg17 : memref<!tpu.dma_semaphore, #tpu.memory_space<semaphore_mem>>) src(%dma_wait3A_475 : memref<4096x4096xf32, #tpu.memory_space<hbm>>) dst(%arg14 : memref<8x4096xf32, #tpu.memory_space<vmem>>)
    %add3A_476 = arith.constant 120 : i32
    %add3A_477 = arith.addi %mul3A_2, %add3A_476 : i32
    %dma_start3A_478 = arith.constant 0 : i32
    %dma_start3A_479 = tpu.memref_slice %arg7[%add3A_477, %dma_start3A_478] : memref<4096x4096xf32, #tpu.memory_space<hbm>> -> memref<8x4096xf32, #tpu.memory_space<hbm>>
    %dma_start3A_480 = arith.constant 0 : i32
    %dma_start3A_481 = tpu.memref_slice %arg7[%add3A_477, %dma_start3A_480] : memref<4096x4096xf32, #tpu.memory_space<hbm>> -> memref<8x4096xf32, #tpu.memory_space<hbm>>
    tpu.enqueue_dma source(%arg14 : memref<8x4096xf32, #tpu.memory_space<vmem>>) target(%dma_start3A_481 : memref<8x4096xf32, #tpu.memory_space<hbm>>) target_semaphore(%arg19 : memref<!tpu.dma_semaphore, #tpu.memory_space<semaphore_mem>>)
    %dma_wait3A_482 = arith.constant 0 : i32
    %dma_wait3A_483 = tpu.memref_slice %arg7[%add3A_466, %dma_wait3A_482] : memref<4096x4096xf32, #tpu.memory_space<hbm>> -> memref<8x4096xf32, #tpu.memory_space<hbm>>
    %dma_wait3A_484 = arith.constant 0 : i32
    %dma_wait3A_485 = tpu.memref_slice %arg7[%add3A_466, %dma_wait3A_484] : memref<4096x4096xf32, #tpu.memory_space<hbm>> -> memref<8x4096xf32, #tpu.memory_space<hbm>>
    tpu.wait_dma2 semaphore(%arg18 : memref<!tpu.dma_semaphore, #tpu.memory_space<semaphore_mem>>) src(%arg13 : memref<8x4096xf32, #tpu.memory_space<vmem>>) dst(%dma_wait3A_485 : memref<8x4096xf32, #tpu.memory_space<hbm>>)
    %dma_wait3A_486 = arith.constant 0 : i32
    %dma_wait3A_487 = tpu.memref_slice %arg7[%add3A_477, %dma_wait3A_486] : memref<4096x4096xf32, #tpu.memory_space<hbm>> -> memref<8x4096xf32, #tpu.memory_space<hbm>>
    %dma_wait3A_488 = arith.constant 0 : i32
    %dma_wait3A_489 = tpu.memref_slice %arg7[%add3A_477, %dma_wait3A_488] : memref<4096x4096xf32, #tpu.memory_space<hbm>> -> memref<8x4096xf32, #tpu.memory_space<hbm>>
    tpu.wait_dma2 semaphore(%arg19 : memref<!tpu.dma_semaphore, #tpu.memory_space<semaphore_mem>>) src(%arg14 : memref<8x4096xf32, #tpu.memory_space<vmem>>) dst(%dma_wait3A_489 : memref<8x4096xf32, #tpu.memory_space<hbm>>)
    return
  }
}

module attributes {stable_mosaic.version = 14 : i64} {
  func.func @_k3_body(%arg0: i32, %arg1: memref<256x4096xf32, #tpu.memory_space<vmem>>, %arg2: memref<256x2048xi32, #tpu.memory_space<vmem>>, %arg3: memref<4096xf32, #tpu.memory_space<vmem>>, %arg4: memref<4096xf32, #tpu.memory_space<vmem>>, %arg5: memref<256x128xf32, #tpu.memory_space<vmem>>, %arg6: memref<256x128xf32, #tpu.memory_space<vmem>>, %arg7: memref<256xi32, #tpu.memory_space<vmem>>, %arg8: memref<256xi32, #tpu.memory_space<vmem>>, %arg9: memref<1xf32, #tpu.memory_space<smem>>, %arg10: memref<256xf32, #tpu.memory_space<vmem>>) attributes {dimension_semantics = [#tpu.dimension_semantics<arbitrary>], iteration_bounds = array<i64: 16>, scalar_prefetch = 0 : i64, scratch_operands = 0 : i64, tpu.core_type = #tpu.core_type<tc>, window_params = [{transform_indices = @transform_0, window_bounds = array<i64: 256, 4096>}, {transform_indices = @transform_1, window_bounds = array<i64: 256, 2048>}, {pipeline_mode = #tpu.pipeline_mode<synchronous>, transform_indices = @transform_2, window_bounds = array<i64: 4096>}, {pipeline_mode = #tpu.pipeline_mode<synchronous>, transform_indices = @transform_3, window_bounds = array<i64: 4096>}, {transform_indices = @transform_4, window_bounds = array<i64: 256, 128>}, {transform_indices = @transform_5, window_bounds = array<i64: 256, 128>}, {transform_indices = @transform_6, window_bounds = array<i64: 256>}, {transform_indices = @transform_7, window_bounds = array<i64: 256>}, {transform_indices = @transform_8, window_bounds = array<i64: 1>}, {transform_indices = @transform_9, window_bounds = array<i64: 256>}]} {
    %get3A = arith.constant 0 : index
    %get3A_0 = vector.load %arg3[%get3A] : memref<4096xf32, #tpu.memory_space<vmem>>, vector<4096xf32>
    %get3A_1 = arith.constant 0 : index
    %get3A_2 = vector.load %arg4[%get3A_1] : memref<4096xf32, #tpu.memory_space<vmem>>, vector<4096xf32>
    %gt3A = arith.constant 0.000000e+00 : f32
    %gt3A_3 = vector.broadcast %gt3A : f32 to vector<4096xf32>
    %gt3A_4 = arith.cmpf ogt, %get3A_2, %gt3A_3 : vector<4096xf32>
    %max3A = arith.constant 1.000000e+00 : f32
    %max3A_5 = vector.broadcast %max3A : f32 to vector<4096xf32>
    %max3A_6 = arith.maximumf %get3A_2, %max3A_5 : vector<4096xf32>
    %div3A = arith.divf %get3A_0, %max3A_6 : vector<4096xf32>
    %jit3A = arith.constant 0.000000e+00 : f32
    %broadcast_in_dim3A = vector.broadcast %jit3A : f32 to vector<4096xf32>
    %select_n3A = arith.select %gt3A_4, %div3A, %broadcast_in_dim3A : vector<4096xi1>, vector<4096xf32>
    %get3A_7 = arith.constant 0 : index
    %get3A_8 = arith.constant 0 : index
    %get3A_9 = vector.load %arg2[%get3A_7, %get3A_8] : memref<256x2048xi32, #tpu.memory_space<vmem>>, vector<256x2048xi32>
    %and3A = arith.constant -65536 : i32
    %and3A_10 = vector.broadcast %and3A : i32 to vector<256x2048xi32>
    %and3A_11 = arith.andi %get3A_9, %and3A_10 : vector<256x2048xi32>
    %bitcast_convert_type3A = tpu.bitcast %and3A_11 : vector<256x2048xi32> -> vector<256x2048xf32>
    %shift_left3A = arith.constant 16 : i32
    %shift_left3A_12 = vector.broadcast %shift_left3A : i32 to vector<256x2048xi32>
    %shift_left3A_13 = arith.shli %get3A_9, %shift_left3A_12 : vector<256x2048xi32>
    %bitcast_convert_type3A_14 = tpu.bitcast %shift_left3A_13 : vector<256x2048xi32> -> vector<256x2048xf32>
    %get3A_15 = arith.constant 0 : index
    %get3A_16 = arith.constant 0 : index
    %get3A_17 = vector.load %arg1[%get3A_15, %get3A_16] : memref<256x4096xf32, #tpu.memory_space<vmem>>, vector<256x4096xf32>
    %slice3A = vector.extract_strided_slice %get3A_17 {offsets = [0, 0], sizes = [256, 2048], strides = [1, 1]} : vector<256x4096xf32> to vector<256x2048xf32>
    %slice3A_18 = vector.extract_strided_slice %select_n3A {offsets = [0], sizes = [2048], strides = [1]} : vector<4096xf32> to vector<2048xf32>
    %broadcast_in_dim3A_19 = vector.shape_cast %slice3A_18 : vector<2048xf32> to vector<1x2048xf32>
    %sub3A = vector.broadcast %broadcast_in_dim3A_19 : vector<1x2048xf32> to vector<256x2048xf32>
    %sub3A_20 = arith.subf %bitcast_convert_type3A, %sub3A : vector<256x2048xf32>
    %mul3A = arith.mulf %slice3A, %sub3A_20 : vector<256x2048xf32>
    %slice3A_21 = vector.extract_strided_slice %get3A_17 {offsets = [0, 2048], sizes = [256, 2048], strides = [1, 1]} : vector<256x4096xf32> to vector<256x2048xf32>
    %slice3A_22 = vector.extract_strided_slice %select_n3A {offsets = [2048], sizes = [2048], strides = [1]} : vector<4096xf32> to vector<2048xf32>
    %broadcast_in_dim3A_23 = vector.shape_cast %slice3A_22 : vector<2048xf32> to vector<1x2048xf32>
    %sub3A_24 = vector.broadcast %broadcast_in_dim3A_23 : vector<1x2048xf32> to vector<256x2048xf32>
    %sub3A_25 = arith.subf %bitcast_convert_type3A_14, %sub3A_24 : vector<256x2048xf32>
    %mul3A_26 = arith.mulf %slice3A_21, %sub3A_25 : vector<256x2048xf32>
    %add3A = arith.addf %mul3A, %mul3A_26 : vector<256x2048xf32>
    %reduce_sum3A = arith.constant dense<0.000000e+00> : vector<256xf32>
    %reduce_sum3A_27 = vector.multi_reduction <add>, %add3A, %reduce_sum3A [1] : vector<256x2048xf32> to vector<256xf32>
    %get3A_28 = arith.constant 0 : index
    %get3A_29 = arith.constant 0 : index
    %get3A_30 = vector.load %arg5[%get3A_28, %get3A_29] : memref<256x128xf32, #tpu.memory_space<vmem>>, vector<256x128xf32>
    %get3A_31 = arith.constant 0 : index
    %get3A_32 = vector.load %arg7[%get3A_31] : memref<256xi32, #tpu.memory_space<vmem>>, vector<256xi32>
    %and3A_33 = arith.constant 127 : i32
    %and3A_34 = vector.broadcast %and3A_33 : i32 to vector<256xi32>
    %and3A_35 = arith.andi %get3A_32, %and3A_34 : vector<256xi32>
    %iota3A = tpu.iota {dimensions = array<i32: 1>} : vector<256x128xi32>
    %broadcast_in_dim3A_36 = vector.shape_cast %and3A_35 : vector<256xi32> to vector<256x1xi32>
    %eq3A = vector.broadcast %broadcast_in_dim3A_36 : vector<256x1xi32> to vector<256x128xi32>
    %eq3A_37 = arith.cmpi eq, %iota3A, %eq3A : vector<256x128xi32>
    %jit3A_38 = arith.constant 0.000000e+00 : f32
    %broadcast_in_dim3A_39 = vector.broadcast %jit3A_38 : f32 to vector<256x128xf32>
    %select_n3A_40 = arith.select %eq3A_37, %get3A_30, %broadcast_in_dim3A_39 : vector<256x128xi1>, vector<256x128xf32>
    %reduce_sum3A_41 = arith.constant dense<0.000000e+00> : vector<256xf32>
    %reduce_sum3A_42 = vector.multi_reduction <add>, %select_n3A_40, %reduce_sum3A_41 [1] : vector<256x128xf32> to vector<256xf32>
    %get3A_43 = arith.constant 0 : index
    %get3A_44 = arith.constant 0 : index
    %get3A_45 = vector.load %arg6[%get3A_43, %get3A_44] : memref<256x128xf32, #tpu.memory_space<vmem>>, vector<256x128xf32>
    %get3A_46 = arith.constant 0 : index
    %get3A_47 = vector.load %arg8[%get3A_46] : memref<256xi32, #tpu.memory_space<vmem>>, vector<256xi32>
    %and3A_48 = arith.constant 127 : i32
    %and3A_49 = vector.broadcast %and3A_48 : i32 to vector<256xi32>
    %and3A_50 = arith.andi %get3A_47, %and3A_49 : vector<256xi32>
    %iota3A_51 = tpu.iota {dimensions = array<i32: 1>} : vector<256x128xi32>
    %broadcast_in_dim3A_52 = vector.shape_cast %and3A_50 : vector<256xi32> to vector<256x1xi32>
    %eq3A_53 = vector.broadcast %broadcast_in_dim3A_52 : vector<256x1xi32> to vector<256x128xi32>
    %eq3A_54 = arith.cmpi eq, %iota3A_51, %eq3A_53 : vector<256x128xi32>
    %jit3A_55 = arith.constant 0.000000e+00 : f32
    %broadcast_in_dim3A_56 = vector.broadcast %jit3A_55 : f32 to vector<256x128xf32>
    %select_n3A_57 = arith.select %eq3A_54, %get3A_45, %broadcast_in_dim3A_56 : vector<256x128xi1>, vector<256x128xf32>
    %reduce_sum3A_58 = arith.constant dense<0.000000e+00> : vector<256xf32>
    %reduce_sum3A_59 = vector.multi_reduction <add>, %select_n3A_57, %reduce_sum3A_58 [1] : vector<256x128xf32> to vector<256xf32>
    %add3A_60 = arith.addf %reduce_sum3A_27, %reduce_sum3A_42 : vector<256xf32>
    %add3A_61 = arith.addf %add3A_60, %reduce_sum3A_59 : vector<256xf32>
    %get3A_62 = arith.constant 0 : index
    %get3A_63 = memref.load %arg9[%get3A_62] : memref<1xf32, #tpu.memory_space<smem>>
    %add3A_64 = vector.broadcast %get3A_63 : f32 to vector<256xf32>
    %add3A_65 = arith.addf %add3A_61, %add3A_64 : vector<256xf32>
    %logistic3A = arith.negf %add3A_65 : vector<256xf32>
    %logistic3A_66 = math.exp %logistic3A : vector<256xf32>
    %logistic3A_67 = arith.constant 1.000000e+00 : f32
    %logistic3A_68 = vector.broadcast %logistic3A_67 : f32 to vector<256xf32>
    %logistic3A_69 = arith.addf %logistic3A_68, %logistic3A_66 : vector<256xf32>
    %logistic3A_70 = arith.divf %logistic3A_68, %logistic3A_69 : vector<256xf32>
    %mul3A_71 = arith.constant 5.000000e+00 : f32
    %mul3A_72 = vector.broadcast %mul3A_71 : f32 to vector<256xf32>
    %mul3A_73 = arith.mulf %logistic3A_70, %mul3A_72 : vector<256xf32>
    %swap3A = arith.constant 0 : index
    %swap3A_74 = vector.load %arg10[%swap3A] : memref<256xf32, #tpu.memory_space<vmem>>, vector<256xf32>
    tpu.vector_store %arg10[%swap3A], %mul3A_73 {strides = array<i32>} : memref<256xf32, #tpu.memory_space<vmem>>, vector<256xf32>,
    return
  }
  func.func @transform_0(%arg0: i32) -> (i32, i32) {
    %c0_i32 = arith.constant 0 : i32
    %c0_i32_0 = arith.constant 0 : i32
    return %arg0, %c0_i32 : i32, i32
  }
  func.func @transform_1(%arg0: i32) -> (i32, i32) {
    %c0_i32 = arith.constant 0 : i32
    %c0_i32_0 = arith.constant 0 : i32
    return %arg0, %c0_i32 : i32, i32
  }
  func.func @transform_2(%arg0: i32) -> i32 {
    %c0_i32 = arith.constant 0 : i32
    %c0_i32_0 = arith.constant 0 : i32
    return %c0_i32 : i32
  }
  func.func @transform_3(%arg0: i32) -> i32 {
    %c0_i32 = arith.constant 0 : i32
    %c0_i32_0 = arith.constant 0 : i32
    return %c0_i32 : i32
  }
  func.func @transform_4(%arg0: i32) -> (i32, i32) {
    %c0_i32 = arith.constant 0 : i32
    %c0_i32_0 = arith.constant 0 : i32
    return %arg0, %c0_i32 : i32, i32
  }
  func.func @transform_5(%arg0: i32) -> (i32, i32) {
    %c0_i32 = arith.constant 0 : i32
    %c0_i32_0 = arith.constant 0 : i32
    return %arg0, %c0_i32 : i32, i32
  }
  func.func @transform_6(%arg0: i32) -> i32 {
    %c0_i32 = arith.constant 0 : i32
    return %arg0 : i32
  }
  func.func @transform_7(%arg0: i32) -> i32 {
    %c0_i32 = arith.constant 0 : i32
    return %arg0 : i32
  }
  func.func @transform_8(%arg0: i32) -> i32 {
    %c0_i32 = arith.constant 0 : i32
    %c0_i32_0 = arith.constant 0 : i32
    return %c0_i32 : i32
  }
  func.func @transform_9(%arg0: i32) -> i32 {
    %c0_i32 = arith.constant 0 : i32
    return %arg0 : i32
  }
}

module attributes {stable_mosaic.version = 14 : i64} {
  func.func @_k1_body(%arg0: i32, %arg1: memref<4096x512xf32, #tpu.memory_space<vmem>>, %arg2: memref<512x512xbf16, #tpu.memory_space<vmem>>, %arg3: memref<512x2048xi32, #tpu.memory_space<vmem>>, %arg4: memref<4096xf32, #tpu.memory_space<vmem>>, %arg5: memref<4096xf32, #tpu.memory_space<vmem>>) attributes {dimension_semantics = [#tpu.dimension_semantics<arbitrary>], iteration_bounds = array<i64: 32>, scalar_prefetch = 0 : i64, scratch_operands = 0 : i64, tpu.core_type = #tpu.core_type<tc>, window_params = [{transform_indices = @transform_0, window_bounds = array<i64: 4096, 512>}, {pipeline_mode = #tpu.pipeline_mode<synchronous>, transform_indices = @transform_1, window_bounds = array<i64: 512, 512>}, {transform_indices = @transform_2, window_bounds = array<i64: 512, 2048>}, {pipeline_mode = #tpu.pipeline_mode<synchronous>, transform_indices = @transform_3, window_bounds = array<i64: 4096>}, {pipeline_mode = #tpu.pipeline_mode<synchronous>, transform_indices = @transform_4, window_bounds = array<i64: 4096>}]} {
    %get3A = arith.constant 0 : index
    %get3A_0 = arith.constant 0 : index
    %get3A_1 = vector.load %arg2[%get3A, %get3A_0] : memref<512x512xbf16, #tpu.memory_space<vmem>>, vector<512x512xbf16>
    %get3A_2 = arith.constant 0 : index
    %get3A_3 = arith.constant 0 : index
    %get3A_4 = vector.load %arg1[%get3A_2, %get3A_3] : memref<4096x512xf32, #tpu.memory_space<vmem>>, vector<4096x512xf32>
    %convert_element_type3A = arith.truncf %get3A_4 : vector<4096x512xf32> to vector<4096x512xbf16>
    %dot_general3A = arith.constant dense<0.000000e+00> : vector<512x4096xf32>
    %dot_general3A_5 = tpu.matmul %get3A_1, %convert_element_type3A, %dot_general3A {dimension_numbers = #tpu.dot_dimension_numbers<[1], [1], [0], [0], [0, 0, 1, 0], [], []>, transpose_lhs_hint = false} : vector<512x512xbf16>, vector<4096x512xbf16>, vector<512x4096xf32> -> vector<512x4096xf32>
    %bitcast_convert_type3A = tpu.bitcast %dot_general3A_5 : vector<512x4096xf32> -> vector<512x4096xi32>
    %slice3A = vector.extract_strided_slice %bitcast_convert_type3A {offsets = [0, 0], sizes = [512, 2048], strides = [1, 1]} : vector<512x4096xi32> to vector<512x2048xi32>
    %slice3A_6 = vector.extract_strided_slice %bitcast_convert_type3A {offsets = [0, 2048], sizes = [512, 2048], strides = [1, 1]} : vector<512x4096xi32> to vector<512x2048xi32>
    %shift_right_arithmetic3A = arith.constant 16 : i32
    %shift_right_arithmetic3A_7 = vector.broadcast %shift_right_arithmetic3A : i32 to vector<512x2048xi32>
    %shift_right_arithmetic3A_8 = arith.shrsi %slice3A_6, %shift_right_arithmetic3A_7 : vector<512x2048xi32>
    %and3A = arith.constant 65535 : i32
    %and3A_9 = vector.broadcast %and3A : i32 to vector<512x2048xi32>
    %and3A_10 = arith.andi %shift_right_arithmetic3A_8, %and3A_9 : vector<512x2048xi32>
    %or3A = arith.ori %slice3A, %and3A_10 : vector<512x2048xi32>
    %swap3A = arith.constant 0 : index
    %swap3A_11 = arith.constant 0 : index
    %swap3A_12 = vector.load %arg3[%swap3A, %swap3A_11] : memref<512x2048xi32, #tpu.memory_space<vmem>>, vector<512x2048xi32>
    tpu.vector_store %arg3[%swap3A, %swap3A_11], %or3A {strides = array<i32>} : memref<512x2048xi32, #tpu.memory_space<vmem>>, vector<512x2048xi32>,
    %ne3A = arith.constant 0.000000e+00 : f32
    %ne3A_13 = vector.broadcast %ne3A : f32 to vector<512x4096xf32>
    %ne3A_14 = arith.cmpf one, %dot_general3A_5, %ne3A_13 : vector<512x4096xf32>
    %jit3A = arith.constant 0.000000e+00 : f32
    %broadcast_in_dim3A = vector.broadcast %jit3A : f32 to vector<512x4096xf32>
    %select_n3A = arith.select %ne3A_14, %dot_general3A_5, %broadcast_in_dim3A : vector<512x4096xi1>, vector<512x4096xf32>
    %reduce_sum3A = arith.constant dense<0.000000e+00> : vector<4096xf32>
    %reduce_sum3A_15 = vector.multi_reduction <add>, %select_n3A, %reduce_sum3A [0] : vector<512x4096xf32> to vector<4096xf32>
    %convert_element_type3A_16 = arith.extui %ne3A_14 : vector<512x4096xi1> to vector<512x4096xi32>
    %convert_element_type3A_17 = arith.sitofp %convert_element_type3A_16 : vector<512x4096xi32> to vector<512x4096xf32>
    %reduce_sum3A_18 = arith.constant dense<0.000000e+00> : vector<4096xf32>
    %reduce_sum3A_19 = vector.multi_reduction <add>, %convert_element_type3A_17, %reduce_sum3A_18 [0] : vector<512x4096xf32> to vector<4096xf32>
    %eq3A = arith.constant 0 : i32
    %eq3A_20 = arith.cmpi eq, %arg0, %eq3A : i32
    %convert_element_type3A_21 = arith.extui %eq3A_20 : i1 to i32
    %cond3A = arith.constant 0 : i32
    %cond3A_22 = arith.cmpi ne, %convert_element_type3A_21, %cond3A : i32
    scf.if %cond3A_22 {
      %swap3A_27 = arith.constant 0 : index
      %swap3A_28 = vector.load %arg4[%swap3A_27] : memref<4096xf32, #tpu.memory_space<vmem>>, vector<4096xf32>
      tpu.vector_store %arg4[%swap3A_27], %reduce_sum3A_15 {strides = array<i32>} : memref<4096xf32, #tpu.memory_space<vmem>>, vector<4096xf32>,
      %swap3A_29 = arith.constant 0 : index
      %swap3A_30 = vector.load %arg5[%swap3A_29] : memref<4096xf32, #tpu.memory_space<vmem>>, vector<4096xf32>
      tpu.vector_store %arg5[%swap3A_29], %reduce_sum3A_19 {strides = array<i32>} : memref<4096xf32, #tpu.memory_space<vmem>>, vector<4096xf32>,
    } else {
    }
    %gt3A = arith.constant 0 : i32
    %gt3A_23 = arith.cmpi sgt, %arg0, %gt3A : i32
    %convert_element_type3A_24 = arith.extui %gt3A_23 : i1 to i32
    %cond3A_25 = arith.constant 0 : i32
    %cond3A_26 = arith.cmpi ne, %convert_element_type3A_24, %cond3A_25 : i32
    scf.if %cond3A_26 {
      %get3A_27 = arith.constant 0 : index
      %get3A_28 = vector.load %arg4[%get3A_27] : memref<4096xf32, #tpu.memory_space<vmem>>, vector<4096xf32>
      %add3A = arith.addf %get3A_28, %reduce_sum3A_15 : vector<4096xf32>
      %swap3A_29 = arith.constant 0 : index
      %swap3A_30 = vector.load %arg4[%swap3A_29] : memref<4096xf32, #tpu.memory_space<vmem>>, vector<4096xf32>
      tpu.vector_store %arg4[%swap3A_29], %add3A {strides = array<i32>} : memref<4096xf32, #tpu.memory_space<vmem>>, vector<4096xf32>,
      %get3A_31 = arith.constant 0 : index
      %get3A_32 = vector.load %arg5[%get3A_31] : memref<4096xf32, #tpu.memory_space<vmem>>, vector<4096xf32>
      %add3A_33 = arith.addf %get3A_32, %reduce_sum3A_19 : vector<4096xf32>
      %swap3A_34 = arith.constant 0 : index
      %swap3A_35 = vector.load %arg5[%swap3A_34] : memref<4096xf32, #tpu.memory_space<vmem>>, vector<4096xf32>
      tpu.vector_store %arg5[%swap3A_34], %add3A_33 {strides = array<i32>} : memref<4096xf32, #tpu.memory_space<vmem>>, vector<4096xf32>,
    } else {
    }
    return
  }
  func.func @transform_0(%arg0: i32) -> (i32, i32) {
    %c0_i32 = arith.constant 0 : i32
    %c0_i32_0 = arith.constant 0 : i32
    return %c0_i32, %arg0 : i32, i32
  }
  func.func @transform_1(%arg0: i32) -> (i32, i32) {
    %c0_i32 = arith.constant 0 : i32
    %c0_i32_0 = arith.constant 0 : i32
    %c0_i32_1 = arith.constant 0 : i32
    return %c0_i32, %c0_i32_0 : i32, i32
  }
  func.func @transform_2(%arg0: i32) -> (i32, i32) {
    %c0_i32 = arith.constant 0 : i32
    %c0_i32_0 = arith.constant 0 : i32
    return %arg0, %c0_i32 : i32, i32
  }
  func.func @transform_3(%arg0: i32) -> i32 {
    %c0_i32 = arith.constant 0 : i32
    %c0_i32_0 = arith.constant 0 : i32
    return %c0_i32 : i32
  }
  func.func @transform_4(%arg0: i32) -> i32 {
    %c0_i32 = arith.constant 0 : i32
    %c0_i32_0 = arith.constant 0 : i32
    return %c0_i32 : i32
  }
}

</mosaic_0001>

<sc_bundles>
// kernel: kernel.6.cloned.1.call-start
scs
__scs_entry_jumppad:
0x0: {  	(pc) =	sbr.rel $0x88, $3  }
0x1: {  	(tag) =	ssettag $0x0;
	lr =	simm.s32 $0x1  }
0x2: {  	[smem:$0x3F9A] =	sst lr;
	_ =	strace $0xD0000000  }
0x3: {  	_ = 	snop  }
0x4: {  	_ = 	snop  }
0x5: {  	_ = 	snop  }
0x6: {  	_ = 	snop  }
0x7: {  	_ = 	snop  }
__scs_overlays_trampoline_lowered:
0x8: {  	[smem:$0x3FA9] =	sst s0  }
0x9: {  	[smem:$0x3FAA] =	sst s1  }
0xa: {  	[smem:$0x3FAB] =	sst s2  }
0xb: {  	[smem:$0x3FAC] =	sst s3  }
0xc: {  	[smem:$0x3FAD] =	sst s4  }
0xd: {  	[smem:$0x3FAE] =	sst s5  }
0xe: {  	[smem:$0x3FAF] =	sst s6  }
0xf: {  	[smem:$0x3FB0] =	sst s7  }
0x10: {  	[smem:$0x3FB1] =	sst s8  }
0x11: {  	[smem:$0x3FB2] =	sst s9;
	s0 =	simm.s32 @!p0 $0x0  }
0x12: {  	s1 =	sld [smem:$0x3F98];
	s0 =	simm.s32 @p0 $0x1  }
0x13: {  	[smem:$0x3FB3] =	sst s0;
	s0 =	simm.s32 @!p1 $0x0  }
0x14: {  	s2 =	sld [smem:$0x3F97];
	s0 =	simm.s32 @p1 $0x1  }
0x15: {  	[smem:$0x3FB4] =	sst s0;
	s0 =	simm.s32 @!p2 $0x0  }
0x16: {  	s3 =	sld [smem:$0x3FDB];
	s0 =	simm.s32 @p2 $0x1  }
0x17: {  	s4 =	simm.s32 $0x1BF5;
	[smem:$0x3FB6] =	sst s0  }
0x18: {  	s0 =	sld [smem:$0x3F99];
	_ =	swait.ge [sflag:s4], $0x0  }
0x19: {  	s7 =	sld [smem:$0x3F9A]  }
0x1a: {  	s8 =	sadd.s32 $0xFFFFE003, lr  }
0x1b: {  	s9 =	sadd.s32 $0xFFFFFEF7, lr;
	s5 =	simm.s32 $0xFFFFFFFF;
	p2 =	slt.u32 s8, $0xFFFFF086  }
0x1c: {  	p1 =	slt.u32 s9, $0xF7A;
	s5 =	simm.s32 @!p2 $0x0  }
0x1d: {  	s5 =	simm.s32 @p1 $0x1;
	p0 =	seq.s32 s7, s2  }
0x1e: {  	s7 =	smul.u32 @!p0 $0xF7A, s2;
	p2 =	seq.s32 @!p0 s5, $0x0  }
0x1f: {  	s9 =	smul.u32 $0xF7A, s1;
	s8 =	simm.s32 @!p0 $0x1BF5;
	p2 =	por !p2, p0  }
0x20: {  	[sflag:s8] =	ssyncset.s32 @!p0 $0xFFFFF086;
	s6 =	sadd.s32 @!p0 s3, s7;
	s7 =	simm.s32 @!p0 $0x108  }
0x21: {  	s3 =	sadd.s32 s3, s9;
	s6 =	sadd.s32 @!p0 $0x88, s6;
	s7 =	simm.s32 @p2 $0x1082  }
0x22: {  	[simem:s7], [sflag:s8] =	dma.local @!p0 [hbm:s6], $0xF7A  }
0x23: {  	s9 =	sor.u32 $0xD0000000, s2;
	s6 =	simm.s32 $0x108;
	_ =	swait.ge @!p0 [sflag:s8], $0x0  }
0x24: {  	s3 =	sadd.s32 $0x88, s3;
	s6 =	simm.s32 @!p1 $0x1082;
	[sflag:s4] =	ssyncset.s32 $0xFFFFF086  }
0x25: {  	[simem:s6], [sflag:s4] =	dma.local [hbm:s3], $0xF7A  }
0x26: {  	[smem:$0x3F9A] =	sst s1;
	(tag) =	ssettag s2;
	_ =	strace s9  }
0x27: {  	s1 =	sld [smem:$0x3FAA]  }
0x28: {  	s2 =	sld [smem:$0x3FAB]  }
0x29: {  	s4 =	sld [smem:$0x3FAD]  }
0x2a: {  	p0 =	seq.s32 s5, $0x0;
	s5 =	sld [smem:$0x3FAE]  }
0x2b: {  	s6 =	sld [smem:$0x3FAF]  }
0x2c: {  	s7 =	sld [smem:$0x3FB0]  }
0x2d: {  	s3 =	simm.s32 $0x108;
	s8 =	sld [smem:$0x3FB1]  }
0x2e: {  	s3 =	simm.s32 @!p0 $0x1082;
	s9 =	sld [smem:$0x3FB2]  }
0x2f: {  	lr =	sadd.s32 s0, s3;
	s0 =	sld [smem:$0x3FA9]  }
0x30: {  	s3 =	sld [smem:$0x3FAC]  }
0x31: {  	[smem:$0x3FB5] =	sst s10  }
0x32: {  	s10 =	sld [smem:$0x3FB3];
	_ =	sdelay $0x3  }
0x33: {  	p0 =	seq.s32 s10, $0x1;
	s10 =	sld [smem:$0x3FB5];
	_ =	sdelay $0x3  }
0x34: {  	[smem:$0x3FB5] =	sst s10  }
0x35: {  	s10 =	sld [smem:$0x3FB4];
	_ =	sdelay $0x3  }
0x36: {  	p1 =	seq.s32 s10, $0x1;
	s10 =	sld [smem:$0x3FB5];
	_ =	sdelay $0x3  }
0x37: {  	[smem:$0x3FB5] =	sst s10  }
0x38: {  	s10 =	sld [smem:$0x3FB6]  }
0x39: {  	_ = 	snop;
	(pc) =	sbr.ind lr, $3  }
0x3a: {  	_ = 	snop  }
0x3b: {  	_ = 	snop  }
0x3c: {  	p2 =	seq.s32 s10, $0x1;
	s10 =	sld [smem:$0x3FB5]  }
0x3d: {  	_ =	shalt  }
0x3e: {  	_ =	shalt  }
0x3f: {  	_ =	shalt  }
0x40: {  	_ =	shalt  }
0x41: {  	_ =	shalt  }
0x42: {  	_ =	shalt  }
0x43: {  	_ =	shalt  }
0x44: {  	_ =	shalt  }
0x45: {  	_ =	shalt  }
0x46: {  	_ =	shalt  }
0x47: {  	_ =	shalt  }
0x48: {  	_ =	shalt  }
0x49: {  	_ =	shalt  }
0x4a: {  	_ =	shalt  }
0x4b: {  	_ =	shalt  }
0x4c: {  	_ =	shalt  }
0x4d: {  	_ =	shalt  }
0x4e: {  	_ =	shalt  }
0x4f: {  	_ =	shalt  }
0x50: {  	_ =	shalt  }
0x51: {  	_ =	shalt  }
0x52: {  	_ =	shalt  }
0x53: {  	_ =	shalt  }
0x54: {  	_ =	shalt  }
0x55: {  	_ =	shalt  }
0x56: {  	_ =	shalt  }
0x57: {  	_ =	shalt  }
0x58: {  	_ =	shalt  }
0x59: {  	_ =	shalt  }
0x5a: {  	_ =	shalt  }
0x5b: {  	_ =	shalt  }
0x5c: {  	_ =	shalt  }
0x5d: {  	_ =	shalt  }
0x5e: {  	_ =	shalt  }
0x5f: {  	_ =	shalt  }
0x60: {  	_ =	shalt  }
0x61: {  	_ =	shalt  }
0x62: {  	_ =	shalt  }
0x63: {  	_ =	shalt  }
0x64: {  	_ =	shalt  }
0x65: {  	_ =	shalt  }
0x66: {  	_ =	shalt  }
0x67: {  	_ =	shalt  }
0x68: {  	_ =	shalt  }
0x69: {  	_ =	shalt  }
0x6a: {  	_ =	shalt  }
0x6b: {  	_ =	shalt  }
0x6c: {  	_ =	shalt  }
0x6d: {  	_ =	shalt  }
0x6e: {  	_ =	shalt  }
0x6f: {  	_ =	shalt  }
0x70: {  	_ =	shalt  }
0x71: {  	_ =	shalt  }
0x72: {  	_ =	shalt  }
0x73: {  	_ =	shalt  }
0x74: {  	_ =	shalt  }
0x75: {  	_ =	shalt  }
0x76: {  	_ =	shalt  }
0x77: {  	_ =	shalt  }
0x78: {  	_ =	shalt  }
0x79: {  	_ =	shalt  }
0x7a: {  	_ =	shalt  }
0x7b: {  	_ =	shalt  }
0x7c: {  	_ =	shalt  }
0x7d: {  	_ =	shalt  }
0x7e: {  	_ =	shalt  }
0x7f: {  	_ =	shalt  }
0x80: {  	_ =	shalt  }
0x81: {  	_ =	shalt  }
0x82: {  	_ =	shalt  }
0x83: {  	_ =	shalt  }
0x84: {  	_ =	shalt  }
0x85: {  	_ =	shalt  }
0x86: {  	_ =	shalt  }
0x87: {  	_ =	shalt  }
.Lfunc_end0:
.L_simem_size_0:
called_computation_lowered:
.L_overlay_start_0:
0x88: {  	s2 =	sld [smem:$0x3FD9]  }
0x89: {  	s3 =	sld [smem:$0x3FFE];
	_ =	sdelay $0x1  }
0x8a: {  	s1 =	srdreg.scid  }
0x8b: {  	s0 =	sand.u32 $0x1, s1  }
0x8c: {  	s17 =	sshll.u32 s0, $0xA;
	s2 =	sadd.s32 s3, s2  }
0x8d: {  	s2 =	sadd.s32 s2, s17  }
0x8e: {  	[smem:$0x3FC1] =	sst s2  }
0x8f: {  	_ = 	snop  }
0x90: {  	s18 =	sld [smem:$0x3FC9]  }
0x91: {  	s4 =	sld [smem:$0x3FC8]  }
0x92: {  	s7 =	sld [smem:$0x3FC6]  }
0x93: {  	s5 =	sld [smem:$0x3FC5]  }
0x94: {  	s6 =	sld [smem:$0x3FC4];
	(tm) =	ssettm $0x1  }
0x95: {  	s19 =	sld [smem:$0x3FFB];
	_ =	sdelay $0x3  }
0x96: {  	_ =	strace s19  }
0x97: {  	s2 =	sld [smem:$0x3FFC];
	_ =	sdelay $0x3  }
0x98: {  	_ =	strace s2  }
0x99: {  	s2 =	sld [smem:$0x3FFD];
	_ =	sdelay $0x3  }
0x9a: {  	_ =	strace s2  }
0x9b: {  	_ =	strace $0x8FFFFFFF  }
0x9c: {  	s20 =	sld [smem:$0x3FDB];
	_ =	sdelay $0x1  }
0x9d: {  	s8 =	simm.s32 $_scs_section_size  }
0x9e: {  	s9 =	simm.s32 $_size__tile_overlayer_lowered;
	s10 =	simm.s32 $_tile_overlayer_lowered  }
0x9f: {  	s11 =	simm.s32 $0x1BFF;
	s21 =	sshll.u32 s10, $0x1;
	s8 =	sadd.s32 s8, s20  }
0xa0: {  	s22 =	simm.s32 $0x0;
	s9 =	sshll.u32 s9, $0x1;
	s10 =	sadd.s32 s21, s8  }
0xa1: {  	[timem:s22], [sflag:s11] =	dma.local [hbm:s10], s9  }
0xa2: {  	_ =	swait.ge [sflag:s11], s9  }
0xa3: {  	s9 =	ssub.s32 $0x0, s9;
	[sflag:s11] =	ssyncset.done $0x0  }
0xa4: {  	[sflag:s11] =	ssyncadd.s32 s9;
	_ =	sdelay $0x1  }
0xa5: {  	s23 =	simm.s32 $0x1B8B  }
0xa6: {  	_ =	swait.ge [sflag:s23], $0x1  }
0xa7: {  	[sflag:s23] =	ssyncset.done $0x0  }
0xa8: {  	[sflag:s23] =	ssyncadd.s32 $0xFFFFFFFF  }
0xa9: {  	s9 =	sld [smem:$0x0]  }
0xaa: {  	s10 =	sand.u32 $0xFFFFFFFE, s1  }
0xab: {  	p0 =	sne.s32 s1, s10  }
0xac: {  	s10 =	sshll.u32 @p0 s10, $0xE  }
0xad: {  	s10 =	sadd.s32 @p0 $0x11B8D, s10;
	s11 =	sshll.u32 @p0 s9, $0x11  }
0xae: {  	s10 =	sor.u32 @p0 s11, s10  }
0xaf: {  	[sflag:s10] =	ssyncadd.remote.s32 @p0 $0x1;
	_ =	sdelay $0x1  }
0xb0: {  	s10 =	simm.s32 @p0 $0x1B8D  }
0xb1: {  	_ =	swait.eq @p0 [sflag:s10], $0x1  }
0xb2: {  	[sflag:s10] =	ssyncadd.s32 @p0 $0xFFFFFFFF  }
0xb3: {  	s11 =	sshll.u32 @!p0 s1, $0xE  }
0xb4: {  	s11 =	sor.u32 @!p0 $0x4000, s11;
	s10 =	simm.s32 @!p0 $0x1B8D  }
0xb5: {  	s9 =	sshll.u32 @!p0 s9, $0x11;
	s11 =	sadd.s32 @!p0 $0x11B8D, s11;
	_ =	swait.eq @!p0 [sflag:s10], $0x1  }
0xb6: {  	s9 =	sor.u32 @!p0 s9, s11;
	[sflag:s10] =	ssyncadd.s32 @!p0 $0xFFFFFFFF  }
0xb7: {  	s25 =	simm.s32 $0x1B8E;
	s24 =	sld [smem:$0x3FFE];
	[sflag:s9] =	ssyncadd.remote.s32 @!p0 $0x1  }
0xb8: {  	s26 =	simm.s32 $execute0_lowered;
	[smem:$0x3FD2] =	sst s25  }
0xb9: {  	s10 =	sshll.u32 s26, $0x1;
	_ =	strace $0x80000049;
	[dreg:$0x1] =	wrdreg $0xFFFFFFFF  }
0xba: {  	s28 =	simm.s32 $_size_execute0_lowered;
	s8 =	sadd.s32 s8, s10;
	[dreg:$0x0] =	wrdreg $0x0  }
0xbb: {  	s10 =	sshll.u32 s28, $0x1;
	[dreg:$0x2] =	wrdreg s8  }
0xbc: {  	[dreg:$0x3] =	wrdreg s10  }
0xbd: {  	[dreg:$0x4] =	wrdreg $0xC0  }
0xbe: {  	_ =	task [dreg:s22], $0x5FFFF  }
0xbf: {  	[dreg:$0x1] =	wrdreg $0xFFFFFFFF  }
0xc0: {  	[dreg:$0x0] =	wrdreg $0x60  }
0xc1: {  	[dreg:$0x2] =	wrdreg s7  }
0xc2: {  	[dreg:$0x3] =	wrdreg s18  }
0xc3: {  	[dreg:$0x4] =	wrdreg s4  }
0xc4: {  	[dreg:$0x5] =	wrdreg s5  }
0xc5: {  	[dreg:$0x6] =	wrdreg s6  }
0xc6: {  	[dreg:$0x7] =	wrdreg s24  }
0xc7: {  	[dreg:$0x8] =	wrdreg $0x9  }
0xc8: {  	_ =	task.clear_ibuf [dreg:s22], $0x9FFFF;
	_ =	strace $0x90000049  }
0xc9: {  	s29 =	simm.s32 $0x9;
	_ =	strace $0x8000004B  }
0xca: {  	_ =	swait.ge [sflag:s29], $0x1  }
0xcb: {  	[sflag:s29] =	ssyncadd.s32 $0xFFFFFFFF  }
0xcc: {  	_ =	strace $0x9000004B  }
0xcd: {  	_ =	sfence  }
0xce: {  	s30 =	sld [smem:$0x0];
	_ =	sdelay $0x2  }
0xcf: {  	s31 =	sshll.u32 s1, $0xD;
	s1 =	sshrl.u32 s1, $0x2  }
0xd0: {  	s4 =	sand.u32 $0x4000, s31;
	s1 =	sadd.s32 s1, s30  }
0xd1: {  	s0 =	sor.u32 s4, s0;
	s1 =	sshll.u32 s1, $0x11  }
0xd2: {  	s0 =	sor.u32 s1, s0  }
0xd3: {  	s0 =	sadd.s32 $0x8F2B, s0  }
0xd4: {  	[sflag:s0] =	ssyncadd.remote.s32 $0x1  }
0xd5: {  	_ =	sfence.sel $0xFFFF  }
0xd6: {  	[dreg:$0x0] =	wrdreg $0xFFFFFFFF;
	(pc) =	sbr.abs _section_cstart, $3  }
0xd7: {  	[dreg:$0x1] =	wrdreg $0xFFFFFFFF  }
0xd8: {  	_ =	task.clear_ibuf [dreg:s22], $0x2FFFF;
	_ =	strace $0x9FFFFFFF  }
0xd9: {  	(tm) =	ssettm $0x7FFFFFFF  }
tec
execute0_lowered:
.L_overlay_start_1:
0x0: {  	(tag) =	ssettag $0x1  }
0x1: {  	s0 =	rddreg [dreg:$0x0]  }
0x2: {  	s1 =	rddreg [dreg:$0x1]  }
0x3: {  	s2 =	rddreg [dreg:$0x2]  }
0x4: {  	s3 =	rddreg [dreg:$0x3]  }
0x5: {  	s4 =	rddreg [dreg:$0x4];
	s5 =	srdreg.scid  }
0x6: {  	s6 =	stileid.u32;
	s29 =	simm.s32 $0x3;
	[dreg:$0x7] =	wrdreg s3  }
0x7: {  	s30 =	simm.s32 $0x2;
	[dreg:$0x8] =	wrdreg s4;
	s5 =	sand.u32 $0x1, s5  }
0x8: {  	s3 =	simm.s32 $0x0;
	s6 =	sshll.u32 s6, $0x8;
	s7 =	sshll.u32 s5, $0x7  }
0x9: {  	s31 =	simm.s32 $0x4;
	[smem:$0x7FF] =	sst s3;
	s6 =	sor.u32 s7, s6  }
0xa: {  	s4 =	rddreg [dreg:$0x5];
	_ =	strace $0x8000004A;
	s7 =	sshll.u32 s6, $0x9  }
0xb: {  	s8 =	sshrl.u32 s6, $0x3;
	s6 =	sshll.u32 s6, $0x4;
	s19 =	sadd.s32 s7, s4  }
0xc: {  	s1 =	sadd.s32 s1, s8;
	s4 =	sadd.s32 s6, s4;
	s7 =	sadd.s32 s2, s8  }
0xd: {  	s8 =	ssub.s32 $0x2, s5;
	s6 =	sadd.s32 $0x300, s0;
	[dreg:$0x9] =	wrdreg s1  }
0xe: {  	[dreg:$0xa] =	wrdreg s7;
	s9 =	sadd.s32 $0x502000, s4;
	s5 =	sshrl.u32 s8, $0x1  }
0xf: {  	s10 =	sadd.s32 $0x512000, s4;
	s11 =	sadd.s32 $0x522000, s19;
	[dreg:$0xb] =	wrdreg s9  }
0x10: {  	s4 =	sadd.s32 $0x100, s0;
	s12 =	sadd.s32 $0x523000, s19;
	[dreg:$0xc] =	wrdreg s10  }
0x11: {  	s13 =	sadd.s32 $0x524000, s19;
	s14 =	sadd.s32 $0x525000, s19;
	[dreg:$0xd] =	wrdreg s11  }
0x12: {  	s7 =	sadd.s32 $0x400, s0;
	s15 =	sadd.s32 $0x526000, s19;
	[dreg:$0xe] =	wrdreg s12  }
0x13: {  	s16 =	sadd.s32 $0x527000, s19;
	s17 =	sadd.s32 $0x528000, s19;
	[dreg:$0xf] =	wrdreg s13  }
0x14: {  	s18 =	sadd.s32 $0x529000, s19;
	s20 =	sadd.s32 $0x52A000, s19;
	[dreg:$0x10] =	wrdreg s14  }
0x15: {  	s21 =	sadd.s32 $0x52B000, s19;
	s22 =	sadd.s32 $0x52C000, s19;
	[dreg:$0x11] =	wrdreg s15  }
0x16: {  	s23 =	sadd.s32 $0x52D000, s19;
	s24 =	sadd.s32 $0x52E000, s19;
	[dreg:$0x12] =	wrdreg s16  }
0x17: {  	s25 =	sadd.s32 $0x52F000, s19;
	s26 =	sadd.s32 $0x530000, s19;
	[dreg:$0x13] =	wrdreg s17  }
0x18: {  	s28 =	sadd.s32 $0x531000, s19;
	s19 =	simm.s32 $0x8180;
	[dreg:$0x14] =	wrdreg s18  }
0x19: {  	s1 =	simm.s32 $0x180;
	s2 =	ssub.s32 s8, s5;
	[dreg:$0x15] =	wrdreg s20  }
0x1a: {  	s5 =	sadd.s32 $0x200, s0;
	s8 =	sadd.s32 $0x500, s0;
	[dreg:$0x16] =	wrdreg s21  }
0x1b: {  	s9 =	sadd.s32 $0x600, s0;
	s10 =	sadd.s32 $0x700, s0;
	[dreg:$0x17] =	wrdreg s22  }
0x1c: {  	s11 =	sadd.s32 $0x800, s0;
	s12 =	sadd.s32 $0x900, s0;
	[dreg:$0x18] =	wrdreg s23  }
0x1d: {  	s13 =	sadd.s32 $0xA00, s0;
	s14 =	sadd.s32 $0xB00, s0;
	[dreg:$0x19] =	wrdreg s24  }
0x1e: {  	v0 =	vlaneseq.u32;
	s15 =	sadd.s32 $0xC00, s0;
	s16 =	sadd.s32 $0xD00, s0;
	[dreg:$0x1a] =	wrdreg s25  }
0x1f: {  	v1 =	vshrl.u32 v0, $0x3;
	s17 =	sadd.s32 $0xE00, s0;
	s18 =	sadd.s32 $0xF00, s0;
	[dreg:$0x1b] =	wrdreg s26  }
0x20: {  	vm0 =	vmmov $0xffff;
	v0 =	vand.u32 $0x7, v0;
	v1 =	vmul.u32 $0x8, v1;
	[dreg:$0x1c] =	wrdreg s28;
	s24 =	simm.s32 $0x1;
	s2 =	smax.u32 s2, $0x1  }
.LBB2_1:
0x21: {  	[dreg:$0x1d] =	wrdreg s2  }
0x22: {  	s25 =	rddreg [dreg:$0x9];
	s20 =	simm.s32 $0x5  }
0x23: {  	[tilespmem:s3], [sflag:$0x5] =	stream.linear.gather [hbm4b:s25+s3], $0x80, $0x38;
	[tilespmem:$0x14180] =	vst v63  }
0x24: {  	_ =	swait.ge [sflag:s20], $0x80  }
0x25: {  	[sflag:s20] =	ssyncset.done $0x0  }
0x26: {  	s22 =	simm.s32 $0x80;
	s26 =	rddreg [dreg:$0xa];
	[sflag:s20] =	ssyncadd.s32 $0xFFFFFF80  }
0x27: {  	[tilespmem:s22], [sflag:$0x5] =	stream.linear.gather [hbm4b:s26+s3], $0x80, $0x38;
	[tilespmem:$0x14180] =	vst v63  }
0x28: {  	_ =	swait.ge [sflag:s20], $0x80  }
0x29: {  	[sflag:s20] =	ssyncset.done $0x0  }
0x2a: {  	[sflag:s20] =	ssyncadd.s32 $0xFFFFFF80  }
0x2b: {  	v2 =	vld [tilespmem:$0x0]  }
0x2c: {  	v3 =	vld [tilespmem:$0x10]  }
0x2d: {  	v4 =	vld [tilespmem:$0x20]  }
0x2e: {  	v5 =	vld [tilespmem:$0x30]  }
0x2f: {  	v6 =	vld [tilespmem:$0x40]  }
0x30: {  	v7 =	vld [tilespmem:$0x50];
	v2 =	vshra.s32 v2, $0x7  }
0x31: {  	[tilespmem:$0x100] =	vst v2;
	v2 =	vshra.s32 v3, $0x7;
	v3 =	vld [tilespmem:$0x60]  }
0x32: {  	v58 =	vld [tilespmem:$0x70];
	[tilespmem:$0x110] =	vst v2;
	v2 =	vshra.s32 v4, $0x7  }
0x33: {  	[tilespmem:$0x120] =	vst v2;
	v2 =	vshra.s32 v5, $0x7  }
0x34: {  	[tilespmem:$0x130] =	vst v2;
	v2 =	vshra.s32 v6, $0x7  }
0x35: {  	[tilespmem:$0x140] =	vst v2;
	v2 =	vshra.s32 v7, $0x7  }
0x36: {  	[tilespmem:$0x150] =	vst v2;
	v2 =	vshra.s32 v3, $0x7  }
0x37: {  	[tilespmem:$0x160] =	vst v2;
	v2 =	vshra.s32 v58, $0x7  }
0x38: {  	s21 =	simm.s32 $0x100;
	s23 =	simm.s32 $0x10180;
	s28 =	rddreg [dreg:$0x7];
	[tilespmem:$0x170] =	vst v2  }
0x39: {  	[tilespmem:s23], [sflag:$0x1] =	stream.indirect.gather [hbm4b:s28+s22], $0x80, s21, s22, $0xb8;
	[tilespmem:$0x14180] =	vst v63  }
0x3a: {  	_ =	swait.ge [sflag:s24], $0x4000  }
0x3b: {  	[sflag:s24] =	ssyncset.done $0x0  }
0x3c: {  	s0 =	rddreg [dreg:$0xb];
	[sflag:s24] =	ssyncadd.s32 $0xFFFFC000  }
0x3d: {  	[hbm4b:s0+s3] =	stream.linear.scatter [tilespmem:s23], [sflag:$0x5], $0x4000, $0x38;
	[tilespmem:$0x14180] =	vst v63  }
0x3e: {  	_ =	swait.ge [sflag:s20], $0x4000  }
0x3f: {  	[sflag:s20] =	ssyncset.done $0x0  }
0x40: {  	[sflag:s20] =	ssyncadd.s32 $0xFFFFC000  }
0x41: {  	v2 =	vld [tilespmem:$0x80]  }
0x42: {  	v3 =	vld [tilespmem:$0x90]  }
0x43: {  	v59 =	vld [tilespmem:$0xA0]  }
0x44: {  	v60 =	vld [tilespmem:$0xB0]  }
0x45: {  	v61 =	vld [tilespmem:$0xC0]  }
0x46: {  	v62 =	vld [tilespmem:$0xD0];
	v2 =	vshra.s32 v2, $0x7  }
0x47: {  	[tilespmem:$0x100] =	vst v2;
	v2 =	vshra.s32 v3, $0x7;
	v3 =	vld [tilespmem:$0xE0]  }
0x48: {  	v63 =	vld [tilespmem:$0xF0];
	[tilespmem:$0x110] =	vst v2;
	v2 =	vshra.s32 v59, $0x7  }
0x49: {  	[tilespmem:$0x120] =	vst v2;
	v2 =	vshra.s32 v60, $0x7  }
0x4a: {  	[tilespmem:$0x130] =	vst v2;
	v2 =	vshra.s32 v61, $0x7  }
0x4b: {  	[tilespmem:$0x140] =	vst v2;
	v2 =	vshra.s32 v62, $0x7  }
0x4c: {  	[tilespmem:$0x150] =	vst v2;
	v2 =	vshra.s32 v3, $0x7  }
0x4d: {  	[tilespmem:$0x160] =	vst v2;
	v2 =	vshra.s32 v63, $0x7  }
0x4e: {  	s25 =	rddreg [dreg:$0x8];
	[tilespmem:$0x170] =	vst v2  }
0x4f: {  	[tilespmem:s23], [sflag:$0x1] =	stream.indirect.gather [hbm4b:s25+s22], $0x80, s21, s22, $0xb8;
	[tilespmem:$0x14180] =	vst v63  }
0x50: {  	_ =	swait.ge [sflag:s24], $0x4000  }
0x51: {  	[sflag:s24] =	ssyncset.done $0x0  }
0x52: {  	s26 =	rddreg [dreg:$0xc];
	[sflag:s24] =	ssyncadd.s32 $0xFFFFC000  }
0x53: {  	[hbm4b:s26+s3] =	stream.linear.scatter [tilespmem:s23], [sflag:$0x5], $0x4000, $0x38;
	[tilespmem:$0x14180] =	vst v63  }
0x54: {  	_ =	swait.ge [sflag:s20], $0x4000  }
0x55: {  	[sflag:s20] =	ssyncset.done $0x0  }
0x56: {  	[sflag:s20] =	ssyncadd.s32 $0xFFFFC000  }
0x57: {  	v2 =	vld.msk [tilespmem:$0x0], $0xff;
	_ =	sdelay $0x4  }
0x58: {  	v3 =	vshll.u32 v2, $0x5  }
0x59: {  	v2 =	vand.u32 $0x7, v2;
	v3 =	vand.u32 $0xFFFFFF00, v3  }
0x5a: {  	v2 =	vor.u32 v2, v3  }
0x5b: {  	v2 =	vperm.xlane v2, v0;
	_ =	sdelay $0x1  }
0x5c: {  	v2 =	vadd.s32 v1, v2;
	_ =	sdelay $0x3  }
0x5d: {  	s0 =	rddreg [dreg:$0x0]  }
0x5e: {  	[tilespmem:s1], [sflag:$0x1] =	stream.indirect_vreg.gather [hbm4b:s0+s3], $0x80, v2, vm0, $0xb8;
	[tilespmem:$0x14180] =	vst v63  }
0x5f: {  	s28 =	simm.s32 $0x980  }
0x60: {  	[tilespmem:s28], [sflag:$0x1] =	stream.indirect_vreg.gather [hbm4b:s4+s3], $0x80, v2, vm0, $0xb8;
	[tilespmem:$0x14180] =	vst v63  }
0x61: {  	s20 =	simm.s32 $0x1180  }
0x62: {  	[tilespmem:s20], [sflag:$0x1] =	stream.indirect_vreg.gather [hbm4b:s5+s3], $0x80, v2, vm0, $0xb8;
	[tilespmem:$0x14180] =	vst v63  }
0x63: {  	s21 =	simm.s32 $0x1980  }
0x64: {  	[tilespmem:s21], [sflag:$0x1] =	stream.indirect_vreg.gather [hbm4b:s6+s3], $0x80, v2, vm0, $0xb8;
	[tilespmem:$0x14180] =	vst v63  }
0x65: {  	s22 =	simm.s32 $0x2180  }
0x66: {  	[tilespmem:s22], [sflag:$0x1] =	stream.indirect_vreg.gather [hbm4b:s7+s3], $0x80, v2, vm0, $0xb8;
	[tilespmem:$0x14180] =	vst v63  }
0x67: {  	s23 =	simm.s32 $0x2980  }
0x68: {  	[tilespmem:s23], [sflag:$0x1] =	stream.indirect_vreg.gather [hbm4b:s8+s3], $0x80, v2, vm0, $0xb8;
	[tilespmem:$0x14180] =	vst v63  }
0x69: {  	s25 =	simm.s32 $0x3180  }
0x6a: {  	[tilespmem:s25], [sflag:$0x1] =	stream.indirect_vreg.gather [hbm4b:s9+s3], $0x80, v2, vm0, $0xb8;
	[tilespmem:$0x14180] =	vst v63  }
0x6b: {  	s26 =	simm.s32 $0x3980  }
0x6c: {  	[tilespmem:s26], [sflag:$0x1] =	stream.indirect_vreg.gather [hbm4b:s10+s3], $0x80, v2, vm0, $0xb8;
	[tilespmem:$0x14180] =	vst v63  }
0x6d: {  	s28 =	simm.s32 $0x4180  }
0x6e: {  	[tilespmem:s28], [sflag:$0x1] =	stream.indirect_vreg.gather [hbm4b:s11+s3], $0x80, v2, vm0, $0xb8;
	[tilespmem:$0x14180] =	vst v63  }
0x6f: {  	s20 =	simm.s32 $0x4980  }
0x70: {  	[tilespmem:s20], [sflag:$0x1] =	stream.indirect_vreg.gather [hbm4b:s12+s3], $0x80, v2, vm0, $0xb8;
	[tilespmem:$0x14180] =	vst v63  }
0x71: {  	s20 =	simm.s32 $0x5180  }
0x72: {  	[tilespmem:s20], [sflag:$0x1] =	stream.indirect_vreg.gather [hbm4b:s13+s3], $0x80, v2, vm0, $0xb8;
	[tilespmem:$0x14180] =	vst v63  }
0x73: {  	s20 =	simm.s32 $0x5980  }
0x74: {  	[tilespmem:s20], [sflag:$0x1] =	stream.indirect_vreg.gather [hbm4b:s14+s3], $0x80, v2, vm0, $0xb8;
	[tilespmem:$0x14180] =	vst v63  }
0x75: {  	s20 =	simm.s32 $0x6180  }
0x76: {  	[tilespmem:s20], [sflag:$0x1] =	stream.indirect_vreg.gather [hbm4b:s15+s3], $0x80, v2, vm0, $0xb8;
	[tilespmem:$0x14180] =	vst v63  }
0x77: {  	s20 =	simm.s32 $0x6980  }
0x78: {  	[tilespmem:s20], [sflag:$0x1] =	stream.indirect_vreg.gather [hbm4b:s16+s3], $0x80, v2, vm0, $0xb8;
	[tilespmem:$0x14180] =	vst v63  }
0x79: {  	s20 =	simm.s32 $0x7180  }
0x7a: {  	[tilespmem:s20], [sflag:$0x1] =	stream.indirect_vreg.gather [hbm4b:s17+s3], $0x80, v2, vm0, $0xb8;
	[tilespmem:$0x14180] =	vst v63  }
0x7b: {  	s20 =	simm.s32 $0x7980  }
0x7c: {  	[tilespmem:s20], [sflag:$0x1] =	stream.indirect_vreg.gather [hbm4b:s18+s3], $0x80, v2, vm0, $0xb8;
	[tilespmem:$0x14180] =	vst v63  }
0x7d: {  	v2 =	vld.msk [tilespmem:$0x8], $0xff;
	_ =	sdelay $0x4  }
0x7e: {  	v3 =	vshll.u32 v2, $0x5  }
0x7f: {  	v2 =	vand.u32 $0x7, v2;
	v3 =	vand.u32 $0xFFFFFF00, v3  }
0x80: {  	v2 =	vor.u32 v2, v3  }
0x81: {  	v2 =	vperm.xlane v2, v0;
	_ =	sdelay $0x1  }
0x82: {  	v2 =	vadd.s32 v1, v2;
	_ =	sdelay $0x4  }
0x83: {  	[tilespmem:s19], [sflag:$0x2] =	stream.indirect_vreg.gather [hbm4b:s0+s3], $0x80, v2, vm0, $0xb8;
	[tilespmem:$0x14180] =	vst v63  }
0x84: {  	s2 =	simm.s32 $0x8980  }
0x85: {  	[tilespmem:s2], [sflag:$0x2] =	stream.indirect_vreg.gather [hbm4b:s4+s3], $0x80, v2, vm0, $0xb8;
	[tilespmem:$0x14180] =	vst v63  }
0x86: {  	s2 =	simm.s32 $0x9180  }
0x87: {  	[tilespmem:s2], [sflag:$0x2] =	stream.indirect_vreg.gather [hbm4b:s5+s3], $0x80, v2, vm0, $0xb8;
	[tilespmem:$0x14180] =	vst v63  }
0x88: {  	s2 =	simm.s32 $0x9980  }
0x89: {  	[tilespmem:s2], [sflag:$0x2] =	stream.indirect_vreg.gather [hbm4b:s6+s3], $0x80, v2, vm0, $0xb8;
	[tilespmem:$0x14180] =	vst v63  }
0x8a: {  	s2 =	simm.s32 $0xA180  }
0x8b: {  	[tilespmem:s2], [sflag:$0x2] =	stream.indirect_vreg.gather [hbm4b:s7+s3], $0x80, v2, vm0, $0xb8;
	[tilespmem:$0x14180] =	vst v63  }
0x8c: {  	s2 =	simm.s32 $0xA980  }
0x8d: {  	[tilespmem:s2], [sflag:$0x2] =	stream.indirect_vreg.gather [hbm4b:s8+s3], $0x80, v2, vm0, $0xb8;
	[tilespmem:$0x14180] =	vst v63  }
0x8e: {  	s2 =	simm.s32 $0xB180  }
0x8f: {  	[tilespmem:s2], [sflag:$0x2] =	stream.indirect_vreg.gather [hbm4b:s9+s3], $0x80, v2, vm0, $0xb8;
	[tilespmem:$0x14180] =	vst v63  }
0x90: {  	s2 =	simm.s32 $0xB980  }
0x91: {  	[tilespmem:s2], [sflag:$0x2] =	stream.indirect_vreg.gather [hbm4b:s10+s3], $0x80, v2, vm0, $0xb8;
	[tilespmem:$0x14180] =	vst v63  }
0x92: {  	s2 =	simm.s32 $0xC180  }
0x93: {  	[tilespmem:s2], [sflag:$0x2] =	stream.indirect_vreg.gather [hbm4b:s11+s3], $0x80, v2, vm0, $0xb8;
	[tilespmem:$0x14180] =	vst v63  }
0x94: {  	s2 =	simm.s32 $0xC980  }
0x95: {  	[tilespmem:s2], [sflag:$0x2] =	stream.indirect_vreg.gather [hbm4b:s12+s3], $0x80, v2, vm0, $0xb8;
	[tilespmem:$0x14180] =	vst v63  }
0x96: {  	s2 =	simm.s32 $0xD180  }
0x97: {  	[tilespmem:s2], [sflag:$0x2] =	stream.indirect_vreg.gather [hbm4b:s13+s3], $0x80, v2, vm0, $0xb8;
	[tilespmem:$0x14180] =	vst v63  }
0x98: {  	s2 =	simm.s32 $0xD980  }
0x99: {  	[tilespmem:s2], [sflag:$0x2] =	stream.indirect_vreg.gather [hbm4b:s14+s3], $0x80, v2, vm0, $0xb8;
	[tilespmem:$0x14180] =	vst v63  }
0x9a: {  	s2 =	simm.s32 $0xE180  }
0x9b: {  	[tilespmem:s2], [sflag:$0x2] =	stream.indirect_vreg.gather [hbm4b:s15+s3], $0x80, v2, vm0, $0xb8;
	[tilespmem:$0x14180] =	vst v63  }
0x9c: {  	s2 =	simm.s32 $0xE980  }
0x9d: {  	[tilespmem:s2], [sflag:$0x2] =	stream.indirect_vreg.gather [hbm4b:s16+s3], $0x80, v2, vm0, $0xb8;
	[tilespmem:$0x14180] =	vst v63  }
0x9e: {  	s2 =	simm.s32 $0xF180  }
0x9f: {  	[tilespmem:s2], [sflag:$0x2] =	stream.indirect_vreg.gather [hbm4b:s17+s3], $0x80, v2, vm0, $0xb8;
	[tilespmem:$0x14180] =	vst v63  }
0xa0: {  	s2 =	simm.s32 $0xF980  }
0xa1: {  	[tilespmem:s2], [sflag:$0x2] =	stream.indirect_vreg.gather [hbm4b:s18+s3], $0x80, v2, vm0, $0xb8;
	[tilespmem:$0x14180] =	vst v63  }
0xa2: {  	_ =	swait.ge [sflag:s24], $0x8000  }
0xa3: {  	[sflag:s24] =	ssyncset.done $0x0  }
0xa4: {  	s2 =	rddreg [dreg:$0xd];
	[sflag:s24] =	ssyncadd.s32 $0xFFFF8000  }
0xa5: {  	[hbm4b:s2+s3] =	stream.linear.scatter [tilespmem:s1], [sflag:$0x3], $0x8000, $0x38;
	[tilespmem:$0x14180] =	vst v63  }
0xa6: {  	_ =	swait.ge [sflag:s29], $0x8000  }
0xa7: {  	[sflag:s29] =	ssyncset.done $0x0  }
0xa8: {  	[sflag:s29] =	ssyncadd.s32 $0xFFFF8000  }
0xa9: {  	v2 =	vld.msk [tilespmem:$0x10], $0xff;
	_ =	sdelay $0x4  }
0xaa: {  	v3 =	vshll.u32 v2, $0x5  }
0xab: {  	v2 =	vand.u32 $0x7, v2;
	v3 =	vand.u32 $0xFFFFFF00, v3  }
0xac: {  	v2 =	vor.u32 v2, v3  }
0xad: {  	v2 =	vperm.xlane v2, v0;
	_ =	sdelay $0x1  }
0xae: {  	v2 =	vadd.s32 v1, v2;
	_ =	sdelay $0x4  }
0xaf: {  	[tilespmem:s1], [sflag:$0x1] =	stream.indirect_vreg.gather [hbm4b:s0+s3], $0x80, v2, vm0, $0xb8;
	[tilespmem:$0x14180] =	vst v63  }
0xb0: {  	s2 =	simm.s32 $0x980  }
0xb1: {  	[tilespmem:s2], [sflag:$0x1] =	stream.indirect_vreg.gather [hbm4b:s4+s3], $0x80, v2, vm0, $0xb8;
	[tilespmem:$0x14180] =	vst v63  }
0xb2: {  	s2 =	simm.s32 $0x1180  }
0xb3: {  	[tilespmem:s2], [sflag:$0x1] =	stream.indirect_vreg.gather [hbm4b:s5+s3], $0x80, v2, vm0, $0xb8;
	[tilespmem:$0x14180] =	vst v63  }
0xb4: {  	s21 =	simm.s32 $0x1980  }
0xb5: {  	[tilespmem:s21], [sflag:$0x1] =	stream.indirect_vreg.gather [hbm4b:s6+s3], $0x80, v2, vm0, $0xb8;
	[tilespmem:$0x14180] =	vst v63  }
0xb6: {  	s22 =	simm.s32 $0x2180  }
0xb7: {  	[tilespmem:s22], [sflag:$0x1] =	stream.indirect_vreg.gather [hbm4b:s7+s3], $0x80, v2, vm0, $0xb8;
	[tilespmem:$0x14180] =	vst v63  }
0xb8: {  	s23 =	simm.s32 $0x2980  }
0xb9: {  	[tilespmem:s23], [sflag:$0x1] =	stream.indirect_vreg.gather [hbm4b:s8+s3], $0x80, v2, vm0, $0xb8;
	[tilespmem:$0x14180] =	vst v63  }
0xba: {  	s25 =	simm.s32 $0x3180  }
0xbb: {  	[tilespmem:s25], [sflag:$0x1] =	stream.indirect_vreg.gather [hbm4b:s9+s3], $0x80, v2, vm0, $0xb8;
	[tilespmem:$0x14180] =	vst v63  }
0xbc: {  	s26 =	simm.s32 $0x3980  }
0xbd: {  	[tilespmem:s26], [sflag:$0x1] =	stream.indirect_vreg.gather [hbm4b:s10+s3], $0x80, v2, vm0, $0xb8;
	[tilespmem:$0x14180] =	vst v63  }
0xbe: {  	s28 =	simm.s32 $0x4180  }
0xbf: {  	[tilespmem:s28], [sflag:$0x1] =	stream.indirect_vreg.gather [hbm4b:s11+s3], $0x80, v2, vm0, $0xb8;
	[tilespmem:$0x14180] =	vst v63  }
0xc0: {  	s21 =	simm.s32 $0x4980  }
0xc1: {  	[tilespmem:s21], [sflag:$0x1] =	stream.indirect_vreg.gather [hbm4b:s12+s3], $0x80, v2, vm0, $0xb8;
	[tilespmem:$0x14180] =	vst v63  }
0xc2: {  	s22 =	simm.s32 $0x5180  }
0xc3: {  	[tilespmem:s22], [sflag:$0x1] =	stream.indirect_vreg.gather [hbm4b:s13+s3], $0x80, v2, vm0, $0xb8;
	[tilespmem:$0x14180] =	vst v63  }
0xc4: {  	s23 =	simm.s32 $0x5980  }
0xc5: {  	[tilespmem:s23], [sflag:$0x1] =	stream.indirect_vreg.gather [hbm4b:s14+s3], $0x80, v2, vm0, $0xb8;
	[tilespmem:$0x14180] =	vst v63  }
0xc6: {  	s25 =	simm.s32 $0x6180  }
0xc7: {  	[tilespmem:s25], [sflag:$0x1] =	stream.indirect_vreg.gather [hbm4b:s15+s3], $0x80, v2, vm0, $0xb8;
	[tilespmem:$0x14180] =	vst v63  }
0xc8: {  	s26 =	simm.s32 $0x6980  }
0xc9: {  	[tilespmem:s26], [sflag:$0x1] =	stream.indirect_vreg.gather [hbm4b:s16+s3], $0x80, v2, vm0, $0xb8;
	[tilespmem:$0x14180] =	vst v63  }
0xca: {  	s28 =	simm.s32 $0x7180  }
0xcb: {  	[tilespmem:s28], [sflag:$0x1] =	stream.indirect_vreg.gather [hbm4b:s17+s3], $0x80, v2, vm0, $0xb8;
	[tilespmem:$0x14180] =	vst v63  }
0xcc: {  	s20 =	simm.s32 $0x7980  }
0xcd: {  	[tilespmem:s20], [sflag:$0x1] =	stream.indirect_vreg.gather [hbm4b:s18+s3], $0x80, v2, vm0, $0xb8;
	[tilespmem:$0x14180] =	vst v63  }
0xce: {  	_ =	swait.ge [sflag:s30], $0x8000  }
0xcf: {  	[sflag:s30] =	ssyncset.done $0x0  }
0xd0: {  	s21 =	rddreg [dreg:$0xe];
	[sflag:s30] =	ssyncadd.s32 $0xFFFF8000  }
0xd1: {  	[hbm4b:s21+s3] =	stream.linear.scatter [tilespmem:s19], [sflag:$0x4], $0x8000, $0x38;
	[tilespmem:$0x14180] =	vst v63  }
0xd2: {  	_ =	swait.ge [sflag:s31], $0x8000  }
0xd3: {  	[sflag:s31] =	ssyncset.done $0x0  }
0xd4: {  	[sflag:s31] =	ssyncadd.s32 $0xFFFF8000  }
0xd5: {  	v2 =	vld.msk [tilespmem:$0x18], $0xff;
	_ =	sdelay $0x4  }
0xd6: {  	v3 =	vshll.u32 v2, $0x5  }
0xd7: {  	v2 =	vand.u32 $0x7, v2;
	v3 =	vand.u32 $0xFFFFFF00, v3  }
0xd8: {  	v2 =	vor.u32 v2, v3  }
0xd9: {  	v2 =	vperm.xlane v2, v0;
	_ =	sdelay $0x1  }
0xda: {  	v2 =	vadd.s32 v1, v2;
	_ =	sdelay $0x4  }
0xdb: {  	[tilespmem:s19], [sflag:$0x2] =	stream.indirect_vreg.gather [hbm4b:s0+s3], $0x80, v2, vm0, $0xb8;
	[tilespmem:$0x14180] =	vst v63  }
0xdc: {  	s22 =	simm.s32 $0x8980  }
0xdd: {  	[tilespmem:s22], [sflag:$0x2] =	stream.indirect_vreg.gather [hbm4b:s4+s3], $0x80, v2, vm0, $0xb8;
	[tilespmem:$0x14180] =	vst v63  }
0xde: {  	s23 =	simm.s32 $0x9180  }
0xdf: {  	[tilespmem:s23], [sflag:$0x2] =	stream.indirect_vreg.gather [hbm4b:s5+s3], $0x80, v2, vm0, $0xb8;
	[tilespmem:$0x14180] =	vst v63  }
0xe0: {  	s25 =	simm.s32 $0x9980  }
0xe1: {  	[tilespmem:s25], [sflag:$0x2] =	stream.indirect_vreg.gather [hbm4b:s6+s3], $0x80, v2, vm0, $0xb8;
	[tilespmem:$0x14180] =	vst v63  }
0xe2: {  	s26 =	simm.s32 $0xA180  }
0xe3: {  	[tilespmem:s26], [sflag:$0x2] =	stream.indirect_vreg.gather [hbm4b:s7+s3], $0x80, v2, vm0, $0xb8;
	[tilespmem:$0x14180] =	vst v63  }
0xe4: {  	s28 =	simm.s32 $0xA980  }
0xe5: {  	[tilespmem:s28], [sflag:$0x2] =	stream.indirect_vreg.gather [hbm4b:s8+s3], $0x80, v2, vm0, $0xb8;
	[tilespmem:$0x14180] =	vst v63  }
0xe6: {  	s22 =	simm.s32 $0xB180  }
0xe7: {  	[tilespmem:s22], [sflag:$0x2] =	stream.indirect_vreg.gather [hbm4b:s9+s3], $0x80, v2, vm0, $0xb8;
	[tilespmem:$0x14180] =	vst v63  }
0xe8: {  	s23 =	simm.s32 $0xB980  }
0xe9: {  	[tilespmem:s23], [sflag:$0x2] =	stream.indirect_vreg.gather [hbm4b:s10+s3], $0x80, v2, vm0, $0xb8;
	[tilespmem:$0x14180] =	vst v63  }
0xea: {  	s28 =	simm.s32 $0xC180  }
0xeb: {  	[tilespmem:s28], [sflag:$0x2] =	stream.indirect_vreg.gather [hbm4b:s11+s3], $0x80, v2, vm0, $0xb8;
	[tilespmem:$0x14180] =	vst v63  }
0xec: {  	s2 =	simm.s32 $0xC980  }
0xed: {  	[tilespmem:s2], [sflag:$0x2] =	stream.indirect_vreg.gather [hbm4b:s12+s3], $0x80, v2, vm0, $0xb8;
	[tilespmem:$0x14180] =	vst v63  }
0xee: {  	s2 =	simm.s32 $0xD180  }
0xef: {  	[tilespmem:s2], [sflag:$0x2] =	stream.indirect_vreg.gather [hbm4b:s13+s3], $0x80, v2, vm0, $0xb8;
	[tilespmem:$0x14180] =	vst v63  }
0xf0: {  	s2 =	simm.s32 $0xD980  }
0xf1: {  	[tilespmem:s2], [sflag:$0x2] =	stream.indirect_vreg.gather [hbm4b:s14+s3], $0x80, v2, vm0, $0xb8;
	[tilespmem:$0x14180] =	vst v63  }
0xf2: {  	s2 =	simm.s32 $0xE180  }
0xf3: {  	[tilespmem:s2], [sflag:$0x2] =	stream.indirect_vreg.gather [hbm4b:s15+s3], $0x80, v2, vm0, $0xb8;
	[tilespmem:$0x14180] =	vst v63  }
0xf4: {  	s2 =	simm.s32 $0xE980  }
0xf5: {  	[tilespmem:s2], [sflag:$0x2] =	stream.indirect_vreg.gather [hbm4b:s16+s3], $0x80, v2, vm0, $0xb8;
	[tilespmem:$0x14180] =	vst v63  }
0xf6: {  	s2 =	simm.s32 $0xF180  }
0xf7: {  	[tilespmem:s2], [sflag:$0x2] =	stream.indirect_vreg.gather [hbm4b:s17+s3], $0x80, v2, vm0, $0xb8;
	[tilespmem:$0x14180] =	vst v63  }
0xf8: {  	s2 =	simm.s32 $0xF980  }
0xf9: {  	[tilespmem:s2], [sflag:$0x2] =	stream.indirect_vreg.gather [hbm4b:s18+s3], $0x80, v2, vm0, $0xb8;
	[tilespmem:$0x14180] =	vst v63  }
0xfa: {  	_ =	swait.ge [sflag:s24], $0x8000  }
0xfb: {  	[sflag:s24] =	ssyncset.done $0x0  }
0xfc: {  	s2 =	rddreg [dreg:$0xf];
	[sflag:s24] =	ssyncadd.s32 $0xFFFF8000  }
0xfd: {  	[hbm4b:s2+s3] =	stream.linear.scatter [tilespmem:s1], [sflag:$0x3], $0x8000, $0x38;
	[tilespmem:$0x14180] =	vst v63  }
0xfe: {  	_ =	swait.ge [sflag:s29], $0x8000  }
0xff: {  	[sflag:s29] =	ssyncset.done $0x0  }
0x100: {  	[sflag:s29] =	ssyncadd.s32 $0xFFFF8000  }
0x101: {  	v2 =	vld.msk [tilespmem:$0x20], $0xff;
	_ =	sdelay $0x4  }
0x102: {  	v3 =	vshll.u32 v2, $0x5  }
0x103: {  	v2 =	vand.u32 $0x7, v2;
	v3 =	vand.u32 $0xFFFFFF00, v3  }
0x104: {  	v2 =	vor.u32 v2, v3  }
0x105: {  	v2 =	vperm.xlane v2, v0;
	_ =	sdelay $0x1  }
0x106: {  	v2 =	vadd.s32 v1, v2;
	_ =	sdelay $0x4  }
0x107: {  	[tilespmem:s1], [sflag:$0x1] =	stream.indirect_vreg.gather [hbm4b:s0+s3], $0x80, v2, vm0, $0xb8;
	[tilespmem:$0x14180] =	vst v63  }
0x108: {  	s2 =	simm.s32 $0x980  }
0x109: {  	[tilespmem:s2], [sflag:$0x1] =	stream.indirect_vreg.gather [hbm4b:s4+s3], $0x80, v2, vm0, $0xb8;
	[tilespmem:$0x14180] =	vst v63  }
0x10a: {  	s2 =	simm.s32 $0x1180  }
0x10b: {  	[tilespmem:s2], [sflag:$0x1] =	stream.indirect_vreg.gather [hbm4b:s5+s3], $0x80, v2, vm0, $0xb8;
	[tilespmem:$0x14180] =	vst v63  }
0x10c: {  	s2 =	simm.s32 $0x1980  }
0x10d: {  	[tilespmem:s2], [sflag:$0x1] =	stream.indirect_vreg.gather [hbm4b:s6+s3], $0x80, v2, vm0, $0xb8;
	[tilespmem:$0x14180] =	vst v63  }
0x10e: {  	s2 =	simm.s32 $0x2180  }
0x10f: {  	[tilespmem:s2], [sflag:$0x1] =	stream.indirect_vreg.gather [hbm4b:s7+s3], $0x80, v2, vm0, $0xb8;
	[tilespmem:$0x14180] =	vst v63  }
0x110: {  	s2 =	simm.s32 $0x2980  }
0x111: {  	[tilespmem:s2], [sflag:$0x1] =	stream.indirect_vreg.gather [hbm4b:s8+s3], $0x80, v2, vm0, $0xb8;
	[tilespmem:$0x14180] =	vst v63  }
0x112: {  	s2 =	simm.s32 $0x3180  }
0x113: {  	[tilespmem:s2], [sflag:$0x1] =	stream.indirect_vreg.gather [hbm4b:s9+s3], $0x80, v2, vm0, $0xb8;
	[tilespmem:$0x14180] =	vst v63  }
0x114: {  	s2 =	simm.s32 $0x3980  }
0x115: {  	[tilespmem:s2], [sflag:$0x1] =	stream.indirect_vreg.gather [hbm4b:s10+s3], $0x80, v2, vm0, $0xb8;
	[tilespmem:$0x14180] =	vst v63  }
0x116: {  	s2 =	simm.s32 $0x4180  }
0x117: {  	[tilespmem:s2], [sflag:$0x1] =	stream.indirect_vreg.gather [hbm4b:s11+s3], $0x80, v2, vm0, $0xb8;
	[tilespmem:$0x14180] =	vst v63  }
0x118: {  	s2 =	simm.s32 $0x4980  }
0x119: {  	[tilespmem:s2], [sflag:$0x1] =	stream.indirect_vreg.gather [hbm4b:s12+s3], $0x80, v2, vm0, $0xb8;
	[tilespmem:$0x14180] =	vst v63  }
0x11a: {  	s2 =	simm.s32 $0x5180  }
0x11b: {  	[tilespmem:s2], [sflag:$0x1] =	stream.indirect_vreg.gather [hbm4b:s13+s3], $0x80, v2, vm0, $0xb8;
	[tilespmem:$0x14180] =	vst v63  }
0x11c: {  	s2 =	simm.s32 $0x5980  }
0x11d: {  	[tilespmem:s2], [sflag:$0x1] =	stream.indirect_vreg.gather [hbm4b:s14+s3], $0x80, v2, vm0, $0xb8;
	[tilespmem:$0x14180] =	vst v63  }
0x11e: {  	s2 =	simm.s32 $0x6180  }
0x11f: {  	[tilespmem:s2], [sflag:$0x1] =	stream.indirect_vreg.gather [hbm4b:s15+s3], $0x80, v2, vm0, $0xb8;
	[tilespmem:$0x14180] =	vst v63  }
0x120: {  	s2 =	simm.s32 $0x6980  }
0x121: {  	[tilespmem:s2], [sflag:$0x1] =	stream.indirect_vreg.gather [hbm4b:s16+s3], $0x80, v2, vm0, $0xb8;
	[tilespmem:$0x14180] =	vst v63  }
0x122: {  	s2 =	simm.s32 $0x7180  }
0x123: {  	[tilespmem:s2], [sflag:$0x1] =	stream.indirect_vreg.gather [hbm4b:s17+s3], $0x80, v2, vm0, $0xb8;
	[tilespmem:$0x14180] =	vst v63  }
0x124: {  	s2 =	simm.s32 $0x7980  }
0x125: {  	[tilespmem:s2], [sflag:$0x1] =	stream.indirect_vreg.gather [hbm4b:s18+s3], $0x80, v2, vm0, $0xb8;
	[tilespmem:$0x14180] =	vst v63  }
0x126: {  	_ =	swait.ge [sflag:s30], $0x8000  }
0x127: {  	[sflag:s30] =	ssyncset.done $0x0  }
0x128: {  	s2 =	rddreg [dreg:$0x10];
	[sflag:s30] =	ssyncadd.s32 $0xFFFF8000  }
0x129: {  	[hbm4b:s2+s3] =	stream.linear.scatter [tilespmem:s19], [sflag:$0x4], $0x8000, $0x38;
	[tilespmem:$0x14180] =	vst v63  }
0x12a: {  	_ =	swait.ge [sflag:s31], $0x8000  }
0x12b: {  	[sflag:s31] =	ssyncset.done $0x0  }
0x12c: {  	[sflag:s31] =	ssyncadd.s32 $0xFFFF8000  }
0x12d: {  	v2 =	vld.msk [tilespmem:$0x28], $0xff;
	_ =	sdelay $0x4  }
0x12e: {  	v3 =	vshll.u32 v2, $0x5  }
0x12f: {  	v2 =	vand.u32 $0x7, v2;
	v3 =	vand.u32 $0xFFFFFF00, v3  }
0x130: {  	v2 =	vor.u32 v2, v3  }
0x131: {  	v2 =	vperm.xlane v2, v0;
	_ =	sdelay $0x1  }
0x132: {  	v2 =	vadd.s32 v1, v2;
	_ =	sdelay $0x4  }
0x133: {  	[tilespmem:s19], [sflag:$0x2] =	stream.indirect_vreg.gather [hbm4b:s0+s3], $0x80, v2, vm0, $0xb8;
	[tilespmem:$0x14180] =	vst v63  }
0x134: {  	s20 =	simm.s32 $0x8980  }
0x135: {  	[tilespmem:s20], [sflag:$0x2] =	stream.indirect_vreg.gather [hbm4b:s4+s3], $0x80, v2, vm0, $0xb8;
	[tilespmem:$0x14180] =	vst v63  }
0x136: {  	s21 =	simm.s32 $0x9180  }
0x137: {  	[tilespmem:s21], [sflag:$0x2] =	stream.indirect_vreg.gather [hbm4b:s5+s3], $0x80, v2, vm0, $0xb8;
	[tilespmem:$0x14180] =	vst v63  }
0x138: {  	s25 =	simm.s32 $0x9980  }
0x139: {  	[tilespmem:s25], [sflag:$0x2] =	stream.indirect_vreg.gather [hbm4b:s6+s3], $0x80, v2, vm0, $0xb8;
	[tilespmem:$0x14180] =	vst v63  }
0x13a: {  	s26 =	simm.s32 $0xA180  }
0x13b: {  	[tilespmem:s26], [sflag:$0x2] =	stream.indirect_vreg.gather [hbm4b:s7+s3], $0x80, v2, vm0, $0xb8;
	[tilespmem:$0x14180] =	vst v63  }
0x13c: {  	s20 =	simm.s32 $0xA980  }
0x13d: {  	[tilespmem:s20], [sflag:$0x2] =	stream.indirect_vreg.gather [hbm4b:s8+s3], $0x80, v2, vm0, $0xb8;
	[tilespmem:$0x14180] =	vst v63  }
0x13e: {  	s22 =	simm.s32 $0xB180  }
0x13f: {  	[tilespmem:s22], [sflag:$0x2] =	stream.indirect_vreg.gather [hbm4b:s9+s3], $0x80, v2, vm0, $0xb8;
	[tilespmem:$0x14180] =	vst v63  }
0x140: {  	s23 =	simm.s32 $0xB980  }
0x141: {  	[tilespmem:s23], [sflag:$0x2] =	stream.indirect_vreg.gather [hbm4b:s10+s3], $0x80, v2, vm0, $0xb8;
	[tilespmem:$0x14180] =	vst v63  }
0x142: {  	s28 =	simm.s32 $0xC180  }
0x143: {  	[tilespmem:s28], [sflag:$0x2] =	stream.indirect_vreg.gather [hbm4b:s11+s3], $0x80, v2, vm0, $0xb8;
	[tilespmem:$0x14180] =	vst v63  }
0x144: {  	s2 =	simm.s32 $0xC980  }
0x145: {  	[tilespmem:s2], [sflag:$0x2] =	stream.indirect_vreg.gather [hbm4b:s12+s3], $0x80, v2, vm0, $0xb8;
	[tilespmem:$0x14180] =	vst v63  }
0x146: {  	s2 =	simm.s32 $0xD180  }
0x147: {  	[tilespmem:s2], [sflag:$0x2] =	stream.indirect_vreg.gather [hbm4b:s13+s3], $0x80, v2, vm0, $0xb8;
	[tilespmem:$0x14180] =	vst v63  }
0x148: {  	s2 =	simm.s32 $0xD980  }
0x149: {  	[tilespmem:s2], [sflag:$0x2] =	stream.indirect_vreg.gather [hbm4b:s14+s3], $0x80, v2, vm0, $0xb8;
	[tilespmem:$0x14180] =	vst v63  }
0x14a: {  	s2 =	simm.s32 $0xE180  }
0x14b: {  	[tilespmem:s2], [sflag:$0x2] =	stream.indirect_vreg.gather [hbm4b:s15+s3], $0x80, v2, vm0, $0xb8;
	[tilespmem:$0x14180] =	vst v63  }
0x14c: {  	s2 =	simm.s32 $0xE980  }
0x14d: {  	[tilespmem:s2], [sflag:$0x2] =	stream.indirect_vreg.gather [hbm4b:s16+s3], $0x80, v2, vm0, $0xb8;
	[tilespmem:$0x14180] =	vst v63  }
0x14e: {  	s2 =	simm.s32 $0xF180  }
0x14f: {  	[tilespmem:s2], [sflag:$0x2] =	stream.indirect_vreg.gather [hbm4b:s17+s3], $0x80, v2, vm0, $0xb8;
	[tilespmem:$0x14180] =	vst v63  }
0x150: {  	s2 =	simm.s32 $0xF980  }
0x151: {  	[tilespmem:s2], [sflag:$0x2] =	stream.indirect_vreg.gather [hbm4b:s18+s3], $0x80, v2, vm0, $0xb8;
	[tilespmem:$0x14180] =	vst v63  }
0x152: {  	_ =	swait.ge [sflag:s24], $0x8000  }
0x153: {  	[sflag:s24] =	ssyncset.done $0x0  }
0x154: {  	s2 =	rddreg [dreg:$0x11];
	[sflag:s24] =	ssyncadd.s32 $0xFFFF8000  }
0x155: {  	[hbm4b:s2+s3] =	stream.linear.scatter [tilespmem:s1], [sflag:$0x3], $0x8000, $0x38;
	[tilespmem:$0x14180] =	vst v63  }
0x156: {  	_ =	swait.ge [sflag:s29], $0x8000  }
0x157: {  	[sflag:s29] =	ssyncset.done $0x0  }
0x158: {  	[sflag:s29] =	ssyncadd.s32 $0xFFFF8000  }
0x159: {  	v2 =	vld.msk [tilespmem:$0x30], $0xff;
	_ =	sdelay $0x4  }
0x15a: {  	v3 =	vshll.u32 v2, $0x5  }
0x15b: {  	v2 =	vand.u32 $0x7, v2;
	v3 =	vand.u32 $0xFFFFFF00, v3  }
0x15c: {  	v2 =	vor.u32 v2, v3  }
0x15d: {  	v2 =	vperm.xlane v2, v0;
	_ =	sdelay $0x1  }
0x15e: {  	v2 =	vadd.s32 v1, v2;
	_ =	sdelay $0x4  }
0x15f: {  	[tilespmem:s1], [sflag:$0x1] =	stream.indirect_vreg.gather [hbm4b:s0+s3], $0x80, v2, vm0, $0xb8;
	[tilespmem:$0x14180] =	vst v63  }
0x160: {  	s2 =	simm.s32 $0x980  }
0x161: {  	[tilespmem:s2], [sflag:$0x1] =	stream.indirect_vreg.gather [hbm4b:s4+s3], $0x80, v2, vm0, $0xb8;
	[tilespmem:$0x14180] =	vst v63  }
0x162: {  	s2 =	simm.s32 $0x1180  }
0x163: {  	[tilespmem:s2], [sflag:$0x1] =	stream.indirect_vreg.gather [hbm4b:s5+s3], $0x80, v2, vm0, $0xb8;
	[tilespmem:$0x14180] =	vst v63  }
0x164: {  	s2 =	simm.s32 $0x1980  }
0x165: {  	[tilespmem:s2], [sflag:$0x1] =	stream.indirect_vreg.gather [hbm4b:s6+s3], $0x80, v2, vm0, $0xb8;
	[tilespmem:$0x14180] =	vst v63  }
0x166: {  	s2 =	simm.s32 $0x2180  }
0x167: {  	[tilespmem:s2], [sflag:$0x1] =	stream.indirect_vreg.gather [hbm4b:s7+s3], $0x80, v2, vm0, $0xb8;
	[tilespmem:$0x14180] =	vst v63  }
0x168: {  	s2 =	simm.s32 $0x2980  }
0x169: {  	[tilespmem:s2], [sflag:$0x1] =	stream.indirect_vreg.gather [hbm4b:s8+s3], $0x80, v2, vm0, $0xb8;
	[tilespmem:$0x14180] =	vst v63  }
0x16a: {  	s2 =	simm.s32 $0x3180  }
0x16b: {  	[tilespmem:s2], [sflag:$0x1] =	stream.indirect_vreg.gather [hbm4b:s9+s3], $0x80, v2, vm0, $0xb8;
	[tilespmem:$0x14180] =	vst v63  }
0x16c: {  	s2 =	simm.s32 $0x3980  }
0x16d: {  	[tilespmem:s2], [sflag:$0x1] =	stream.indirect_vreg.gather [hbm4b:s10+s3], $0x80, v2, vm0, $0xb8;
	[tilespmem:$0x14180] =	vst v63  }
0x16e: {  	s2 =	simm.s32 $0x4180  }
0x16f: {  	[tilespmem:s2], [sflag:$0x1] =	stream.indirect_vreg.gather [hbm4b:s11+s3], $0x80, v2, vm0, $0xb8;
	[tilespmem:$0x14180] =	vst v63  }
0x170: {  	s2 =	simm.s32 $0x4980  }
0x171: {  	[tilespmem:s2], [sflag:$0x1] =	stream.indirect_vreg.gather [hbm4b:s12+s3], $0x80, v2, vm0, $0xb8;
	[tilespmem:$0x14180] =	vst v63  }
0x172: {  	s2 =	simm.s32 $0x5180  }
0x173: {  	[tilespmem:s2], [sflag:$0x1] =	stream.indirect_vreg.gather [hbm4b:s13+s3], $0x80, v2, vm0, $0xb8;
	[tilespmem:$0x14180] =	vst v63  }
0x174: {  	s2 =	simm.s32 $0x5980  }
0x175: {  	[tilespmem:s2], [sflag:$0x1] =	stream.indirect_vreg.gather [hbm4b:s14+s3], $0x80, v2, vm0, $0xb8;
	[tilespmem:$0x14180] =	vst v63  }
0x176: {  	s2 =	simm.s32 $0x6180  }
0x177: {  	[tilespmem:s2], [sflag:$0x1] =	stream.indirect_vreg.gather [hbm4b:s15+s3], $0x80, v2, vm0, $0xb8;
	[tilespmem:$0x14180] =	vst v63  }
0x178: {  	s2 =	simm.s32 $0x6980  }
0x179: {  	[tilespmem:s2], [sflag:$0x1] =	stream.indirect_vreg.gather [hbm4b:s16+s3], $0x80, v2, vm0, $0xb8;
	[tilespmem:$0x14180] =	vst v63  }
0x17a: {  	s2 =	simm.s32 $0x7180  }
0x17b: {  	[tilespmem:s2], [sflag:$0x1] =	stream.indirect_vreg.gather [hbm4b:s17+s3], $0x80, v2, vm0, $0xb8;
	[tilespmem:$0x14180] =	vst v63  }
0x17c: {  	s2 =	simm.s32 $0x7980  }
0x17d: {  	[tilespmem:s2], [sflag:$0x1] =	stream.indirect_vreg.gather [hbm4b:s18+s3], $0x80, v2, vm0, $0xb8;
	[tilespmem:$0x14180] =	vst v63  }
0x17e: {  	_ =	swait.ge [sflag:s30], $0x8000  }
0x17f: {  	[sflag:s30] =	ssyncset.done $0x0  }
0x180: {  	s2 =	rddreg [dreg:$0x12];
	[sflag:s30] =	ssyncadd.s32 $0xFFFF8000  }
0x181: {  	[hbm4b:s2+s3] =	stream.linear.scatter [tilespmem:s19], [sflag:$0x4], $0x8000, $0x38;
	[tilespmem:$0x14180] =	vst v63  }
0x182: {  	_ =	swait.ge [sflag:s31], $0x8000  }
0x183: {  	[sflag:s31] =	ssyncset.done $0x0  }
0x184: {  	[sflag:s31] =	ssyncadd.s32 $0xFFFF8000  }
0x185: {  	v2 =	vld.msk [tilespmem:$0x38], $0xff;
	_ =	sdelay $0x4  }
0x186: {  	v3 =	vshll.u32 v2, $0x5  }
0x187: {  	v2 =	vand.u32 $0x7, v2;
	v3 =	vand.u32 $0xFFFFFF00, v3  }
0x188: {  	v2 =	vor.u32 v2, v3  }
0x189: {  	v2 =	vperm.xlane v2, v0;
	_ =	sdelay $0x1  }
0x18a: {  	v2 =	vadd.s32 v1, v2;
	_ =	sdelay $0x4  }
0x18b: {  	[tilespmem:s19], [sflag:$0x2] =	stream.indirect_vreg.gather [hbm4b:s0+s3], $0x80, v2, vm0, $0xb8;
	[tilespmem:$0x14180] =	vst v63  }
0x18c: {  	s2 =	simm.s32 $0x8980  }
0x18d: {  	[tilespmem:s2], [sflag:$0x2] =	stream.indirect_vreg.gather [hbm4b:s4+s3], $0x80, v2, vm0, $0xb8;
	[tilespmem:$0x14180] =	vst v63  }
0x18e: {  	s21 =	simm.s32 $0x9180  }
0x18f: {  	[tilespmem:s21], [sflag:$0x2] =	stream.indirect_vreg.gather [hbm4b:s5+s3], $0x80, v2, vm0, $0xb8;
	[tilespmem:$0x14180] =	vst v63  }
0x190: {  	s25 =	simm.s32 $0x9980  }
0x191: {  	[tilespmem:s25], [sflag:$0x2] =	stream.indirect_vreg.gather [hbm4b:s6+s3], $0x80, v2, vm0, $0xb8;
	[tilespmem:$0x14180] =	vst v63  }
0x192: {  	s26 =	simm.s32 $0xA180  }
0x193: {  	[tilespmem:s26], [sflag:$0x2] =	stream.indirect_vreg.gather [hbm4b:s7+s3], $0x80, v2, vm0, $0xb8;
	[tilespmem:$0x14180] =	vst v63  }
0x194: {  	s20 =	simm.s32 $0xA980  }
0x195: {  	[tilespmem:s20], [sflag:$0x2] =	stream.indirect_vreg.gather [hbm4b:s8+s3], $0x80, v2, vm0, $0xb8;
	[tilespmem:$0x14180] =	vst v63  }
0x196: {  	s22 =	simm.s32 $0xB180  }
0x197: {  	[tilespmem:s22], [sflag:$0x2] =	stream.indirect_vreg.gather [hbm4b:s9+s3], $0x80, v2, vm0, $0xb8;
	[tilespmem:$0x14180] =	vst v63  }
0x198: {  	s23 =	simm.s32 $0xB980  }
0x199: {  	[tilespmem:s23], [sflag:$0x2] =	stream.indirect_vreg.gather [hbm4b:s10+s3], $0x80, v2, vm0, $0xb8;
	[tilespmem:$0x14180] =	vst v63  }
0x19a: {  	s28 =	simm.s32 $0xC180  }
0x19b: {  	[tilespmem:s28], [sflag:$0x2] =	stream.indirect_vreg.gather [hbm4b:s11+s3], $0x80, v2, vm0, $0xb8;
	[tilespmem:$0x14180] =	vst v63  }
0x19c: {  	s28 =	simm.s32 $0xC980  }
0x19d: {  	[tilespmem:s28], [sflag:$0x2] =	stream.indirect_vreg.gather [hbm4b:s12+s3], $0x80, v2, vm0, $0xb8;
	[tilespmem:$0x14180] =	vst v63  }
0x19e: {  	s2 =	simm.s32 $0xD180  }
0x19f: {  	[tilespmem:s2], [sflag:$0x2] =	stream.indirect_vreg.gather [hbm4b:s13+s3], $0x80, v2, vm0, $0xb8;
	[tilespmem:$0x14180] =	vst v63  }
0x1a0: {  	s2 =	simm.s32 $0xD980  }
0x1a1: {  	[tilespmem:s2], [sflag:$0x2] =	stream.indirect_vreg.gather [hbm4b:s14+s3], $0x80, v2, vm0, $0xb8;
	[tilespmem:$0x14180] =	vst v63  }
0x1a2: {  	s2 =	simm.s32 $0xE180  }
0x1a3: {  	[tilespmem:s2], [sflag:$0x2] =	stream.indirect_vreg.gather [hbm4b:s15+s3], $0x80, v2, vm0, $0xb8;
	[tilespmem:$0x14180] =	vst v63  }
0x1a4: {  	s2 =	simm.s32 $0xE980  }
0x1a5: {  	[tilespmem:s2], [sflag:$0x2] =	stream.indirect_vreg.gather [hbm4b:s16+s3], $0x80, v2, vm0, $0xb8;
	[tilespmem:$0x14180] =	vst v63  }
0x1a6: {  	s2 =	simm.s32 $0xF180  }
0x1a7: {  	[tilespmem:s2], [sflag:$0x2] =	stream.indirect_vreg.gather [hbm4b:s17+s3], $0x80, v2, vm0, $0xb8;
	[tilespmem:$0x14180] =	vst v63  }
0x1a8: {  	s2 =	simm.s32 $0xF980  }
0x1a9: {  	[tilespmem:s2], [sflag:$0x2] =	stream.indirect_vreg.gather [hbm4b:s18+s3], $0x80, v2, vm0, $0xb8;
	[tilespmem:$0x14180] =	vst v63  }
0x1aa: {  	_ =	swait.ge [sflag:s24], $0x8000  }
0x1ab: {  	[sflag:s24] =	ssyncset.done $0x0  }
0x1ac: {  	s2 =	rddreg [dreg:$0x13];
	[sflag:s24] =	ssyncadd.s32 $0xFFFF8000  }
0x1ad: {  	[hbm4b:s2+s3] =	stream.linear.scatter [tilespmem:s1], [sflag:$0x3], $0x8000, $0x38;
	[tilespmem:$0x14180] =	vst v63  }
0x1ae: {  	_ =	swait.ge [sflag:s29], $0x8000  }
0x1af: {  	[sflag:s29] =	ssyncset.done $0x0  }
0x1b0: {  	[sflag:s29] =	ssyncadd.s32 $0xFFFF8000  }
0x1b1: {  	v2 =	vld.msk [tilespmem:$0x40], $0xff;
	_ =	sdelay $0x4  }
0x1b2: {  	v3 =	vshll.u32 v2, $0x5  }
0x1b3: {  	v2 =	vand.u32 $0x7, v2;
	v3 =	vand.u32 $0xFFFFFF00, v3  }
0x1b4: {  	v2 =	vor.u32 v2, v3  }
0x1b5: {  	v2 =	vperm.xlane v2, v0;
	_ =	sdelay $0x1  }
0x1b6: {  	v2 =	vadd.s32 v1, v2;
	_ =	sdelay $0x4  }
0x1b7: {  	[tilespmem:s1], [sflag:$0x1] =	stream.indirect_vreg.gather [hbm4b:s0+s3], $0x80, v2, vm0, $0xb8;
	[tilespmem:$0x14180] =	vst v63  }
0x1b8: {  	s2 =	simm.s32 $0x980  }
0x1b9: {  	[tilespmem:s2], [sflag:$0x1] =	stream.indirect_vreg.gather [hbm4b:s4+s3], $0x80, v2, vm0, $0xb8;
	[tilespmem:$0x14180] =	vst v63  }
0x1ba: {  	s2 =	simm.s32 $0x1180  }
0x1bb: {  	[tilespmem:s2], [sflag:$0x1] =	stream.indirect_vreg.gather [hbm4b:s5+s3], $0x80, v2, vm0, $0xb8;
	[tilespmem:$0x14180] =	vst v63  }
0x1bc: {  	s2 =	simm.s32 $0x1980  }
0x1bd: {  	[tilespmem:s2], [sflag:$0x1] =	stream.indirect_vreg.gather [hbm4b:s6+s3], $0x80, v2, vm0, $0xb8;
	[tilespmem:$0x14180] =	vst v63  }
0x1be: {  	s2 =	simm.s32 $0x2180  }
0x1bf: {  	[tilespmem:s2], [sflag:$0x1] =	stream.indirect_vreg.gather [hbm4b:s7+s3], $0x80, v2, vm0, $0xb8;
	[tilespmem:$0x14180] =	vst v63  }
0x1c0: {  	s2 =	simm.s32 $0x2980  }
0x1c1: {  	[tilespmem:s2], [sflag:$0x1] =	stream.indirect_vreg.gather [hbm4b:s8+s3], $0x80, v2, vm0, $0xb8;
	[tilespmem:$0x14180] =	vst v63  }
0x1c2: {  	s2 =	simm.s32 $0x3180  }
0x1c3: {  	[tilespmem:s2], [sflag:$0x1] =	stream.indirect_vreg.gather [hbm4b:s9+s3], $0x80, v2, vm0, $0xb8;
	[tilespmem:$0x14180] =	vst v63  }
0x1c4: {  	s2 =	simm.s32 $0x3980  }
0x1c5: {  	[tilespmem:s2], [sflag:$0x1] =	stream.indirect_vreg.gather [hbm4b:s10+s3], $0x80, v2, vm0, $0xb8;
	[tilespmem:$0x14180] =	vst v63  }
0x1c6: {  	s2 =	simm.s32 $0x4180  }
0x1c7: {  	[tilespmem:s2], [sflag:$0x1] =	stream.indirect_vreg.gather [hbm4b:s11+s3], $0x80, v2, vm0, $0xb8;
	[tilespmem:$0x14180] =	vst v63  }
0x1c8: {  	s2 =	simm.s32 $0x4980  }
0x1c9: {  	[tilespmem:s2], [sflag:$0x1] =	stream.indirect_vreg.gather [hbm4b:s12+s3], $0x80, v2, vm0, $0xb8;
	[tilespmem:$0x14180] =	vst v63  }
0x1ca: {  	s2 =	simm.s32 $0x5180  }
0x1cb: {  	[tilespmem:s2], [sflag:$0x1] =	stream.indirect_vreg.gather [hbm4b:s13+s3], $0x80, v2, vm0, $0xb8;
	[tilespmem:$0x14180] =	vst v63  }
0x1cc: {  	s2 =	simm.s32 $0x5980  }
0x1cd: {  	[tilespmem:s2], [sflag:$0x1] =	stream.indirect_vreg.gather [hbm4b:s14+s3], $0x80, v2, vm0, $0xb8;
	[tilespmem:$0x14180] =	vst v63  }
0x1ce: {  	s2 =	simm.s32 $0x6180  }
0x1cf: {  	[tilespmem:s2], [sflag:$0x1] =	stream.indirect_vreg.gather [hbm4b:s15+s3], $0x80, v2, vm0, $0xb8;
	[tilespmem:$0x14180] =	vst v63  }
0x1d0: {  	s2 =	simm.s32 $0x6980  }
0x1d1: {  	[tilespmem:s2], [sflag:$0x1] =	stream.indirect_vreg.gather [hbm4b:s16+s3], $0x80, v2, vm0, $0xb8;
	[tilespmem:$0x14180] =	vst v63  }
0x1d2: {  	s2 =	simm.s32 $0x7180  }
0x1d3: {  	[tilespmem:s2], [sflag:$0x1] =	stream.indirect_vreg.gather [hbm4b:s17+s3], $0x80, v2, vm0, $0xb8;
	[tilespmem:$0x14180] =	vst v63  }
0x1d4: {  	s2 =	simm.s32 $0x7980  }
0x1d5: {  	[tilespmem:s2], [sflag:$0x1] =	stream.indirect_vreg.gather [hbm4b:s18+s3], $0x80, v2, vm0, $0xb8;
	[tilespmem:$0x14180] =	vst v63  }
0x1d6: {  	_ =	swait.ge [sflag:s30], $0x8000  }
0x1d7: {  	[sflag:s30] =	ssyncset.done $0x0  }
0x1d8: {  	s2 =	rddreg [dreg:$0x14];
	[sflag:s30] =	ssyncadd.s32 $0xFFFF8000  }
0x1d9: {  	[hbm4b:s2+s3] =	stream.linear.scatter [tilespmem:s19], [sflag:$0x4], $0x8000, $0x38;
	[tilespmem:$0x14180] =	vst v63  }
0x1da: {  	_ =	swait.ge [sflag:s31], $0x8000  }
0x1db: {  	[sflag:s31] =	ssyncset.done $0x0  }
0x1dc: {  	[sflag:s31] =	ssyncadd.s32 $0xFFFF8000  }
0x1dd: {  	v2 =	vld.msk [tilespmem:$0x48], $0xff;
	_ =	sdelay $0x4  }
0x1de: {  	v3 =	vshll.u32 v2, $0x5  }
0x1df: {  	v2 =	vand.u32 $0x7, v2;
	v3 =	vand.u32 $0xFFFFFF00, v3  }
0x1e0: {  	v2 =	vor.u32 v2, v3  }
0x1e1: {  	v2 =	vperm.xlane v2, v0;
	_ =	sdelay $0x1  }
0x1e2: {  	v2 =	vadd.s32 v1, v2;
	_ =	sdelay $0x4  }
0x1e3: {  	[tilespmem:s19], [sflag:$0x2] =	stream.indirect_vreg.gather [hbm4b:s0+s3], $0x80, v2, vm0, $0xb8;
	[tilespmem:$0x14180] =	vst v63  }
0x1e4: {  	s2 =	simm.s32 $0x8980  }
0x1e5: {  	[tilespmem:s2], [sflag:$0x2] =	stream.indirect_vreg.gather [hbm4b:s4+s3], $0x80, v2, vm0, $0xb8;
	[tilespmem:$0x14180] =	vst v63  }
0x1e6: {  	s2 =	simm.s32 $0x9180  }
0x1e7: {  	[tilespmem:s2], [sflag:$0x2] =	stream.indirect_vreg.gather [hbm4b:s5+s3], $0x80, v2, vm0, $0xb8;
	[tilespmem:$0x14180] =	vst v63  }
0x1e8: {  	s25 =	simm.s32 $0x9980  }
0x1e9: {  	[tilespmem:s25], [sflag:$0x2] =	stream.indirect_vreg.gather [hbm4b:s6+s3], $0x80, v2, vm0, $0xb8;
	[tilespmem:$0x14180] =	vst v63  }
0x1ea: {  	s26 =	simm.s32 $0xA180  }
0x1eb: {  	[tilespmem:s26], [sflag:$0x2] =	stream.indirect_vreg.gather [hbm4b:s7+s3], $0x80, v2, vm0, $0xb8;
	[tilespmem:$0x14180] =	vst v63  }
0x1ec: {  	s21 =	simm.s32 $0xA980  }
0x1ed: {  	[tilespmem:s21], [sflag:$0x2] =	stream.indirect_vreg.gather [hbm4b:s8+s3], $0x80, v2, vm0, $0xb8;
	[tilespmem:$0x14180] =	vst v63  }
0x1ee: {  	s20 =	simm.s32 $0xB180  }
0x1ef: {  	[tilespmem:s20], [sflag:$0x2] =	stream.indirect_vreg.gather [hbm4b:s9+s3], $0x80, v2, vm0, $0xb8;
	[tilespmem:$0x14180] =	vst v63  }
0x1f0: {  	s22 =	simm.s32 $0xB980  }
0x1f1: {  	[tilespmem:s22], [sflag:$0x2] =	stream.indirect_vreg.gather [hbm4b:s10+s3], $0x80, v2, vm0, $0xb8;
	[tilespmem:$0x14180] =	vst v63  }
0x1f2: {  	s23 =	simm.s32 $0xC180  }
0x1f3: {  	[tilespmem:s23], [sflag:$0x2] =	stream.indirect_vreg.gather [hbm4b:s11+s3], $0x80, v2, vm0, $0xb8;
	[tilespmem:$0x14180] =	vst v63  }
0x1f4: {  	s28 =	simm.s32 $0xC980  }
0x1f5: {  	[tilespmem:s28], [sflag:$0x2] =	stream.indirect_vreg.gather [hbm4b:s12+s3], $0x80, v2, vm0, $0xb8;
	[tilespmem:$0x14180] =	vst v63  }
0x1f6: {  	s28 =	simm.s32 $0xD180  }
0x1f7: {  	[tilespmem:s28], [sflag:$0x2] =	stream.indirect_vreg.gather [hbm4b:s13+s3], $0x80, v2, vm0, $0xb8;
	[tilespmem:$0x14180] =	vst v63  }
0x1f8: {  	s2 =	simm.s32 $0xD980  }
0x1f9: {  	[tilespmem:s2], [sflag:$0x2] =	stream.indirect_vreg.gather [hbm4b:s14+s3], $0x80, v2, vm0, $0xb8;
	[tilespmem:$0x14180] =	vst v63  }
0x1fa: {  	s2 =	simm.s32 $0xE180  }
0x1fb: {  	[tilespmem:s2], [sflag:$0x2] =	stream.indirect_vreg.gather [hbm4b:s15+s3], $0x80, v2, vm0, $0xb8;
	[tilespmem:$0x14180] =	vst v63  }
0x1fc: {  	s2 =	simm.s32 $0xE980  }
0x1fd: {  	[tilespmem:s2], [sflag:$0x2] =	stream.indirect_vreg.gather [hbm4b:s16+s3], $0x80, v2, vm0, $0xb8;
	[tilespmem:$0x14180] =	vst v63  }
0x1fe: {  	s2 =	simm.s32 $0xF180  }
0x1ff: {  	[tilespmem:s2], [sflag:$0x2] =	stream.indirect_vreg.gather [hbm4b:s17+s3], $0x80, v2, vm0, $0xb8;
	[tilespmem:$0x14180] =	vst v63  }
0x200: {  	s2 =	simm.s32 $0xF980  }
0x201: {  	[tilespmem:s2], [sflag:$0x2] =	stream.indirect_vreg.gather [hbm4b:s18+s3], $0x80, v2, vm0, $0xb8;
	[tilespmem:$0x14180] =	vst v63  }
0x202: {  	_ =	swait.ge [sflag:s24], $0x8000  }
0x203: {  	[sflag:s24] =	ssyncset.done $0x0  }
0x204: {  	s2 =	rddreg [dreg:$0x15];
	[sflag:s24] =	ssyncadd.s32 $0xFFFF8000  }
0x205: {  	[hbm4b:s2+s3] =	stream.linear.scatter [tilespmem:s1], [sflag:$0x3], $0x8000, $0x38;
	[tilespmem:$0x14180] =	vst v63  }
0x206: {  	_ =	swait.ge [sflag:s29], $0x8000  }
0x207: {  	[sflag:s29] =	ssyncset.done $0x0  }
0x208: {  	[sflag:s29] =	ssyncadd.s32 $0xFFFF8000  }
0x209: {  	v2 =	vld.msk [tilespmem:$0x50], $0xff;
	_ =	sdelay $0x4  }
0x20a: {  	v3 =	vshll.u32 v2, $0x5  }
0x20b: {  	v2 =	vand.u32 $0x7, v2;
	v3 =	vand.u32 $0xFFFFFF00, v3  }
0x20c: {  	v2 =	vor.u32 v2, v3  }
0x20d: {  	v2 =	vperm.xlane v2, v0;
	_ =	sdelay $0x1  }
0x20e: {  	v2 =	vadd.s32 v1, v2;
	_ =	sdelay $0x4  }
0x20f: {  	[tilespmem:s1], [sflag:$0x1] =	stream.indirect_vreg.gather [hbm4b:s0+s3], $0x80, v2, vm0, $0xb8;
	[tilespmem:$0x14180] =	vst v63  }
0x210: {  	s2 =	simm.s32 $0x980  }
0x211: {  	[tilespmem:s2], [sflag:$0x1] =	stream.indirect_vreg.gather [hbm4b:s4+s3], $0x80, v2, vm0, $0xb8;
	[tilespmem:$0x14180] =	vst v63  }
0x212: {  	s2 =	simm.s32 $0x1180  }
0x213: {  	[tilespmem:s2], [sflag:$0x1] =	stream.indirect_vreg.gather [hbm4b:s5+s3], $0x80, v2, vm0, $0xb8;
	[tilespmem:$0x14180] =	vst v63  }
0x214: {  	s2 =	simm.s32 $0x1980  }
0x215: {  	[tilespmem:s2], [sflag:$0x1] =	stream.indirect_vreg.gather [hbm4b:s6+s3], $0x80, v2, vm0, $0xb8;
	[tilespmem:$0x14180] =	vst v63  }
0x216: {  	s2 =	simm.s32 $0x2180  }
0x217: {  	[tilespmem:s2], [sflag:$0x1] =	stream.indirect_vreg.gather [hbm4b:s7+s3], $0x80, v2, vm0, $0xb8;
	[tilespmem:$0x14180] =	vst v63  }
0x218: {  	s2 =	simm.s32 $0x2980  }
0x219: {  	[tilespmem:s2], [sflag:$0x1] =	stream.indirect_vreg.gather [hbm4b:s8+s3], $0x80, v2, vm0, $0xb8;
	[tilespmem:$0x14180] =	vst v63  }
0x21a: {  	s2 =	simm.s32 $0x3180  }
0x21b: {  	[tilespmem:s2], [sflag:$0x1] =	stream.indirect_vreg.gather [hbm4b:s9+s3], $0x80, v2, vm0, $0xb8;
	[tilespmem:$0x14180] =	vst v63  }
0x21c: {  	s2 =	simm.s32 $0x3980  }
0x21d: {  	[tilespmem:s2], [sflag:$0x1] =	stream.indirect_vreg.gather [hbm4b:s10+s3], $0x80, v2, vm0, $0xb8;
	[tilespmem:$0x14180] =	vst v63  }
0x21e: {  	s2 =	simm.s32 $0x4180  }
0x21f: {  	[tilespmem:s2], [sflag:$0x1] =	stream.indirect_vreg.gather [hbm4b:s11+s3], $0x80, v2, vm0, $0xb8;
	[tilespmem:$0x14180] =	vst v63  }
0x220: {  	s2 =	simm.s32 $0x4980  }
0x221: {  	[tilespmem:s2], [sflag:$0x1] =	stream.indirect_vreg.gather [hbm4b:s12+s3], $0x80, v2, vm0, $0xb8;
	[tilespmem:$0x14180] =	vst v63  }
0x222: {  	s2 =	simm.s32 $0x5180  }
0x223: {  	[tilespmem:s2], [sflag:$0x1] =	stream.indirect_vreg.gather [hbm4b:s13+s3], $0x80, v2, vm0, $0xb8;
	[tilespmem:$0x14180] =	vst v63  }
0x224: {  	s2 =	simm.s32 $0x5980  }
0x225: {  	[tilespmem:s2], [sflag:$0x1] =	stream.indirect_vreg.gather [hbm4b:s14+s3], $0x80, v2, vm0, $0xb8;
	[tilespmem:$0x14180] =	vst v63  }
0x226: {  	s2 =	simm.s32 $0x6180  }
0x227: {  	[tilespmem:s2], [sflag:$0x1] =	stream.indirect_vreg.gather [hbm4b:s15+s3], $0x80, v2, vm0, $0xb8;
	[tilespmem:$0x14180] =	vst v63  }
0x228: {  	s2 =	simm.s32 $0x6980  }
0x229: {  	[tilespmem:s2], [sflag:$0x1] =	stream.indirect_vreg.gather [hbm4b:s16+s3], $0x80, v2, vm0, $0xb8;
	[tilespmem:$0x14180] =	vst v63  }
0x22a: {  	s2 =	simm.s32 $0x7180  }
0x22b: {  	[tilespmem:s2], [sflag:$0x1] =	stream.indirect_vreg.gather [hbm4b:s17+s3], $0x80, v2, vm0, $0xb8;
	[tilespmem:$0x14180] =	vst v63  }
0x22c: {  	s2 =	simm.s32 $0x7980  }
0x22d: {  	[tilespmem:s2], [sflag:$0x1] =	stream.indirect_vreg.gather [hbm4b:s18+s3], $0x80, v2, vm0, $0xb8;
	[tilespmem:$0x14180] =	vst v63  }
0x22e: {  	_ =	swait.ge [sflag:s30], $0x8000  }
0x22f: {  	[sflag:s30] =	ssyncset.done $0x0  }
0x230: {  	s2 =	rddreg [dreg:$0x16];
	[sflag:s30] =	ssyncadd.s32 $0xFFFF8000  }
0x231: {  	[hbm4b:s2+s3] =	stream.linear.scatter [tilespmem:s19], [sflag:$0x4], $0x8000, $0x38;
	[tilespmem:$0x14180] =	vst v63  }
0x232: {  	_ =	swait.ge [sflag:s31], $0x8000  }
0x233: {  	[sflag:s31] =	ssyncset.done $0x0  }
0x234: {  	[sflag:s31] =	ssyncadd.s32 $0xFFFF8000  }
0x235: {  	v2 =	vld.msk [tilespmem:$0x58], $0xff;
	_ =	sdelay $0x4  }
0x236: {  	v3 =	vshll.u32 v2, $0x5  }
0x237: {  	v2 =	vand.u32 $0x7, v2;
	v3 =	vand.u32 $0xFFFFFF00, v3  }
0x238: {  	v2 =	vor.u32 v2, v3  }
0x239: {  	v2 =	vperm.xlane v2, v0;
	_ =	sdelay $0x1  }
0x23a: {  	v2 =	vadd.s32 v1, v2;
	_ =	sdelay $0x4  }
0x23b: {  	[tilespmem:s19], [sflag:$0x2] =	stream.indirect_vreg.gather [hbm4b:s0+s3], $0x80, v2, vm0, $0xb8;
	[tilespmem:$0x14180] =	vst v63  }
0x23c: {  	s2 =	simm.s32 $0x8980  }
0x23d: {  	[tilespmem:s2], [sflag:$0x2] =	stream.indirect_vreg.gather [hbm4b:s4+s3], $0x80, v2, vm0, $0xb8;
	[tilespmem:$0x14180] =	vst v63  }
0x23e: {  	s2 =	simm.s32 $0x9180  }
0x23f: {  	[tilespmem:s2], [sflag:$0x2] =	stream.indirect_vreg.gather [hbm4b:s5+s3], $0x80, v2, vm0, $0xb8;
	[tilespmem:$0x14180] =	vst v63  }
0x240: {  	s25 =	simm.s32 $0x9980  }
0x241: {  	[tilespmem:s25], [sflag:$0x2] =	stream.indirect_vreg.gather [hbm4b:s6+s3], $0x80, v2, vm0, $0xb8;
	[tilespmem:$0x14180] =	vst v63  }
0x242: {  	s25 =	simm.s32 $0xA180  }
0x243: {  	[tilespmem:s25], [sflag:$0x2] =	stream.indirect_vreg.gather [hbm4b:s7+s3], $0x80, v2, vm0, $0xb8;
	[tilespmem:$0x14180] =	vst v63  }
0x244: {  	s21 =	simm.s32 $0xA980  }
0x245: {  	[tilespmem:s21], [sflag:$0x2] =	stream.indirect_vreg.gather [hbm4b:s8+s3], $0x80, v2, vm0, $0xb8;
	[tilespmem:$0x14180] =	vst v63  }
0x246: {  	s26 =	simm.s32 $0xB180  }
0x247: {  	[tilespmem:s26], [sflag:$0x2] =	stream.indirect_vreg.gather [hbm4b:s9+s3], $0x80, v2, vm0, $0xb8;
	[tilespmem:$0x14180] =	vst v63  }
0x248: {  	s20 =	simm.s32 $0xB980  }
0x249: {  	[tilespmem:s20], [sflag:$0x2] =	stream.indirect_vreg.gather [hbm4b:s10+s3], $0x80, v2, vm0, $0xb8;
	[tilespmem:$0x14180] =	vst v63  }
0x24a: {  	s22 =	simm.s32 $0xC180  }
0x24b: {  	[tilespmem:s22], [sflag:$0x2] =	stream.indirect_vreg.gather [hbm4b:s11+s3], $0x80, v2, vm0, $0xb8;
	[tilespmem:$0x14180] =	vst v63  }
0x24c: {  	s23 =	simm.s32 $0xC980  }
0x24d: {  	[tilespmem:s23], [sflag:$0x2] =	stream.indirect_vreg.gather [hbm4b:s12+s3], $0x80, v2, vm0, $0xb8;
	[tilespmem:$0x14180] =	vst v63  }
0x24e: {  	s28 =	simm.s32 $0xD180  }
0x24f: {  	[tilespmem:s28], [sflag:$0x2] =	stream.indirect_vreg.gather [hbm4b:s13+s3], $0x80, v2, vm0, $0xb8;
	[tilespmem:$0x14180] =	vst v63  }
0x250: {  	s28 =	simm.s32 $0xD980  }
0x251: {  	[tilespmem:s28], [sflag:$0x2] =	stream.indirect_vreg.gather [hbm4b:s14+s3], $0x80, v2, vm0, $0xb8;
	[tilespmem:$0x14180] =	vst v63  }
0x252: {  	s20 =	simm.s32 $0xE180  }
0x253: {  	[tilespmem:s20], [sflag:$0x2] =	stream.indirect_vreg.gather [hbm4b:s15+s3], $0x80, v2, vm0, $0xb8;
	[tilespmem:$0x14180] =	vst v63  }
0x254: {  	s21 =	simm.s32 $0xE980  }
0x255: {  	[tilespmem:s21], [sflag:$0x2] =	stream.indirect_vreg.gather [hbm4b:s16+s3], $0x80, v2, vm0, $0xb8;
	[tilespmem:$0x14180] =	vst v63  }
0x256: {  	s22 =	simm.s32 $0xF180  }
0x257: {  	[tilespmem:s22], [sflag:$0x2] =	stream.indirect_vreg.gather [hbm4b:s17+s3], $0x80, v2, vm0, $0xb8;
	[tilespmem:$0x14180] =	vst v63  }
0x258: {  	s23 =	simm.s32 $0xF980  }
0x259: {  	[tilespmem:s23], [sflag:$0x2] =	stream.indirect_vreg.gather [hbm4b:s18+s3], $0x80, v2, vm0, $0xb8;
	[tilespmem:$0x14180] =	vst v63  }
0x25a: {  	_ =	swait.ge [sflag:s24], $0x8000  }
0x25b: {  	[sflag:s24] =	ssyncset.done $0x0  }
0x25c: {  	s28 =	rddreg [dreg:$0x17];
	[sflag:s24] =	ssyncadd.s32 $0xFFFF8000  }
0x25d: {  	[hbm4b:s28+s3] =	stream.linear.scatter [tilespmem:s1], [sflag:$0x3], $0x8000, $0x38;
	[tilespmem:$0x14180] =	vst v63  }
0x25e: {  	_ =	swait.ge [sflag:s29], $0x8000  }
0x25f: {  	[sflag:s29] =	ssyncset.done $0x0  }
0x260: {  	[sflag:s29] =	ssyncadd.s32 $0xFFFF8000  }
0x261: {  	v2 =	vld.msk [tilespmem:$0x60], $0xff;
	_ =	sdelay $0x4  }
0x262: {  	v3 =	vshll.u32 v2, $0x5  }
0x263: {  	v2 =	vand.u32 $0x7, v2;
	v3 =	vand.u32 $0xFFFFFF00, v3  }
0x264: {  	v2 =	vor.u32 v2, v3  }
0x265: {  	v2 =	vperm.xlane v2, v0;
	_ =	sdelay $0x1  }
0x266: {  	v2 =	vadd.s32 v1, v2;
	_ =	sdelay $0x4  }
0x267: {  	[tilespmem:s1], [sflag:$0x1] =	stream.indirect_vreg.gather [hbm4b:s0+s3], $0x80, v2, vm0, $0xb8;
	[tilespmem:$0x14180] =	vst v63  }
0x268: {  	s20 =	simm.s32 $0x980  }
0x269: {  	[tilespmem:s20], [sflag:$0x1] =	stream.indirect_vreg.gather [hbm4b:s4+s3], $0x80, v2, vm0, $0xb8;
	[tilespmem:$0x14180] =	vst v63  }
0x26a: {  	s21 =	simm.s32 $0x1180  }
0x26b: {  	[tilespmem:s21], [sflag:$0x1] =	stream.indirect_vreg.gather [hbm4b:s5+s3], $0x80, v2, vm0, $0xb8;
	[tilespmem:$0x14180] =	vst v63  }
0x26c: {  	s22 =	simm.s32 $0x1980  }
0x26d: {  	[tilespmem:s22], [sflag:$0x1] =	stream.indirect_vreg.gather [hbm4b:s6+s3], $0x80, v2, vm0, $0xb8;
	[tilespmem:$0x14180] =	vst v63  }
0x26e: {  	s23 =	simm.s32 $0x2180  }
0x26f: {  	[tilespmem:s23], [sflag:$0x1] =	stream.indirect_vreg.gather [hbm4b:s7+s3], $0x80, v2, vm0, $0xb8;
	[tilespmem:$0x14180] =	vst v63  }
0x270: {  	s28 =	simm.s32 $0x2980  }
0x271: {  	[tilespmem:s28], [sflag:$0x1] =	stream.indirect_vreg.gather [hbm4b:s8+s3], $0x80, v2, vm0, $0xb8;
	[tilespmem:$0x14180] =	vst v63  }
0x272: {  	s20 =	simm.s32 $0x3180  }
0x273: {  	[tilespmem:s20], [sflag:$0x1] =	stream.indirect_vreg.gather [hbm4b:s9+s3], $0x80, v2, vm0, $0xb8;
	[tilespmem:$0x14180] =	vst v63  }
0x274: {  	s21 =	simm.s32 $0x3980  }
0x275: {  	[tilespmem:s21], [sflag:$0x1] =	stream.indirect_vreg.gather [hbm4b:s10+s3], $0x80, v2, vm0, $0xb8;
	[tilespmem:$0x14180] =	vst v63  }
0x276: {  	s22 =	simm.s32 $0x4180  }
0x277: {  	[tilespmem:s22], [sflag:$0x1] =	stream.indirect_vreg.gather [hbm4b:s11+s3], $0x80, v2, vm0, $0xb8;
	[tilespmem:$0x14180] =	vst v63  }
0x278: {  	s23 =	simm.s32 $0x4980  }
0x279: {  	[tilespmem:s23], [sflag:$0x1] =	stream.indirect_vreg.gather [hbm4b:s12+s3], $0x80, v2, vm0, $0xb8;
	[tilespmem:$0x14180] =	vst v63  }
0x27a: {  	s28 =	simm.s32 $0x5180  }
0x27b: {  	[tilespmem:s28], [sflag:$0x1] =	stream.indirect_vreg.gather [hbm4b:s13+s3], $0x80, v2, vm0, $0xb8;
	[tilespmem:$0x14180] =	vst v63  }
0x27c: {  	s20 =	simm.s32 $0x5980  }
0x27d: {  	[tilespmem:s20], [sflag:$0x1] =	stream.indirect_vreg.gather [hbm4b:s14+s3], $0x80, v2, vm0, $0xb8;
	[tilespmem:$0x14180] =	vst v63  }
0x27e: {  	s21 =	simm.s32 $0x6180  }
0x27f: {  	[tilespmem:s21], [sflag:$0x1] =	stream.indirect_vreg.gather [hbm4b:s15+s3], $0x80, v2, vm0, $0xb8;
	[tilespmem:$0x14180] =	vst v63  }
0x280: {  	s22 =	simm.s32 $0x6980  }
0x281: {  	[tilespmem:s22], [sflag:$0x1] =	stream.indirect_vreg.gather [hbm4b:s16+s3], $0x80, v2, vm0, $0xb8;
	[tilespmem:$0x14180] =	vst v63  }
0x282: {  	s23 =	simm.s32 $0x7180  }
0x283: {  	[tilespmem:s23], [sflag:$0x1] =	stream.indirect_vreg.gather [hbm4b:s17+s3], $0x80, v2, vm0, $0xb8;
	[tilespmem:$0x14180] =	vst v63  }
0x284: {  	s28 =	simm.s32 $0x7980  }
0x285: {  	[tilespmem:s28], [sflag:$0x1] =	stream.indirect_vreg.gather [hbm4b:s18+s3], $0x80, v2, vm0, $0xb8;
	[tilespmem:$0x14180] =	vst v63  }
0x286: {  	_ =	swait.ge [sflag:s30], $0x8000  }
0x287: {  	[sflag:s30] =	ssyncset.done $0x0  }
0x288: {  	s20 =	rddreg [dreg:$0x18];
	[sflag:s30] =	ssyncadd.s32 $0xFFFF8000  }
0x289: {  	[hbm4b:s20+s3] =	stream.linear.scatter [tilespmem:s19], [sflag:$0x4], $0x8000, $0x38;
	[tilespmem:$0x14180] =	vst v63  }
0x28a: {  	_ =	swait.ge [sflag:s31], $0x8000  }
0x28b: {  	[sflag:s31] =	ssyncset.done $0x0  }
0x28c: {  	[sflag:s31] =	ssyncadd.s32 $0xFFFF8000  }
0x28d: {  	v2 =	vld.msk [tilespmem:$0x68], $0xff;
	_ =	sdelay $0x4  }
0x28e: {  	v3 =	vshll.u32 v2, $0x5  }
0x28f: {  	v2 =	vand.u32 $0x7, v2;
	v3 =	vand.u32 $0xFFFFFF00, v3  }
0x290: {  	v2 =	vor.u32 v2, v3  }
0x291: {  	v2 =	vperm.xlane v2, v0;
	_ =	sdelay $0x1  }
0x292: {  	v2 =	vadd.s32 v1, v2;
	_ =	sdelay $0x4  }
0x293: {  	[tilespmem:s19], [sflag:$0x2] =	stream.indirect_vreg.gather [hbm4b:s0+s3], $0x80, v2, vm0, $0xb8;
	[tilespmem:$0x14180] =	vst v63  }
0x294: {  	s21 =	simm.s32 $0x8980  }
0x295: {  	[tilespmem:s21], [sflag:$0x2] =	stream.indirect_vreg.gather [hbm4b:s4+s3], $0x80, v2, vm0, $0xb8;
	[tilespmem:$0x14180] =	vst v63  }
0x296: {  	s22 =	simm.s32 $0x9180  }
0x297: {  	[tilespmem:s22], [sflag:$0x2] =	stream.indirect_vreg.gather [hbm4b:s5+s3], $0x80, v2, vm0, $0xb8;
	[tilespmem:$0x14180] =	vst v63  }
0x298: {  	s23 =	simm.s32 $0x9980  }
0x299: {  	[tilespmem:s23], [sflag:$0x2] =	stream.indirect_vreg.gather [hbm4b:s6+s3], $0x80, v2, vm0, $0xb8;
	[tilespmem:$0x14180] =	vst v63  }
0x29a: {  	s28 =	simm.s32 $0xA180  }
0x29b: {  	[tilespmem:s28], [sflag:$0x2] =	stream.indirect_vreg.gather [hbm4b:s7+s3], $0x80, v2, vm0, $0xb8;
	[tilespmem:$0x14180] =	vst v63  }
0x29c: {  	s25 =	simm.s32 $0xA980  }
0x29d: {  	[tilespmem:s25], [sflag:$0x2] =	stream.indirect_vreg.gather [hbm4b:s8+s3], $0x80, v2, vm0, $0xb8;
	[tilespmem:$0x14180] =	vst v63  }
0x29e: {  	s23 =	simm.s32 $0xB180  }
0x29f: {  	[tilespmem:s23], [sflag:$0x2] =	stream.indirect_vreg.gather [hbm4b:s9+s3], $0x80, v2, vm0, $0xb8;
	[tilespmem:$0x14180] =	vst v63  }
0x2a0: {  	s26 =	simm.s32 $0xB980  }
0x2a1: {  	[tilespmem:s26], [sflag:$0x2] =	stream.indirect_vreg.gather [hbm4b:s10+s3], $0x80, v2, vm0, $0xb8;
	[tilespmem:$0x14180] =	vst v63  }
0x2a2: {  	s2 =	simm.s32 $0xC180  }
0x2a3: {  	[tilespmem:s2], [sflag:$0x2] =	stream.indirect_vreg.gather [hbm4b:s11+s3], $0x80, v2, vm0, $0xb8;
	[tilespmem:$0x14180] =	vst v63  }
0x2a4: {  	s2 =	simm.s32 $0xC980  }
0x2a5: {  	[tilespmem:s2], [sflag:$0x2] =	stream.indirect_vreg.gather [hbm4b:s12+s3], $0x80, v2, vm0, $0xb8;
	[tilespmem:$0x14180] =	vst v63  }
0x2a6: {  	s2 =	simm.s32 $0xD180  }
0x2a7: {  	[tilespmem:s2], [sflag:$0x2] =	stream.indirect_vreg.gather [hbm4b:s13+s3], $0x80, v2, vm0, $0xb8;
	[tilespmem:$0x14180] =	vst v63  }
0x2a8: {  	s2 =	simm.s32 $0xD980  }
0x2a9: {  	[tilespmem:s2], [sflag:$0x2] =	stream.indirect_vreg.gather [hbm4b:s14+s3], $0x80, v2, vm0, $0xb8;
	[tilespmem:$0x14180] =	vst v63  }
0x2aa: {  	s2 =	simm.s32 $0xE180  }
0x2ab: {  	[tilespmem:s2], [sflag:$0x2] =	stream.indirect_vreg.gather [hbm4b:s15+s3], $0x80, v2, vm0, $0xb8;
	[tilespmem:$0x14180] =	vst v63  }
0x2ac: {  	s2 =	simm.s32 $0xE980  }
0x2ad: {  	[tilespmem:s2], [sflag:$0x2] =	stream.indirect_vreg.gather [hbm4b:s16+s3], $0x80, v2, vm0, $0xb8;
	[tilespmem:$0x14180] =	vst v63  }
0x2ae: {  	s2 =	simm.s32 $0xF180  }
0x2af: {  	[tilespmem:s2], [sflag:$0x2] =	stream.indirect_vreg.gather [hbm4b:s17+s3], $0x80, v2, vm0, $0xb8;
	[tilespmem:$0x14180] =	vst v63  }
0x2b0: {  	s2 =	simm.s32 $0xF980  }
0x2b1: {  	[tilespmem:s2], [sflag:$0x2] =	stream.indirect_vreg.gather [hbm4b:s18+s3], $0x80, v2, vm0, $0xb8;
	[tilespmem:$0x14180] =	vst v63  }
0x2b2: {  	_ =	swait.ge [sflag:s24], $0x8000  }
0x2b3: {  	[sflag:s24] =	ssyncset.done $0x0  }
0x2b4: {  	s2 =	rddreg [dreg:$0x19];
	[sflag:s24] =	ssyncadd.s32 $0xFFFF8000  }
0x2b5: {  	[hbm4b:s2+s3] =	stream.linear.scatter [tilespmem:s1], [sflag:$0x3], $0x8000, $0x38;
	[tilespmem:$0x14180] =	vst v63  }
0x2b6: {  	_ =	swait.ge [sflag:s29], $0x8000  }
0x2b7: {  	[sflag:s29] =	ssyncset.done $0x0  }
0x2b8: {  	[sflag:s29] =	ssyncadd.s32 $0xFFFF8000  }
0x2b9: {  	v2 =	vld.msk [tilespmem:$0x70], $0xff;
	_ =	sdelay $0x4  }
0x2ba: {  	v3 =	vshll.u32 v2, $0x5  }
0x2bb: {  	v2 =	vand.u32 $0x7, v2;
	v3 =	vand.u32 $0xFFFFFF00, v3  }
0x2bc: {  	v2 =	vor.u32 v2, v3  }
0x2bd: {  	v2 =	vperm.xlane v2, v0;
	_ =	sdelay $0x1  }
0x2be: {  	v2 =	vadd.s32 v1, v2;
	_ =	sdelay $0x4  }
0x2bf: {  	[tilespmem:s1], [sflag:$0x1] =	stream.indirect_vreg.gather [hbm4b:s0+s3], $0x80, v2, vm0, $0xb8;
	[tilespmem:$0x14180] =	vst v63  }
0x2c0: {  	s2 =	simm.s32 $0x980  }
0x2c1: {  	[tilespmem:s2], [sflag:$0x1] =	stream.indirect_vreg.gather [hbm4b:s4+s3], $0x80, v2, vm0, $0xb8;
	[tilespmem:$0x14180] =	vst v63  }
0x2c2: {  	s2 =	simm.s32 $0x1180  }
0x2c3: {  	[tilespmem:s2], [sflag:$0x1] =	stream.indirect_vreg.gather [hbm4b:s5+s3], $0x80, v2, vm0, $0xb8;
	[tilespmem:$0x14180] =	vst v63  }
0x2c4: {  	s2 =	simm.s32 $0x1980  }
0x2c5: {  	[tilespmem:s2], [sflag:$0x1] =	stream.indirect_vreg.gather [hbm4b:s6+s3], $0x80, v2, vm0, $0xb8;
	[tilespmem:$0x14180] =	vst v63  }
0x2c6: {  	s2 =	simm.s32 $0x2180  }
0x2c7: {  	[tilespmem:s2], [sflag:$0x1] =	stream.indirect_vreg.gather [hbm4b:s7+s3], $0x80, v2, vm0, $0xb8;
	[tilespmem:$0x14180] =	vst v63  }
0x2c8: {  	s2 =	simm.s32 $0x2980  }
0x2c9: {  	[tilespmem:s2], [sflag:$0x1] =	stream.indirect_vreg.gather [hbm4b:s8+s3], $0x80, v2, vm0, $0xb8;
	[tilespmem:$0x14180] =	vst v63  }
0x2ca: {  	s2 =	simm.s32 $0x3180  }
0x2cb: {  	[tilespmem:s2], [sflag:$0x1] =	stream.indirect_vreg.gather [hbm4b:s9+s3], $0x80, v2, vm0, $0xb8;
	[tilespmem:$0x14180] =	vst v63  }
0x2cc: {  	s2 =	simm.s32 $0x3980  }
0x2cd: {  	[tilespmem:s2], [sflag:$0x1] =	stream.indirect_vreg.gather [hbm4b:s10+s3], $0x80, v2, vm0, $0xb8;
	[tilespmem:$0x14180] =	vst v63  }
0x2ce: {  	s2 =	simm.s32 $0x4180  }
0x2cf: {  	[tilespmem:s2], [sflag:$0x1] =	stream.indirect_vreg.gather [hbm4b:s11+s3], $0x80, v2, vm0, $0xb8;
	[tilespmem:$0x14180] =	vst v63  }
0x2d0: {  	s2 =	simm.s32 $0x4980  }
0x2d1: {  	[tilespmem:s2], [sflag:$0x1] =	stream.indirect_vreg.gather [hbm4b:s12+s3], $0x80, v2, vm0, $0xb8;
	[tilespmem:$0x14180] =	vst v63  }
0x2d2: {  	s2 =	simm.s32 $0x5180  }
0x2d3: {  	[tilespmem:s2], [sflag:$0x1] =	stream.indirect_vreg.gather [hbm4b:s13+s3], $0x80, v2, vm0, $0xb8;
	[tilespmem:$0x14180] =	vst v63  }
0x2d4: {  	s2 =	simm.s32 $0x5980  }
0x2d5: {  	[tilespmem:s2], [sflag:$0x1] =	stream.indirect_vreg.gather [hbm4b:s14+s3], $0x80, v2, vm0, $0xb8;
	[tilespmem:$0x14180] =	vst v63  }
0x2d6: {  	s2 =	simm.s32 $0x6180  }
0x2d7: {  	[tilespmem:s2], [sflag:$0x1] =	stream.indirect_vreg.gather [hbm4b:s15+s3], $0x80, v2, vm0, $0xb8;
	[tilespmem:$0x14180] =	vst v63  }
0x2d8: {  	s2 =	simm.s32 $0x6980  }
0x2d9: {  	[tilespmem:s2], [sflag:$0x1] =	stream.indirect_vreg.gather [hbm4b:s16+s3], $0x80, v2, vm0, $0xb8;
	[tilespmem:$0x14180] =	vst v63  }
0x2da: {  	s2 =	simm.s32 $0x7180  }
0x2db: {  	[tilespmem:s2], [sflag:$0x1] =	stream.indirect_vreg.gather [hbm4b:s17+s3], $0x80, v2, vm0, $0xb8;
	[tilespmem:$0x14180] =	vst v63  }
0x2dc: {  	s2 =	simm.s32 $0x7980  }
0x2dd: {  	[tilespmem:s2], [sflag:$0x1] =	stream.indirect_vreg.gather [hbm4b:s18+s3], $0x80, v2, vm0, $0xb8;
	[tilespmem:$0x14180] =	vst v63  }
0x2de: {  	_ =	swait.ge [sflag:s30], $0x8000  }
0x2df: {  	[sflag:s30] =	ssyncset.done $0x0  }
0x2e0: {  	s2 =	rddreg [dreg:$0x1a];
	[sflag:s30] =	ssyncadd.s32 $0xFFFF8000  }
0x2e1: {  	[hbm4b:s2+s3] =	stream.linear.scatter [tilespmem:s19], [sflag:$0x4], $0x8000, $0x38;
	[tilespmem:$0x14180] =	vst v63  }
0x2e2: {  	_ =	swait.ge [sflag:s31], $0x8000  }
0x2e3: {  	[sflag:s31] =	ssyncset.done $0x0  }
0x2e4: {  	[sflag:s31] =	ssyncadd.s32 $0xFFFF8000  }
0x2e5: {  	v2 =	vld.msk [tilespmem:$0x78], $0xff;
	_ =	sdelay $0x4  }
0x2e6: {  	v3 =	vshll.u32 v2, $0x5  }
0x2e7: {  	v2 =	vand.u32 $0x7, v2;
	v3 =	vand.u32 $0xFFFFFF00, v3  }
0x2e8: {  	v2 =	vor.u32 v2, v3  }
0x2e9: {  	v2 =	vperm.xlane v2, v0;
	_ =	sdelay $0x1  }
0x2ea: {  	v2 =	vadd.s32 v1, v2;
	_ =	sdelay $0x4  }
0x2eb: {  	[tilespmem:s19], [sflag:$0x2] =	stream.indirect_vreg.gather [hbm4b:s0+s3], $0x80, v2, vm0, $0xb8;
	[tilespmem:$0x14180] =	vst v63  }
0x2ec: {  	s20 =	simm.s32 $0x8980  }
0x2ed: {  	[tilespmem:s20], [sflag:$0x2] =	stream.indirect_vreg.gather [hbm4b:s4+s3], $0x80, v2, vm0, $0xb8;
	[tilespmem:$0x14180] =	vst v63  }
0x2ee: {  	s21 =	simm.s32 $0x9180  }
0x2ef: {  	[tilespmem:s21], [sflag:$0x2] =	stream.indirect_vreg.gather [hbm4b:s5+s3], $0x80, v2, vm0, $0xb8;
	[tilespmem:$0x14180] =	vst v63  }
0x2f0: {  	s22 =	simm.s32 $0x9980  }
0x2f1: {  	[tilespmem:s22], [sflag:$0x2] =	stream.indirect_vreg.gather [hbm4b:s6+s3], $0x80, v2, vm0, $0xb8;
	[tilespmem:$0x14180] =	vst v63  }
0x2f2: {  	s28 =	simm.s32 $0xA180  }
0x2f3: {  	[tilespmem:s28], [sflag:$0x2] =	stream.indirect_vreg.gather [hbm4b:s7+s3], $0x80, v2, vm0, $0xb8;
	[tilespmem:$0x14180] =	vst v63  }
0x2f4: {  	s25 =	simm.s32 $0xA980  }
0x2f5: {  	[tilespmem:s25], [sflag:$0x2] =	stream.indirect_vreg.gather [hbm4b:s8+s3], $0x80, v2, vm0, $0xb8;
	[tilespmem:$0x14180] =	vst v63  }
0x2f6: {  	s23 =	simm.s32 $0xB180  }
0x2f7: {  	[tilespmem:s23], [sflag:$0x2] =	stream.indirect_vreg.gather [hbm4b:s9+s3], $0x80, v2, vm0, $0xb8;
	[tilespmem:$0x14180] =	vst v63  }
0x2f8: {  	s26 =	simm.s32 $0xB980  }
0x2f9: {  	[tilespmem:s26], [sflag:$0x2] =	stream.indirect_vreg.gather [hbm4b:s10+s3], $0x80, v2, vm0, $0xb8;
	[tilespmem:$0x14180] =	vst v63  }
0x2fa: {  	s25 =	simm.s32 $0xC180  }
0x2fb: {  	[tilespmem:s25], [sflag:$0x2] =	stream.indirect_vreg.gather [hbm4b:s11+s3], $0x80, v2, vm0, $0xb8;
	[tilespmem:$0x14180] =	vst v63  }
0x2fc: {  	s26 =	simm.s32 $0xC980  }
0x2fd: {  	[tilespmem:s26], [sflag:$0x2] =	stream.indirect_vreg.gather [hbm4b:s12+s3], $0x80, v2, vm0, $0xb8;
	[tilespmem:$0x14180] =	vst v63  }
0x2fe: {  	s28 =	simm.s32 $0xD180  }
0x2ff: {  	[tilespmem:s28], [sflag:$0x2] =	stream.indirect_vreg.gather [hbm4b:s13+s3], $0x80, v2, vm0, $0xb8;
	[tilespmem:$0x14180] =	vst v63  }
0x300: {  	s2 =	simm.s32 $0xD980  }
0x301: {  	[tilespmem:s2], [sflag:$0x2] =	stream.indirect_vreg.gather [hbm4b:s14+s3], $0x80, v2, vm0, $0xb8;
	[tilespmem:$0x14180] =	vst v63  }
0x302: {  	s20 =	simm.s32 $0xE180  }
0x303: {  	[tilespmem:s20], [sflag:$0x2] =	stream.indirect_vreg.gather [hbm4b:s15+s3], $0x80, v2, vm0, $0xb8;
	[tilespmem:$0x14180] =	vst v63  }
0x304: {  	s21 =	simm.s32 $0xE980  }
0x305: {  	[tilespmem:s21], [sflag:$0x2] =	stream.indirect_vreg.gather [hbm4b:s16+s3], $0x80, v2, vm0, $0xb8;
	[tilespmem:$0x14180] =	vst v63  }
0x306: {  	s22 =	simm.s32 $0xF180  }
0x307: {  	[tilespmem:s22], [sflag:$0x2] =	stream.indirect_vreg.gather [hbm4b:s17+s3], $0x80, v2, vm0, $0xb8;
	[tilespmem:$0x14180] =	vst v63  }
0x308: {  	s23 =	simm.s32 $0xF980  }
0x309: {  	[tilespmem:s23], [sflag:$0x2] =	stream.indirect_vreg.gather [hbm4b:s18+s3], $0x80, v2, vm0, $0xb8;
	[tilespmem:$0x14180] =	vst v63  }
0x30a: {  	_ =	swait.ge [sflag:s24], $0x8000  }
0x30b: {  	[sflag:s24] =	ssyncset.done $0x0  }
0x30c: {  	s25 =	rddreg [dreg:$0x1b];
	[sflag:s24] =	ssyncadd.s32 $0xFFFF8000  }
0x30d: {  	[hbm4b:s25+s3] =	stream.linear.scatter [tilespmem:s1], [sflag:$0x3], $0x8000, $0x38;
	[tilespmem:$0x14180] =	vst v63  }
0x30e: {  	_ =	swait.ge [sflag:s30], $0x8000  }
0x30f: {  	s26 =	rddreg [dreg:$0x1c];
	[sflag:s30] =	ssyncset.done $0x0  }
0x310: {  	s28 =	rddreg [dreg:$0x1d];
	[sflag:s30] =	ssyncadd.s32 $0xFFFF8000  }
0x311: {  	[hbm4b:s26+s3] =	stream.linear.scatter [tilespmem:s19], [sflag:$0x4], $0x8000, $0x38;
	[tilespmem:$0x14180] =	vst v63  }
0x312: {  	p0 =	sne.s32 s28, $0x1;
	_ =	swait.ge [sflag:s29], $0x8000  }
.Ltmp0:
0x313: {  	[sflag:s29] =	ssyncset.done $0x0;
	(pc) =	sbr.rel @p0 .LBB2_1-.Ltmp0, $4  }
0x314: {  	[sflag:s29] =	ssyncadd.s32 $0xFFFF8000  }
0x315: {  	_ =	swait.ge [sflag:s31], $0x8000  }
0x316: {  	[sflag:s31] =	ssyncset.done $0x0  }
0x317: {  	s2 =	sadd.s32 $0xFFFFFFFF, s28;
	[sflag:s31] =	ssyncadd.s32 $0xFFFF8000  }
0x318: {  	_ =	sfence.sel $0x180000  }
0x319: {  	[bflag:$0x0] =	sbarrier.arrive $0xFFFF  }
0x31a: {  	_ =	strace $0x9000004A  }
0x31b: {  	s0 =	stileid.u32;
	[bflag:$0x2] =	sbarrier.arrive $0xFFFF  }
0x31c: {  	p0 =	sne.s32 s0, $0x0;
	s0 =	rddreg [dreg:$0x6]  }
0x31d: {  	s0 =	sadd.s32 @!p0 $0x100000, s0  }
0x31e: {  	[sflag:s0] =	ssyncadd.tile.s32 @!p0 $0x1;
	_ =	shalt  }
.Lfunc_end2:
_tile_overlayer_lowered:
.L_overlay_start_2:
0x31f: {  	(tag) =	ssettag $0x2  }
0x320: {  	s0 =	rddreg [dreg:$0x0];
	s2 =	stileid.u32  }
0x321: {  	s1 =	rddreg [dreg:$0x1];
	p0 =	sne.s32 s2, $0x0  }
0x322: {  	s3 =	rddreg [dreg:$0x2];
	[bflag:$0x3] =	sbarrier.arrive $0xFFFF;
	s2 =	simm.s32 @!p0 $0x1C05  }
0x323: {  	[timem:s3], [sflag:s2] =	dma.local @!p0 [hbm:s0], s1  }
0x324: {  	s0 =	simm.s32 @!p0 $0x5  }
0x325: {  	_ =	swait.ge @!p0 [sflag:s0], s1  }
0x326: {  	s1 =	ssub.s32 @!p0 $0x0, s1;
	[sflag:s0] =	ssyncset.done @!p0 $0x0  }
0x327: {  	[sflag:s0] =	ssyncadd.s32 @!p0 s1  }
0x328: {  	[bflag:$0x3] =	sbarrier.arrive $0xFFFF  }
0x329: {  	_ =	shalt  }

// kernel: kernel.9.cloned.1.call-start
scs
__scs_entry_jumppad:
0x0: {  	(pc) =	sbr.rel $0x88, $3  }
0x1: {  	(tag) =	ssettag $0x0;
	lr =	simm.s32 $0x1  }
0x2: {  	[smem:$0x3F9A] =	sst lr;
	_ =	strace $0xD0000000  }
0x3: {  	_ = 	snop  }
0x4: {  	_ = 	snop  }
0x5: {  	_ = 	snop  }
0x6: {  	_ = 	snop  }
0x7: {  	_ = 	snop  }
__scs_overlays_trampoline_lowered:
0x8: {  	[smem:$0x3FA9] =	sst s0  }
0x9: {  	[smem:$0x3FAA] =	sst s1  }
0xa: {  	[smem:$0x3FAB] =	sst s2  }
0xb: {  	[smem:$0x3FAC] =	sst s3  }
0xc: {  	[smem:$0x3FAD] =	sst s4  }
0xd: {  	[smem:$0x3FAE] =	sst s5  }
0xe: {  	[smem:$0x3FAF] =	sst s6  }
0xf: {  	[smem:$0x3FB0] =	sst s7  }
0x10: {  	[smem:$0x3FB1] =	sst s8  }
0x11: {  	[smem:$0x3FB2] =	sst s9;
	s0 =	simm.s32 @!p0 $0x0  }
0x12: {  	s1 =	sld [smem:$0x3F98];
	s0 =	simm.s32 @p0 $0x1  }
0x13: {  	[smem:$0x3FB3] =	sst s0;
	s0 =	simm.s32 @!p1 $0x0  }
0x14: {  	s2 =	sld [smem:$0x3F97];
	s0 =	simm.s32 @p1 $0x1  }
0x15: {  	[smem:$0x3FB4] =	sst s0;
	s0 =	simm.s32 @!p2 $0x0  }
0x16: {  	s3 =	sld [smem:$0x3FDB];
	s0 =	simm.s32 @p2 $0x1  }
0x17: {  	s4 =	simm.s32 $0x1BF5;
	[smem:$0x3FB6] =	sst s0  }
0x18: {  	s0 =	sld [smem:$0x3F99];
	_ =	swait.ge [sflag:s4], $0x0  }
0x19: {  	s7 =	sld [smem:$0x3F9A]  }
0x1a: {  	s8 =	sadd.s32 $0xFFFFE003, lr  }
0x1b: {  	s9 =	sadd.s32 $0xFFFFFEF7, lr;
	s5 =	simm.s32 $0xFFFFFFFF;
	p2 =	slt.u32 s8, $0xFFFFF086  }
0x1c: {  	p1 =	slt.u32 s9, $0xF7A;
	s5 =	simm.s32 @!p2 $0x0  }
0x1d: {  	s5 =	simm.s32 @p1 $0x1;
	p0 =	seq.s32 s7, s2  }
0x1e: {  	s7 =	smul.u32 @!p0 $0xF7A, s2;
	p2 =	seq.s32 @!p0 s5, $0x0  }
0x1f: {  	s9 =	smul.u32 $0xF7A, s1;
	s8 =	simm.s32 @!p0 $0x1BF5;
	p2 =	por !p2, p0  }
0x20: {  	[sflag:s8] =	ssyncset.s32 @!p0 $0xFFFFF086;
	s6 =	sadd.s32 @!p0 s3, s7;
	s7 =	simm.s32 @!p0 $0x108  }
0x21: {  	s3 =	sadd.s32 s3, s9;
	s6 =	sadd.s32 @!p0 $0x88, s6;
	s7 =	simm.s32 @p2 $0x1082  }
0x22: {  	[simem:s7], [sflag:s8] =	dma.local @!p0 [hbm:s6], $0xF7A  }
0x23: {  	s9 =	sor.u32 $0xD0000000, s2;
	s6 =	simm.s32 $0x108;
	_ =	swait.ge @!p0 [sflag:s8], $0x0  }
0x24: {  	s3 =	sadd.s32 $0x88, s3;
	s6 =	simm.s32 @!p1 $0x1082;
	[sflag:s4] =	ssyncset.s32 $0xFFFFF086  }
0x25: {  	[simem:s6], [sflag:s4] =	dma.local [hbm:s3], $0xF7A  }
0x26: {  	[smem:$0x3F9A] =	sst s1;
	(tag) =	ssettag s2;
	_ =	strace s9  }
0x27: {  	s1 =	sld [smem:$0x3FAA]  }
0x28: {  	s2 =	sld [smem:$0x3FAB]  }
0x29: {  	s4 =	sld [smem:$0x3FAD]  }
0x2a: {  	p0 =	seq.s32 s5, $0x0;
	s5 =	sld [smem:$0x3FAE]  }
0x2b: {  	s6 =	sld [smem:$0x3FAF]  }
0x2c: {  	s7 =	sld [smem:$0x3FB0]  }
0x2d: {  	s3 =	simm.s32 $0x108;
	s8 =	sld [smem:$0x3FB1]  }
0x2e: {  	s3 =	simm.s32 @!p0 $0x1082;
	s9 =	sld [smem:$0x3FB2]  }
0x2f: {  	lr =	sadd.s32 s0, s3;
	s0 =	sld [smem:$0x3FA9]  }
0x30: {  	s3 =	sld [smem:$0x3FAC]  }
0x31: {  	[smem:$0x3FB5] =	sst s10  }
0x32: {  	s10 =	sld [smem:$0x3FB3];
	_ =	sdelay $0x3  }
0x33: {  	p0 =	seq.s32 s10, $0x1;
	s10 =	sld [smem:$0x3FB5];
	_ =	sdelay $0x3  }
0x34: {  	[smem:$0x3FB5] =	sst s10  }
0x35: {  	s10 =	sld [smem:$0x3FB4];
	_ =	sdelay $0x3  }
0x36: {  	p1 =	seq.s32 s10, $0x1;
	s10 =	sld [smem:$0x3FB5];
	_ =	sdelay $0x3  }
0x37: {  	[smem:$0x3FB5] =	sst s10  }
0x38: {  	s10 =	sld [smem:$0x3FB6]  }
0x39: {  	_ = 	snop;
	(pc) =	sbr.ind lr, $3  }
0x3a: {  	_ = 	snop  }
0x3b: {  	_ = 	snop  }
0x3c: {  	p2 =	seq.s32 s10, $0x1;
	s10 =	sld [smem:$0x3FB5]  }
0x3d: {  	_ =	shalt  }
0x3e: {  	_ =	shalt  }
0x3f: {  	_ =	shalt  }
0x40: {  	_ =	shalt  }
0x41: {  	_ =	shalt  }
0x42: {  	_ =	shalt  }
0x43: {  	_ =	shalt  }
0x44: {  	_ =	shalt  }
0x45: {  	_ =	shalt  }
0x46: {  	_ =	shalt  }
0x47: {  	_ =	shalt  }
0x48: {  	_ =	shalt  }
0x49: {  	_ =	shalt  }
0x4a: {  	_ =	shalt  }
0x4b: {  	_ =	shalt  }
0x4c: {  	_ =	shalt  }
0x4d: {  	_ =	shalt  }
0x4e: {  	_ =	shalt  }
0x4f: {  	_ =	shalt  }
0x50: {  	_ =	shalt  }
0x51: {  	_ =	shalt  }
0x52: {  	_ =	shalt  }
0x53: {  	_ =	shalt  }
0x54: {  	_ =	shalt  }
0x55: {  	_ =	shalt  }
0x56: {  	_ =	shalt  }
0x57: {  	_ =	shalt  }
0x58: {  	_ =	shalt  }
0x59: {  	_ =	shalt  }
0x5a: {  	_ =	shalt  }
0x5b: {  	_ =	shalt  }
0x5c: {  	_ =	shalt  }
0x5d: {  	_ =	shalt  }
0x5e: {  	_ =	shalt  }
0x5f: {  	_ =	shalt  }
0x60: {  	_ =	shalt  }
0x61: {  	_ =	shalt  }
0x62: {  	_ =	shalt  }
0x63: {  	_ =	shalt  }
0x64: {  	_ =	shalt  }
0x65: {  	_ =	shalt  }
0x66: {  	_ =	shalt  }
0x67: {  	_ =	shalt  }
0x68: {  	_ =	shalt  }
0x69: {  	_ =	shalt  }
0x6a: {  	_ =	shalt  }
0x6b: {  	_ =	shalt  }
0x6c: {  	_ =	shalt  }
0x6d: {  	_ =	shalt  }
0x6e: {  	_ =	shalt  }
0x6f: {  	_ =	shalt  }
0x70: {  	_ =	shalt  }
0x71: {  	_ =	shalt  }
0x72: {  	_ =	shalt  }
0x73: {  	_ =	shalt  }
0x74: {  	_ =	shalt  }
0x75: {  	_ =	shalt  }
0x76: {  	_ =	shalt  }
0x77: {  	_ =	shalt  }
0x78: {  	_ =	shalt  }
0x79: {  	_ =	shalt  }
0x7a: {  	_ =	shalt  }
0x7b: {  	_ =	shalt  }
0x7c: {  	_ =	shalt  }
0x7d: {  	_ =	shalt  }
0x7e: {  	_ =	shalt  }
0x7f: {  	_ =	shalt  }
0x80: {  	_ =	shalt  }
0x81: {  	_ =	shalt  }
0x82: {  	_ =	shalt  }
0x83: {  	_ =	shalt  }
0x84: {  	_ =	shalt  }
0x85: {  	_ =	shalt  }
0x86: {  	_ =	shalt  }
0x87: {  	_ =	shalt  }
.Lfunc_end0:
.L_simem_size_0:
called_computation.1_lowered:
.L_overlay_start_0:
0x88: {  	s2 =	sld [smem:$0x3FD9]  }
0x89: {  	s3 =	sld [smem:$0x3FFE];
	_ =	sdelay $0x1  }
0x8a: {  	s1 =	srdreg.scid  }
0x8b: {  	s0 =	sand.u32 $0x1, s1  }
0x8c: {  	s17 =	sshll.u32 s0, $0xA;
	s2 =	sadd.s32 s3, s2  }
0x8d: {  	s2 =	sadd.s32 s2, s17  }
0x8e: {  	[smem:$0x3FC1] =	sst s2  }
0x8f: {  	_ = 	snop  }
0x90: {  	s2 =	sld [smem:$0x3FC8];
	(tm) =	ssettm $0x1  }
0x91: {  	s18 =	sld [smem:$0x3FFB];
	_ =	sdelay $0x3  }
0x92: {  	_ =	strace s18  }
0x93: {  	s3 =	sld [smem:$0x3FFC];
	_ =	sdelay $0x3  }
0x94: {  	_ =	strace s3  }
0x95: {  	s3 =	sld [smem:$0x3FFD];
	_ =	sdelay $0x3  }
0x96: {  	_ =	strace s3  }
0x97: {  	_ =	strace $0x8FFFFFFF  }
0x98: {  	s19 =	sld [smem:$0x3FDB];
	_ =	sdelay $0x1  }
0x99: {  	s4 =	simm.s32 $_scs_section_size  }
0x9a: {  	s5 =	simm.s32 $_size__tile_overlayer_lowered;
	s6 =	simm.s32 $_tile_overlayer_lowered  }
0x9b: {  	s22 =	simm.s32 $0x1BFF;
	s21 =	sshll.u32 s6, $0x1;
	s3 =	sadd.s32 s4, s19  }
0x9c: {  	s7 =	simm.s32 $0x0;
	s20 =	sshll.u32 s5, $0x1;
	s5 =	sadd.s32 s21, s3  }
0x9d: {  	[timem:s7], [sflag:s22] =	dma.local [hbm:s5], s20  }
0x9e: {  	_ =	swait.ge [sflag:s22], s20  }
0x9f: {  	s4 =	ssub.s32 $0x0, s20;
	[sflag:s22] =	ssyncset.done $0x0  }
0xa0: {  	[sflag:s22] =	ssyncadd.s32 s4;
	_ =	sdelay $0x1  }
0xa1: {  	s23 =	simm.s32 $0x1B8B  }
0xa2: {  	_ =	swait.ge [sflag:s23], $0x1  }
0xa3: {  	[sflag:s23] =	ssyncset.done $0x0  }
0xa4: {  	s25 =	simm.s32 $0x1B8E;
	s24 =	sld [smem:$0x3FFE];
	[sflag:s23] =	ssyncadd.s32 $0xFFFFFFFF  }
0xa5: {  	s26 =	simm.s32 $execute0_lowered;
	[smem:$0x3FD2] =	sst s25  }
0xa6: {  	s5 =	sshll.u32 s26, $0x1;
	_ =	strace $0x80000046;
	[dreg:$0x1] =	wrdreg $0xFFFFFFFF  }
0xa7: {  	s28 =	simm.s32 $_size_execute0_lowered;
	s3 =	sadd.s32 s3, s5;
	[dreg:$0x0] =	wrdreg $0x0  }
0xa8: {  	s5 =	sshll.u32 s28, $0x1;
	[dreg:$0x2] =	wrdreg s3  }
0xa9: {  	[dreg:$0x3] =	wrdreg s5  }
0xaa: {  	[dreg:$0x4] =	wrdreg $0xC0  }
0xab: {  	_ =	task [dreg:s7], $0x5FFFF  }
0xac: {  	[dreg:$0x1] =	wrdreg $0xFFFFFFFF  }
0xad: {  	[dreg:$0x0] =	wrdreg $0x60  }
0xae: {  	[dreg:$0x2] =	wrdreg s24  }
0xaf: {  	[dreg:$0x3] =	wrdreg s2  }
0xb0: {  	[dreg:$0x4] =	wrdreg $0xA  }
0xb1: {  	_ =	task.clear_ibuf [dreg:s7], $0x5FFFF;
	_ =	strace $0x90000046  }
0xb2: {  	s29 =	simm.s32 $0xA;
	_ =	strace $0x80000048  }
0xb3: {  	_ =	swait.ge [sflag:s29], $0x1  }
0xb4: {  	[sflag:s29] =	ssyncadd.s32 $0xFFFFFFFF  }
0xb5: {  	_ =	strace $0x90000048  }
0xb6: {  	_ =	sfence  }
0xb7: {  	s30 =	sld [smem:$0x0];
	_ =	sdelay $0x2  }
0xb8: {  	s31 =	sshll.u32 s1, $0xD;
	s1 =	sshrl.u32 s1, $0x2  }
0xb9: {  	s3 =	sand.u32 $0x4000, s31;
	s1 =	sadd.s32 s1, s30  }
0xba: {  	s0 =	sor.u32 s3, s0;
	s1 =	sshll.u32 s1, $0x11  }
0xbb: {  	s0 =	sor.u32 s1, s0  }
0xbc: {  	s0 =	sadd.s32 $0x8F2B, s0  }
0xbd: {  	[sflag:s0] =	ssyncadd.remote.s32 $0x1  }
0xbe: {  	_ =	sfence.sel $0xFFFF  }
0xbf: {  	[dreg:$0x0] =	wrdreg $0xFFFFFFFF;
	(pc) =	sbr.abs _section_cstart, $3  }
0xc0: {  	[dreg:$0x1] =	wrdreg $0xFFFFFFFF  }
0xc1: {  	_ =	task.clear_ibuf [dreg:s7], $0x2FFFF;
	_ =	strace $0x9FFFFFFF  }
0xc2: {  	(tm) =	ssettm $0x7FFFFFFF  }
0xc3: {  	_ =	shalt  }
tec
execute0_lowered:
.L_overlay_start_1:
0x0: {  	(tag) =	ssettag $0x1  }
0x1: {  	s0 =	srdreg.scid;
	s1 =	rddreg [dreg:$0x0]  }
0x2: {  	s2 =	stileid.u32;
	s3 =	rddreg [dreg:$0x1];
	s0 =	sand.u32 $0x1, s0  }
0x3: {  	s13 =	simm.s32 $0x80;
	s4 =	sshll.u32 s2, $0x8;
	s5 =	sshll.u32 s0, $0x7  }
0x4: {  	s14 =	simm.s32 $0x880;
	s28 =	simm.s32 $0x7080;
	s4 =	sor.u32 s5, s4  }
0x5: {  	s2 =	simm.s32 $0x0;
	s5 =	sshll.u32 s4, $0x8;
	s4 =	sshrl.u32 s4, $0x3  }
0x6: {  	[smem:$0x7FF] =	sst s2;
	s10 =	sadd.s32 s5, s1;
	s3 =	sadd.s32 s3, s4  }
0x7: {  	_ =	strace $0x80000047;
	[dreg:$0x3] =	wrdreg s3;
	s15 =	sadd.s32 $0x402000, s10  }
0x8: {  	s29 =	simm.s32 $0x7880;
	s16 =	sadd.s32 $0x402800, s10;
	[dreg:$0x4] =	wrdreg s15  }
0x9: {  	s30 =	simm.s32 $0x1;
	s17 =	sadd.s32 $0x403000, s10;
	[dreg:$0x5] =	wrdreg s16  }
0xa: {  	s31 =	simm.s32 $0x3;
	s18 =	sadd.s32 $0x403800, s10;
	[dreg:$0x6] =	wrdreg s17  }
0xb: {  	s0 =	ssub.s32 $0x2, s0;
	s19 =	sadd.s32 $0x404000, s10;
	[dreg:$0x7] =	wrdreg s18  }
0xc: {  	s23 =	sshrl.u32 s0, $0x1;
	s20 =	sadd.s32 $0x404800, s10;
	[dreg:$0x8] =	wrdreg s19  }
0xd: {  	s0 =	ssub.s32 s0, s23;
	s21 =	sadd.s32 $0x405000, s10;
	[dreg:$0x9] =	wrdreg s20  }
0xe: {  	s23 =	simm.s32 $0x5080;
	s22 =	sadd.s32 $0x405800, s10;
	[dreg:$0xa] =	wrdreg s21  }
0xf: {  	s4 =	sadd.s32 $0x1F00, s1;
	s24 =	sadd.s32 $0x406000, s10;
	[dreg:$0xb] =	wrdreg s22  }
0x10: {  	s5 =	sadd.s32 $0x2000, s1;
	s25 =	sadd.s32 $0x406800, s10;
	[dreg:$0xc] =	wrdreg s24  }
0x11: {  	s3 =	sadd.s32 $0x1E00, s1;
	s6 =	sadd.s32 $0x407000, s10;
	[dreg:$0xd] =	wrdreg s25  }
0x12: {  	s7 =	sadd.s32 $0x407800, s10;
	s8 =	sadd.s32 $0x408000, s10;
	[dreg:$0xe] =	wrdreg s6  }
0x13: {  	s9 =	sadd.s32 $0x408800, s10;
	s11 =	sadd.s32 $0x409000, s10;
	[dreg:$0xf] =	wrdreg s7  }
0x14: {  	s26 =	sadd.s32 $0x409800, s10;
	s10 =	sadd.s32 $0x2500, s1;
	[dreg:$0x10] =	wrdreg s8  }
0x15: {  	s6 =	sadd.s32 $0x2100, s1;
	s7 =	sadd.s32 $0x2200, s1;
	[dreg:$0x11] =	wrdreg s9  }
0x16: {  	s8 =	sadd.s32 $0x2300, s1;
	s9 =	sadd.s32 $0x2400, s1;
	[dreg:$0x12] =	wrdreg s11  }
0x17: {  	[dreg:$0x13] =	wrdreg s26;
	s11 =	smax.u32 s0, $0x1;
	s15 =	simm.s32 $0x1080  }
0x18: {  	s16 =	simm.s32 $0x1880;
	s17 =	simm.s32 $0x2080;
	s18 =	simm.s32 $0x2880  }
0x19: {  	v0 =	vlaneseq.u32;
	s19 =	simm.s32 $0x3080;
	s20 =	simm.s32 $0x3880;
	s21 =	simm.s32 $0x4080  }
0x1a: {  	v1 =	vshrl.u32 v0, $0x3;
	s22 =	simm.s32 $0x4880;
	s24 =	simm.s32 $0x5880;
	s25 =	simm.s32 $0x6080  }
0x1b: {  	vm0 =	vmmov $0xffff;
	v0 =	vand.u32 $0x7, v0;
	v1 =	vmul.u32 $0x8, v1;
	s26 =	simm.s32 $0x6880;
	s1 =	simm.s32 $0x2;
	s0 =	simm.s32 $0x4  }
.LBB2_1:
0x1c: {  	s12 =	rddreg [dreg:$0x3]  }
0x1d: {  	[tilespmem:s2], [sflag:$0x5] =	stream.linear.gather [hbm4b:s12+s2], $0x80, $0x38;
	[tilespmem:$0x8080] =	vst v63  }
0x1e: {  	s12 =	simm.s32 $0x5  }
0x1f: {  	_ =	swait.ge [sflag:s12], $0x80  }
0x20: {  	[sflag:s12] =	ssyncset.done $0x0  }
0x21: {  	[sflag:s12] =	ssyncadd.s32 $0xFFFFFF80  }
0x22: {  	v2 =	vld.msk [tilespmem:$0x0], $0xff;
	_ =	sdelay $0x4  }
0x23: {  	v3 =	vshll.u32 v2, $0x4  }
0x24: {  	v2 =	vand.u32 $0x7, v2;
	v3 =	vand.u32 $0xFFFFFF80, v3  }
0x25: {  	v2 =	vor.u32 v2, v3  }
0x26: {  	v2 =	vperm.xlane v2, v0;
	_ =	sdelay $0x1  }
0x27: {  	v2 =	vadd.s32 v1, v2;
	_ =	sdelay $0x4  }
0x28: {  	[tilespmem:s13], [sflag:$0x1] =	stream.indirect_vreg.gather [hbm4b:s3+s2], $0x80, v2, vm0, $0xb8;
	[tilespmem:$0x8080] =	vst v63  }
0x29: {  	_ = 	snop  }
0x2a: {  	[tilespmem:s14], [sflag:$0x1] =	stream.indirect_vreg.gather [hbm4b:s4+s2], $0x80, v2, vm0, $0xb8;
	[tilespmem:$0x8080] =	vst v63  }
0x2b: {  	_ = 	snop  }
0x2c: {  	[tilespmem:s15], [sflag:$0x1] =	stream.indirect_vreg.gather [hbm4b:s5+s2], $0x80, v2, vm0, $0xb8;
	[tilespmem:$0x8080] =	vst v63  }
0x2d: {  	_ = 	snop  }
0x2e: {  	[tilespmem:s16], [sflag:$0x1] =	stream.indirect_vreg.gather [hbm4b:s6+s2], $0x80, v2, vm0, $0xb8;
	[tilespmem:$0x8080] =	vst v63  }
0x2f: {  	_ = 	snop  }
0x30: {  	[tilespmem:s17], [sflag:$0x1] =	stream.indirect_vreg.gather [hbm4b:s7+s2], $0x80, v2, vm0, $0xb8;
	[tilespmem:$0x8080] =	vst v63  }
0x31: {  	_ = 	snop  }
0x32: {  	[tilespmem:s18], [sflag:$0x1] =	stream.indirect_vreg.gather [hbm4b:s8+s2], $0x80, v2, vm0, $0xb8;
	[tilespmem:$0x8080] =	vst v63  }
0x33: {  	_ = 	snop  }
0x34: {  	[tilespmem:s19], [sflag:$0x1] =	stream.indirect_vreg.gather [hbm4b:s9+s2], $0x80, v2, vm0, $0xb8;
	[tilespmem:$0x8080] =	vst v63  }
0x35: {  	_ = 	snop  }
0x36: {  	[tilespmem:s20], [sflag:$0x1] =	stream.indirect_vreg.gather [hbm4b:s10+s2], $0x80, v2, vm0, $0xb8;
	[tilespmem:$0x8080] =	vst v63  }
0x37: {  	v2 =	vld.msk [tilespmem:$0x8], $0xff;
	_ =	sdelay $0x4  }
0x38: {  	v3 =	vshll.u32 v2, $0x4  }
0x39: {  	v2 =	vand.u32 $0x7, v2;
	v3 =	vand.u32 $0xFFFFFF80, v3  }
0x3a: {  	v2 =	vor.u32 v2, v3  }
0x3b: {  	v2 =	vperm.xlane v2, v0;
	_ =	sdelay $0x1  }
0x3c: {  	v2 =	vadd.s32 v1, v2;
	_ =	sdelay $0x4  }
0x3d: {  	[tilespmem:s21], [sflag:$0x2] =	stream.indirect_vreg.gather [hbm4b:s3+s2], $0x80, v2, vm0, $0xb8;
	[tilespmem:$0x8080] =	vst v63  }
0x3e: {  	_ = 	snop  }
0x3f: {  	[tilespmem:s22], [sflag:$0x2] =	stream.indirect_vreg.gather [hbm4b:s4+s2], $0x80, v2, vm0, $0xb8;
	[tilespmem:$0x8080] =	vst v63  }
0x40: {  	_ = 	snop  }
0x41: {  	[tilespmem:s23], [sflag:$0x2] =	stream.indirect_vreg.gather [hbm4b:s5+s2], $0x80, v2, vm0, $0xb8;
	[tilespmem:$0x8080] =	vst v63  }
0x42: {  	_ = 	snop  }
0x43: {  	[tilespmem:s24], [sflag:$0x2] =	stream.indirect_vreg.gather [hbm4b:s6+s2], $0x80, v2, vm0, $0xb8;
	[tilespmem:$0x8080] =	vst v63  }
0x44: {  	_ = 	snop  }
0x45: {  	[tilespmem:s25], [sflag:$0x2] =	stream.indirect_vreg.gather [hbm4b:s7+s2], $0x80, v2, vm0, $0xb8;
	[tilespmem:$0x8080] =	vst v63  }
0x46: {  	_ = 	snop  }
0x47: {  	[tilespmem:s26], [sflag:$0x2] =	stream.indirect_vreg.gather [hbm4b:s8+s2], $0x80, v2, vm0, $0xb8;
	[tilespmem:$0x8080] =	vst v63  }
0x48: {  	_ = 	snop  }
0x49: {  	[tilespmem:s28], [sflag:$0x2] =	stream.indirect_vreg.gather [hbm4b:s9+s2], $0x80, v2, vm0, $0xb8;
	[tilespmem:$0x8080] =	vst v63  }
0x4a: {  	_ = 	snop  }
0x4b: {  	[tilespmem:s29], [sflag:$0x2] =	stream.indirect_vreg.gather [hbm4b:s10+s2], $0x80, v2, vm0, $0xb8;
	[tilespmem:$0x8080] =	vst v63  }
0x4c: {  	_ =	swait.ge [sflag:s30], $0x4000  }
0x4d: {  	[sflag:s30] =	ssyncset.done $0x0  }
0x4e: {  	s12 =	rddreg [dreg:$0x4];
	[sflag:s30] =	ssyncadd.s32 $0xFFFFC000  }
0x4f: {  	[hbm4b:s12+s2] =	stream.linear.scatter [tilespmem:s13], [sflag:$0x3], $0x4000, $0x38;
	[tilespmem:$0x8080] =	vst v63  }
0x50: {  	_ =	swait.ge [sflag:s31], $0x4000  }
0x51: {  	[sflag:s31] =	ssyncset.done $0x0  }
0x52: {  	[sflag:s31] =	ssyncadd.s32 $0xFFFFC000  }
0x53: {  	v2 =	vld.msk [tilespmem:$0x10], $0xff;
	_ =	sdelay $0x4  }
0x54: {  	v3 =	vshll.u32 v2, $0x4  }
0x55: {  	v2 =	vand.u32 $0x7, v2;
	v3 =	vand.u32 $0xFFFFFF80, v3  }
0x56: {  	v2 =	vor.u32 v2, v3  }
0x57: {  	v2 =	vperm.xlane v2, v0;
	_ =	sdelay $0x1  }
0x58: {  	v2 =	vadd.s32 v1, v2;
	_ =	sdelay $0x4  }
0x59: {  	[tilespmem:s13], [sflag:$0x1] =	stream.indirect_vreg.gather [hbm4b:s3+s2], $0x80, v2, vm0, $0xb8;
	[tilespmem:$0x8080] =	vst v63  }
0x5a: {  	_ = 	snop  }
0x5b: {  	[tilespmem:s14], [sflag:$0x1] =	stream.indirect_vreg.gather [hbm4b:s4+s2], $0x80, v2, vm0, $0xb8;
	[tilespmem:$0x8080] =	vst v63  }
0x5c: {  	_ = 	snop  }
0x5d: {  	[tilespmem:s15], [sflag:$0x1] =	stream.indirect_vreg.gather [hbm4b:s5+s2], $0x80, v2, vm0, $0xb8;
	[tilespmem:$0x8080] =	vst v63  }
0x5e: {  	_ = 	snop  }
0x5f: {  	[tilespmem:s16], [sflag:$0x1] =	stream.indirect_vreg.gather [hbm4b:s6+s2], $0x80, v2, vm0, $0xb8;
	[tilespmem:$0x8080] =	vst v63  }
0x60: {  	_ = 	snop  }
0x61: {  	[tilespmem:s17], [sflag:$0x1] =	stream.indirect_vreg.gather [hbm4b:s7+s2], $0x80, v2, vm0, $0xb8;
	[tilespmem:$0x8080] =	vst v63  }
0x62: {  	_ = 	snop  }
0x63: {  	[tilespmem:s18], [sflag:$0x1] =	stream.indirect_vreg.gather [hbm4b:s8+s2], $0x80, v2, vm0, $0xb8;
	[tilespmem:$0x8080] =	vst v63  }
0x64: {  	_ = 	snop  }
0x65: {  	[tilespmem:s19], [sflag:$0x1] =	stream.indirect_vreg.gather [hbm4b:s9+s2], $0x80, v2, vm0, $0xb8;
	[tilespmem:$0x8080] =	vst v63  }
0x66: {  	_ = 	snop  }
0x67: {  	[tilespmem:s20], [sflag:$0x1] =	stream.indirect_vreg.gather [hbm4b:s10+s2], $0x80, v2, vm0, $0xb8;
	[tilespmem:$0x8080] =	vst v63  }
0x68: {  	_ =	swait.ge [sflag:s1], $0x4000  }
0x69: {  	[sflag:s1] =	ssyncset.done $0x0  }
0x6a: {  	s12 =	rddreg [dreg:$0x5];
	[sflag:s1] =	ssyncadd.s32 $0xFFFFC000  }
0x6b: {  	[hbm4b:s12+s2] =	stream.linear.scatter [tilespmem:s21], [sflag:$0x4], $0x4000, $0x38;
	[tilespmem:$0x8080] =	vst v63  }
0x6c: {  	_ =	swait.ge [sflag:s0], $0x4000  }
0x6d: {  	[sflag:s0] =	ssyncset.done $0x0  }
0x6e: {  	[sflag:s0] =	ssyncadd.s32 $0xFFFFC000  }
0x6f: {  	v2 =	vld.msk [tilespmem:$0x18], $0xff;
	_ =	sdelay $0x4  }
0x70: {  	v3 =	vshll.u32 v2, $0x4  }
0x71: {  	v2 =	vand.u32 $0x7, v2;
	v3 =	vand.u32 $0xFFFFFF80, v3  }
0x72: {  	v2 =	vor.u32 v2, v3  }
0x73: {  	v2 =	vperm.xlane v2, v0;
	_ =	sdelay $0x1  }
0x74: {  	v2 =	vadd.s32 v1, v2;
	_ =	sdelay $0x4  }
0x75: {  	[tilespmem:s21], [sflag:$0x2] =	stream.indirect_vreg.gather [hbm4b:s3+s2], $0x80, v2, vm0, $0xb8;
	[tilespmem:$0x8080] =	vst v63  }
0x76: {  	_ = 	snop  }
0x77: {  	[tilespmem:s22], [sflag:$0x2] =	stream.indirect_vreg.gather [hbm4b:s4+s2], $0x80, v2, vm0, $0xb8;
	[tilespmem:$0x8080] =	vst v63  }
0x78: {  	_ = 	snop  }
0x79: {  	[tilespmem:s23], [sflag:$0x2] =	stream.indirect_vreg.gather [hbm4b:s5+s2], $0x80, v2, vm0, $0xb8;
	[tilespmem:$0x8080] =	vst v63  }
0x7a: {  	_ = 	snop  }
0x7b: {  	[tilespmem:s24], [sflag:$0x2] =	stream.indirect_vreg.gather [hbm4b:s6+s2], $0x80, v2, vm0, $0xb8;
	[tilespmem:$0x8080] =	vst v63  }
0x7c: {  	_ = 	snop  }
0x7d: {  	[tilespmem:s25], [sflag:$0x2] =	stream.indirect_vreg.gather [hbm4b:s7+s2], $0x80, v2, vm0, $0xb8;
	[tilespmem:$0x8080] =	vst v63  }
0x7e: {  	_ = 	snop  }
0x7f: {  	[tilespmem:s26], [sflag:$0x2] =	stream.indirect_vreg.gather [hbm4b:s8+s2], $0x80, v2, vm0, $0xb8;
	[tilespmem:$0x8080] =	vst v63  }
0x80: {  	_ = 	snop  }
0x81: {  	[tilespmem:s28], [sflag:$0x2] =	stream.indirect_vreg.gather [hbm4b:s9+s2], $0x80, v2, vm0, $0xb8;
	[tilespmem:$0x8080] =	vst v63  }
0x82: {  	_ = 	snop  }
0x83: {  	[tilespmem:s29], [sflag:$0x2] =	stream.indirect_vreg.gather [hbm4b:s10+s2], $0x80, v2, vm0, $0xb8;
	[tilespmem:$0x8080] =	vst v63  }
0x84: {  	_ =	swait.ge [sflag:s30], $0x4000  }
0x85: {  	[sflag:s30] =	ssyncset.done $0x0  }
0x86: {  	s12 =	rddreg [dreg:$0x6];
	[sflag:s30] =	ssyncadd.s32 $0xFFFFC000  }
0x87: {  	[hbm4b:s12+s2] =	stream.linear.scatter [tilespmem:s13], [sflag:$0x3], $0x4000, $0x38;
	[tilespmem:$0x8080] =	vst v63  }
0x88: {  	_ =	swait.ge [sflag:s31], $0x4000  }
0x89: {  	[sflag:s31] =	ssyncset.done $0x0  }
0x8a: {  	[sflag:s31] =	ssyncadd.s32 $0xFFFFC000  }
0x8b: {  	v2 =	vld.msk [tilespmem:$0x20], $0xff;
	_ =	sdelay $0x4  }
0x8c: {  	v3 =	vshll.u32 v2, $0x4  }
0x8d: {  	v2 =	vand.u32 $0x7, v2;
	v3 =	vand.u32 $0xFFFFFF80, v3  }
0x8e: {  	v2 =	vor.u32 v2, v3  }
0x8f: {  	v2 =	vperm.xlane v2, v0;
	_ =	sdelay $0x1  }
0x90: {  	v2 =	vadd.s32 v1, v2;
	_ =	sdelay $0x4  }
0x91: {  	[tilespmem:s13], [sflag:$0x1] =	stream.indirect_vreg.gather [hbm4b:s3+s2], $0x80, v2, vm0, $0xb8;
	[tilespmem:$0x8080] =	vst v63  }
0x92: {  	_ = 	snop  }
0x93: {  	[tilespmem:s14], [sflag:$0x1] =	stream.indirect_vreg.gather [hbm4b:s4+s2], $0x80, v2, vm0, $0xb8;
	[tilespmem:$0x8080] =	vst v63  }
0x94: {  	_ = 	snop  }
0x95: {  	[tilespmem:s15], [sflag:$0x1] =	stream.indirect_vreg.gather [hbm4b:s5+s2], $0x80, v2, vm0, $0xb8;
	[tilespmem:$0x8080] =	vst v63  }
0x96: {  	_ = 	snop  }
0x97: {  	[tilespmem:s16], [sflag:$0x1] =	stream.indirect_vreg.gather [hbm4b:s6+s2], $0x80, v2, vm0, $0xb8;
	[tilespmem:$0x8080] =	vst v63  }
0x98: {  	_ = 	snop  }
0x99: {  	[tilespmem:s17], [sflag:$0x1] =	stream.indirect_vreg.gather [hbm4b:s7+s2], $0x80, v2, vm0, $0xb8;
	[tilespmem:$0x8080] =	vst v63  }
0x9a: {  	_ = 	snop  }
0x9b: {  	[tilespmem:s18], [sflag:$0x1] =	stream.indirect_vreg.gather [hbm4b:s8+s2], $0x80, v2, vm0, $0xb8;
	[tilespmem:$0x8080] =	vst v63  }
0x9c: {  	_ = 	snop  }
0x9d: {  	[tilespmem:s19], [sflag:$0x1] =	stream.indirect_vreg.gather [hbm4b:s9+s2], $0x80, v2, vm0, $0xb8;
	[tilespmem:$0x8080] =	vst v63  }
0x9e: {  	_ = 	snop  }
0x9f: {  	[tilespmem:s20], [sflag:$0x1] =	stream.indirect_vreg.gather [hbm4b:s10+s2], $0x80, v2, vm0, $0xb8;
	[tilespmem:$0x8080] =	vst v63  }
0xa0: {  	_ =	swait.ge [sflag:s1], $0x4000  }
0xa1: {  	[sflag:s1] =	ssyncset.done $0x0  }
0xa2: {  	s12 =	rddreg [dreg:$0x7];
	[sflag:s1] =	ssyncadd.s32 $0xFFFFC000  }
0xa3: {  	[hbm4b:s12+s2] =	stream.linear.scatter [tilespmem:s21], [sflag:$0x4], $0x4000, $0x38;
	[tilespmem:$0x8080] =	vst v63  }
0xa4: {  	_ =	swait.ge [sflag:s0], $0x4000  }
0xa5: {  	[sflag:s0] =	ssyncset.done $0x0  }
0xa6: {  	[sflag:s0] =	ssyncadd.s32 $0xFFFFC000  }
0xa7: {  	v2 =	vld.msk [tilespmem:$0x28], $0xff;
	_ =	sdelay $0x4  }
0xa8: {  	v3 =	vshll.u32 v2, $0x4  }
0xa9: {  	v2 =	vand.u32 $0x7, v2;
	v3 =	vand.u32 $0xFFFFFF80, v3  }
0xaa: {  	v2 =	vor.u32 v2, v3  }
0xab: {  	v2 =	vperm.xlane v2, v0;
	_ =	sdelay $0x1  }
0xac: {  	v2 =	vadd.s32 v1, v2;
	_ =	sdelay $0x4  }
0xad: {  	[tilespmem:s21], [sflag:$0x2] =	stream.indirect_vreg.gather [hbm4b:s3+s2], $0x80, v2, vm0, $0xb8;
	[tilespmem:$0x8080] =	vst v63  }
0xae: {  	_ = 	snop  }
0xaf: {  	[tilespmem:s22], [sflag:$0x2] =	stream.indirect_vreg.gather [hbm4b:s4+s2], $0x80, v2, vm0, $0xb8;
	[tilespmem:$0x8080] =	vst v63  }
0xb0: {  	_ = 	snop  }
0xb1: {  	[tilespmem:s23], [sflag:$0x2] =	stream.indirect_vreg.gather [hbm4b:s5+s2], $0x80, v2, vm0, $0xb8;
	[tilespmem:$0x8080] =	vst v63  }
0xb2: {  	_ = 	snop  }
0xb3: {  	[tilespmem:s24], [sflag:$0x2] =	stream.indirect_vreg.gather [hbm4b:s6+s2], $0x80, v2, vm0, $0xb8;
	[tilespmem:$0x8080] =	vst v63  }
0xb4: {  	_ = 	snop  }
0xb5: {  	[tilespmem:s25], [sflag:$0x2] =	stream.indirect_vreg.gather [hbm4b:s7+s2], $0x80, v2, vm0, $0xb8;
	[tilespmem:$0x8080] =	vst v63  }
0xb6: {  	_ = 	snop  }
0xb7: {  	[tilespmem:s26], [sflag:$0x2] =	stream.indirect_vreg.gather [hbm4b:s8+s2], $0x80, v2, vm0, $0xb8;
	[tilespmem:$0x8080] =	vst v63  }
0xb8: {  	_ = 	snop  }
0xb9: {  	[tilespmem:s28], [sflag:$0x2] =	stream.indirect_vreg.gather [hbm4b:s9+s2], $0x80, v2, vm0, $0xb8;
	[tilespmem:$0x8080] =	vst v63  }
0xba: {  	_ = 	snop  }
0xbb: {  	[tilespmem:s29], [sflag:$0x2] =	stream.indirect_vreg.gather [hbm4b:s10+s2], $0x80, v2, vm0, $0xb8;
	[tilespmem:$0x8080] =	vst v63  }
0xbc: {  	_ =	swait.ge [sflag:s30], $0x4000  }
0xbd: {  	[sflag:s30] =	ssyncset.done $0x0  }
0xbe: {  	s12 =	rddreg [dreg:$0x8];
	[sflag:s30] =	ssyncadd.s32 $0xFFFFC000  }
0xbf: {  	[hbm4b:s12+s2] =	stream.linear.scatter [tilespmem:s13], [sflag:$0x3], $0x4000, $0x38;
	[tilespmem:$0x8080] =	vst v63  }
0xc0: {  	_ =	swait.ge [sflag:s31], $0x4000  }
0xc1: {  	[sflag:s31] =	ssyncset.done $0x0  }
0xc2: {  	[sflag:s31] =	ssyncadd.s32 $0xFFFFC000  }
0xc3: {  	v2 =	vld.msk [tilespmem:$0x30], $0xff;
	_ =	sdelay $0x4  }
0xc4: {  	v3 =	vshll.u32 v2, $0x4  }
0xc5: {  	v2 =	vand.u32 $0x7, v2;
	v3 =	vand.u32 $0xFFFFFF80, v3  }
0xc6: {  	v2 =	vor.u32 v2, v3  }
0xc7: {  	v2 =	vperm.xlane v2, v0;
	_ =	sdelay $0x1  }
0xc8: {  	v2 =	vadd.s32 v1, v2;
	_ =	sdelay $0x4  }
0xc9: {  	[tilespmem:s13], [sflag:$0x1] =	stream.indirect_vreg.gather [hbm4b:s3+s2], $0x80, v2, vm0, $0xb8;
	[tilespmem:$0x8080] =	vst v63  }
0xca: {  	_ = 	snop  }
0xcb: {  	[tilespmem:s14], [sflag:$0x1] =	stream.indirect_vreg.gather [hbm4b:s4+s2], $0x80, v2, vm0, $0xb8;
	[tilespmem:$0x8080] =	vst v63  }
0xcc: {  	_ = 	snop  }
0xcd: {  	[tilespmem:s15], [sflag:$0x1] =	stream.indirect_vreg.gather [hbm4b:s5+s2], $0x80, v2, vm0, $0xb8;
	[tilespmem:$0x8080] =	vst v63  }
0xce: {  	_ = 	snop  }
0xcf: {  	[tilespmem:s16], [sflag:$0x1] =	stream.indirect_vreg.gather [hbm4b:s6+s2], $0x80, v2, vm0, $0xb8;
	[tilespmem:$0x8080] =	vst v63  }
0xd0: {  	_ = 	snop  }
0xd1: {  	[tilespmem:s17], [sflag:$0x1] =	stream.indirect_vreg.gather [hbm4b:s7+s2], $0x80, v2, vm0, $0xb8;
	[tilespmem:$0x8080] =	vst v63  }
0xd2: {  	_ = 	snop  }
0xd3: {  	[tilespmem:s18], [sflag:$0x1] =	stream.indirect_vreg.gather [hbm4b:s8+s2], $0x80, v2, vm0, $0xb8;
	[tilespmem:$0x8080] =	vst v63  }
0xd4: {  	_ = 	snop  }
0xd5: {  	[tilespmem:s19], [sflag:$0x1] =	stream.indirect_vreg.gather [hbm4b:s9+s2], $0x80, v2, vm0, $0xb8;
	[tilespmem:$0x8080] =	vst v63  }
0xd6: {  	_ = 	snop  }
0xd7: {  	[tilespmem:s20], [sflag:$0x1] =	stream.indirect_vreg.gather [hbm4b:s10+s2], $0x80, v2, vm0, $0xb8;
	[tilespmem:$0x8080] =	vst v63  }
0xd8: {  	_ =	swait.ge [sflag:s1], $0x4000  }
0xd9: {  	[sflag:s1] =	ssyncset.done $0x0  }
0xda: {  	s12 =	rddreg [dreg:$0x9];
	[sflag:s1] =	ssyncadd.s32 $0xFFFFC000  }
0xdb: {  	[hbm4b:s12+s2] =	stream.linear.scatter [tilespmem:s21], [sflag:$0x4], $0x4000, $0x38;
	[tilespmem:$0x8080] =	vst v63  }
0xdc: {  	_ =	swait.ge [sflag:s0], $0x4000  }
0xdd: {  	[sflag:s0] =	ssyncset.done $0x0  }
0xde: {  	[sflag:s0] =	ssyncadd.s32 $0xFFFFC000  }
0xdf: {  	v2 =	vld.msk [tilespmem:$0x38], $0xff;
	_ =	sdelay $0x4  }
0xe0: {  	v3 =	vshll.u32 v2, $0x4  }
0xe1: {  	v2 =	vand.u32 $0x7, v2;
	v3 =	vand.u32 $0xFFFFFF80, v3  }
0xe2: {  	v2 =	vor.u32 v2, v3  }
0xe3: {  	v2 =	vperm.xlane v2, v0;
	_ =	sdelay $0x1  }
0xe4: {  	v2 =	vadd.s32 v1, v2;
	_ =	sdelay $0x4  }
0xe5: {  	[tilespmem:s21], [sflag:$0x2] =	stream.indirect_vreg.gather [hbm4b:s3+s2], $0x80, v2, vm0, $0xb8;
	[tilespmem:$0x8080] =	vst v63  }
0xe6: {  	_ = 	snop  }
0xe7: {  	[tilespmem:s22], [sflag:$0x2] =	stream.indirect_vreg.gather [hbm4b:s4+s2], $0x80, v2, vm0, $0xb8;
	[tilespmem:$0x8080] =	vst v63  }
0xe8: {  	_ = 	snop  }
0xe9: {  	[tilespmem:s23], [sflag:$0x2] =	stream.indirect_vreg.gather [hbm4b:s5+s2], $0x80, v2, vm0, $0xb8;
	[tilespmem:$0x8080] =	vst v63  }
0xea: {  	_ = 	snop  }
0xeb: {  	[tilespmem:s24], [sflag:$0x2] =	stream.indirect_vreg.gather [hbm4b:s6+s2], $0x80, v2, vm0, $0xb8;
	[tilespmem:$0x8080] =	vst v63  }
0xec: {  	_ = 	snop  }
0xed: {  	[tilespmem:s25], [sflag:$0x2] =	stream.indirect_vreg.gather [hbm4b:s7+s2], $0x80, v2, vm0, $0xb8;
	[tilespmem:$0x8080] =	vst v63  }
0xee: {  	_ = 	snop  }
0xef: {  	[tilespmem:s26], [sflag:$0x2] =	stream.indirect_vreg.gather [hbm4b:s8+s2], $0x80, v2, vm0, $0xb8;
	[tilespmem:$0x8080] =	vst v63  }
0xf0: {  	_ = 	snop  }
0xf1: {  	[tilespmem:s28], [sflag:$0x2] =	stream.indirect_vreg.gather [hbm4b:s9+s2], $0x80, v2, vm0, $0xb8;
	[tilespmem:$0x8080] =	vst v63  }
0xf2: {  	_ = 	snop  }
0xf3: {  	[tilespmem:s29], [sflag:$0x2] =	stream.indirect_vreg.gather [hbm4b:s10+s2], $0x80, v2, vm0, $0xb8;
	[tilespmem:$0x8080] =	vst v63  }
0xf4: {  	_ =	swait.ge [sflag:s30], $0x4000  }
0xf5: {  	[sflag:s30] =	ssyncset.done $0x0  }
0xf6: {  	s12 =	rddreg [dreg:$0xa];
	[sflag:s30] =	ssyncadd.s32 $0xFFFFC000  }
0xf7: {  	[hbm4b:s12+s2] =	stream.linear.scatter [tilespmem:s13], [sflag:$0x3], $0x4000, $0x38;
	[tilespmem:$0x8080] =	vst v63  }
0xf8: {  	_ =	swait.ge [sflag:s31], $0x4000  }
0xf9: {  	[sflag:s31] =	ssyncset.done $0x0  }
0xfa: {  	[sflag:s31] =	ssyncadd.s32 $0xFFFFC000  }
0xfb: {  	v2 =	vld.msk [tilespmem:$0x40], $0xff;
	_ =	sdelay $0x4  }
0xfc: {  	v3 =	vshll.u32 v2, $0x4  }
0xfd: {  	v2 =	vand.u32 $0x7, v2;
	v3 =	vand.u32 $0xFFFFFF80, v3  }
0xfe: {  	v2 =	vor.u32 v2, v3  }
0xff: {  	v2 =	vperm.xlane v2, v0;
	_ =	sdelay $0x1  }
0x100: {  	v2 =	vadd.s32 v1, v2;
	_ =	sdelay $0x4  }
0x101: {  	[tilespmem:s13], [sflag:$0x1] =	stream.indirect_vreg.gather [hbm4b:s3+s2], $0x80, v2, vm0, $0xb8;
	[tilespmem:$0x8080] =	vst v63  }
0x102: {  	_ = 	snop  }
0x103: {  	[tilespmem:s14], [sflag:$0x1] =	stream.indirect_vreg.gather [hbm4b:s4+s2], $0x80, v2, vm0, $0xb8;
	[tilespmem:$0x8080] =	vst v63  }
0x104: {  	_ = 	snop  }
0x105: {  	[tilespmem:s15], [sflag:$0x1] =	stream.indirect_vreg.gather [hbm4b:s5+s2], $0x80, v2, vm0, $0xb8;
	[tilespmem:$0x8080] =	vst v63  }
0x106: {  	_ = 	snop  }
0x107: {  	[tilespmem:s16], [sflag:$0x1] =	stream.indirect_vreg.gather [hbm4b:s6+s2], $0x80, v2, vm0, $0xb8;
	[tilespmem:$0x8080] =	vst v63  }
0x108: {  	_ = 	snop  }
0x109: {  	[tilespmem:s17], [sflag:$0x1] =	stream.indirect_vreg.gather [hbm4b:s7+s2], $0x80, v2, vm0, $0xb8;
	[tilespmem:$0x8080] =	vst v63  }
0x10a: {  	_ = 	snop  }
0x10b: {  	[tilespmem:s18], [sflag:$0x1] =	stream.indirect_vreg.gather [hbm4b:s8+s2], $0x80, v2, vm0, $0xb8;
	[tilespmem:$0x8080] =	vst v63  }
0x10c: {  	_ = 	snop  }
0x10d: {  	[tilespmem:s19], [sflag:$0x1] =	stream.indirect_vreg.gather [hbm4b:s9+s2], $0x80, v2, vm0, $0xb8;
	[tilespmem:$0x8080] =	vst v63  }
0x10e: {  	_ = 	snop  }
0x10f: {  	[tilespmem:s20], [sflag:$0x1] =	stream.indirect_vreg.gather [hbm4b:s10+s2], $0x80, v2, vm0, $0xb8;
	[tilespmem:$0x8080] =	vst v63  }
0x110: {  	_ =	swait.ge [sflag:s1], $0x4000  }
0x111: {  	[sflag:s1] =	ssyncset.done $0x0  }
0x112: {  	s12 =	rddreg [dreg:$0xb];
	[sflag:s1] =	ssyncadd.s32 $0xFFFFC000  }
0x113: {  	[hbm4b:s12+s2] =	stream.linear.scatter [tilespmem:s21], [sflag:$0x4], $0x4000, $0x38;
	[tilespmem:$0x8080] =	vst v63  }
0x114: {  	_ =	swait.ge [sflag:s0], $0x4000  }
0x115: {  	[sflag:s0] =	ssyncset.done $0x0  }
0x116: {  	[sflag:s0] =	ssyncadd.s32 $0xFFFFC000  }
0x117: {  	v2 =	vld.msk [tilespmem:$0x48], $0xff;
	_ =	sdelay $0x4  }
0x118: {  	v3 =	vshll.u32 v2, $0x4  }
0x119: {  	v2 =	vand.u32 $0x7, v2;
	v3 =	vand.u32 $0xFFFFFF80, v3  }
0x11a: {  	v2 =	vor.u32 v2, v3  }
0x11b: {  	v2 =	vperm.xlane v2, v0;
	_ =	sdelay $0x1  }
0x11c: {  	v2 =	vadd.s32 v1, v2;
	_ =	sdelay $0x4  }
0x11d: {  	[tilespmem:s21], [sflag:$0x2] =	stream.indirect_vreg.gather [hbm4b:s3+s2], $0x80, v2, vm0, $0xb8;
	[tilespmem:$0x8080] =	vst v63  }
0x11e: {  	_ = 	snop  }
0x11f: {  	[tilespmem:s22], [sflag:$0x2] =	stream.indirect_vreg.gather [hbm4b:s4+s2], $0x80, v2, vm0, $0xb8;
	[tilespmem:$0x8080] =	vst v63  }
0x120: {  	_ = 	snop  }
0x121: {  	[tilespmem:s23], [sflag:$0x2] =	stream.indirect_vreg.gather [hbm4b:s5+s2], $0x80, v2, vm0, $0xb8;
	[tilespmem:$0x8080] =	vst v63  }
0x122: {  	_ = 	snop  }
0x123: {  	[tilespmem:s24], [sflag:$0x2] =	stream.indirect_vreg.gather [hbm4b:s6+s2], $0x80, v2, vm0, $0xb8;
	[tilespmem:$0x8080] =	vst v63  }
0x124: {  	_ = 	snop  }
0x125: {  	[tilespmem:s25], [sflag:$0x2] =	stream.indirect_vreg.gather [hbm4b:s7+s2], $0x80, v2, vm0, $0xb8;
	[tilespmem:$0x8080] =	vst v63  }
0x126: {  	_ = 	snop  }
0x127: {  	[tilespmem:s26], [sflag:$0x2] =	stream.indirect_vreg.gather [hbm4b:s8+s2], $0x80, v2, vm0, $0xb8;
	[tilespmem:$0x8080] =	vst v63  }
0x128: {  	_ = 	snop  }
0x129: {  	[tilespmem:s28], [sflag:$0x2] =	stream.indirect_vreg.gather [hbm4b:s9+s2], $0x80, v2, vm0, $0xb8;
	[tilespmem:$0x8080] =	vst v63  }
0x12a: {  	_ = 	snop  }
0x12b: {  	[tilespmem:s29], [sflag:$0x2] =	stream.indirect_vreg.gather [hbm4b:s10+s2], $0x80, v2, vm0, $0xb8;
	[tilespmem:$0x8080] =	vst v63  }
0x12c: {  	_ =	swait.ge [sflag:s30], $0x4000  }
0x12d: {  	[sflag:s30] =	ssyncset.done $0x0  }
0x12e: {  	s12 =	rddreg [dreg:$0xc];
	[sflag:s30] =	ssyncadd.s32 $0xFFFFC000  }
0x12f: {  	[hbm4b:s12+s2] =	stream.linear.scatter [tilespmem:s13], [sflag:$0x3], $0x4000, $0x38;
	[tilespmem:$0x8080] =	vst v63  }
0x130: {  	_ =	swait.ge [sflag:s31], $0x4000  }
0x131: {  	[sflag:s31] =	ssyncset.done $0x0  }
0x132: {  	[sflag:s31] =	ssyncadd.s32 $0xFFFFC000  }
0x133: {  	v2 =	vld.msk [tilespmem:$0x50], $0xff;
	_ =	sdelay $0x4  }
0x134: {  	v3 =	vshll.u32 v2, $0x4  }
0x135: {  	v2 =	vand.u32 $0x7, v2;
	v3 =	vand.u32 $0xFFFFFF80, v3  }
0x136: {  	v2 =	vor.u32 v2, v3  }
0x137: {  	v2 =	vperm.xlane v2, v0;
	_ =	sdelay $0x1  }
0x138: {  	v2 =	vadd.s32 v1, v2;
	_ =	sdelay $0x4  }
0x139: {  	[tilespmem:s13], [sflag:$0x1] =	stream.indirect_vreg.gather [hbm4b:s3+s2], $0x80, v2, vm0, $0xb8;
	[tilespmem:$0x8080] =	vst v63  }
0x13a: {  	_ = 	snop  }
0x13b: {  	[tilespmem:s14], [sflag:$0x1] =	stream.indirect_vreg.gather [hbm4b:s4+s2], $0x80, v2, vm0, $0xb8;
	[tilespmem:$0x8080] =	vst v63  }
0x13c: {  	_ = 	snop  }
0x13d: {  	[tilespmem:s15], [sflag:$0x1] =	stream.indirect_vreg.gather [hbm4b:s5+s2], $0x80, v2, vm0, $0xb8;
	[tilespmem:$0x8080] =	vst v63  }
0x13e: {  	_ = 	snop  }
0x13f: {  	[tilespmem:s16], [sflag:$0x1] =	stream.indirect_vreg.gather [hbm4b:s6+s2], $0x80, v2, vm0, $0xb8;
	[tilespmem:$0x8080] =	vst v63  }
0x140: {  	_ = 	snop  }
0x141: {  	[tilespmem:s17], [sflag:$0x1] =	stream.indirect_vreg.gather [hbm4b:s7+s2], $0x80, v2, vm0, $0xb8;
	[tilespmem:$0x8080] =	vst v63  }
0x142: {  	_ = 	snop  }
0x143: {  	[tilespmem:s18], [sflag:$0x1] =	stream.indirect_vreg.gather [hbm4b:s8+s2], $0x80, v2, vm0, $0xb8;
	[tilespmem:$0x8080] =	vst v63  }
0x144: {  	_ = 	snop  }
0x145: {  	[tilespmem:s19], [sflag:$0x1] =	stream.indirect_vreg.gather [hbm4b:s9+s2], $0x80, v2, vm0, $0xb8;
	[tilespmem:$0x8080] =	vst v63  }
0x146: {  	_ = 	snop  }
0x147: {  	[tilespmem:s20], [sflag:$0x1] =	stream.indirect_vreg.gather [hbm4b:s10+s2], $0x80, v2, vm0, $0xb8;
	[tilespmem:$0x8080] =	vst v63  }
0x148: {  	_ =	swait.ge [sflag:s1], $0x4000  }
0x149: {  	[sflag:s1] =	ssyncset.done $0x0  }
0x14a: {  	s12 =	rddreg [dreg:$0xd];
	[sflag:s1] =	ssyncadd.s32 $0xFFFFC000  }
0x14b: {  	[hbm4b:s12+s2] =	stream.linear.scatter [tilespmem:s21], [sflag:$0x4], $0x4000, $0x38;
	[tilespmem:$0x8080] =	vst v63  }
0x14c: {  	_ =	swait.ge [sflag:s0], $0x4000  }
0x14d: {  	[sflag:s0] =	ssyncset.done $0x0  }
0x14e: {  	[sflag:s0] =	ssyncadd.s32 $0xFFFFC000  }
0x14f: {  	v2 =	vld.msk [tilespmem:$0x58], $0xff;
	_ =	sdelay $0x4  }
0x150: {  	v3 =	vshll.u32 v2, $0x4  }
0x151: {  	v2 =	vand.u32 $0x7, v2;
	v3 =	vand.u32 $0xFFFFFF80, v3  }
0x152: {  	v2 =	vor.u32 v2, v3  }
0x153: {  	v2 =	vperm.xlane v2, v0;
	_ =	sdelay $0x1  }
0x154: {  	v2 =	vadd.s32 v1, v2;
	_ =	sdelay $0x4  }
0x155: {  	[tilespmem:s21], [sflag:$0x2] =	stream.indirect_vreg.gather [hbm4b:s3+s2], $0x80, v2, vm0, $0xb8;
	[tilespmem:$0x8080] =	vst v63  }
0x156: {  	_ = 	snop  }
0x157: {  	[tilespmem:s22], [sflag:$0x2] =	stream.indirect_vreg.gather [hbm4b:s4+s2], $0x80, v2, vm0, $0xb8;
	[tilespmem:$0x8080] =	vst v63  }
0x158: {  	_ = 	snop  }
0x159: {  	[tilespmem:s23], [sflag:$0x2] =	stream.indirect_vreg.gather [hbm4b:s5+s2], $0x80, v2, vm0, $0xb8;
	[tilespmem:$0x8080] =	vst v63  }
0x15a: {  	_ = 	snop  }
0x15b: {  	[tilespmem:s24], [sflag:$0x2] =	stream.indirect_vreg.gather [hbm4b:s6+s2], $0x80, v2, vm0, $0xb8;
	[tilespmem:$0x8080] =	vst v63  }
0x15c: {  	_ = 	snop  }
0x15d: {  	[tilespmem:s25], [sflag:$0x2] =	stream.indirect_vreg.gather [hbm4b:s7+s2], $0x80, v2, vm0, $0xb8;
	[tilespmem:$0x8080] =	vst v63  }
0x15e: {  	_ = 	snop  }
0x15f: {  	[tilespmem:s26], [sflag:$0x2] =	stream.indirect_vreg.gather [hbm4b:s8+s2], $0x80, v2, vm0, $0xb8;
	[tilespmem:$0x8080] =	vst v63  }
0x160: {  	_ = 	snop  }
0x161: {  	[tilespmem:s28], [sflag:$0x2] =	stream.indirect_vreg.gather [hbm4b:s9+s2], $0x80, v2, vm0, $0xb8;
	[tilespmem:$0x8080] =	vst v63  }
0x162: {  	_ = 	snop  }
0x163: {  	[tilespmem:s29], [sflag:$0x2] =	stream.indirect_vreg.gather [hbm4b:s10+s2], $0x80, v2, vm0, $0xb8;
	[tilespmem:$0x8080] =	vst v63  }
0x164: {  	_ =	swait.ge [sflag:s30], $0x4000  }
0x165: {  	[sflag:s30] =	ssyncset.done $0x0  }
0x166: {  	s12 =	rddreg [dreg:$0xe];
	[sflag:s30] =	ssyncadd.s32 $0xFFFFC000  }
0x167: {  	[hbm4b:s12+s2] =	stream.linear.scatter [tilespmem:s13], [sflag:$0x3], $0x4000, $0x38;
	[tilespmem:$0x8080] =	vst v63  }
0x168: {  	_ =	swait.ge [sflag:s31], $0x4000  }
0x169: {  	[sflag:s31] =	ssyncset.done $0x0  }
0x16a: {  	[sflag:s31] =	ssyncadd.s32 $0xFFFFC000  }
0x16b: {  	v2 =	vld.msk [tilespmem:$0x60], $0xff;
	_ =	sdelay $0x4  }
0x16c: {  	v3 =	vshll.u32 v2, $0x4  }
0x16d: {  	v2 =	vand.u32 $0x7, v2;
	v3 =	vand.u32 $0xFFFFFF80, v3  }
0x16e: {  	v2 =	vor.u32 v2, v3  }
0x16f: {  	v2 =	vperm.xlane v2, v0;
	_ =	sdelay $0x1  }
0x170: {  	v2 =	vadd.s32 v1, v2;
	_ =	sdelay $0x4  }
0x171: {  	[tilespmem:s13], [sflag:$0x1] =	stream.indirect_vreg.gather [hbm4b:s3+s2], $0x80, v2, vm0, $0xb8;
	[tilespmem:$0x8080] =	vst v63  }
0x172: {  	_ = 	snop  }
0x173: {  	[tilespmem:s14], [sflag:$0x1] =	stream.indirect_vreg.gather [hbm4b:s4+s2], $0x80, v2, vm0, $0xb8;
	[tilespmem:$0x8080] =	vst v63  }
0x174: {  	_ = 	snop  }
0x175: {  	[tilespmem:s15], [sflag:$0x1] =	stream.indirect_vreg.gather [hbm4b:s5+s2], $0x80, v2, vm0, $0xb8;
	[tilespmem:$0x8080] =	vst v63  }
0x176: {  	_ = 	snop  }
0x177: {  	[tilespmem:s16], [sflag:$0x1] =	stream.indirect_vreg.gather [hbm4b:s6+s2], $0x80, v2, vm0, $0xb8;
	[tilespmem:$0x8080] =	vst v63  }
0x178: {  	_ = 	snop  }
0x179: {  	[tilespmem:s17], [sflag:$0x1] =	stream.indirect_vreg.gather [hbm4b:s7+s2], $0x80, v2, vm0, $0xb8;
	[tilespmem:$0x8080] =	vst v63  }
0x17a: {  	_ = 	snop  }
0x17b: {  	[tilespmem:s18], [sflag:$0x1] =	stream.indirect_vreg.gather [hbm4b:s8+s2], $0x80, v2, vm0, $0xb8;
	[tilespmem:$0x8080] =	vst v63  }
0x17c: {  	_ = 	snop  }
0x17d: {  	[tilespmem:s19], [sflag:$0x1] =	stream.indirect_vreg.gather [hbm4b:s9+s2], $0x80, v2, vm0, $0xb8;
	[tilespmem:$0x8080] =	vst v63  }
0x17e: {  	_ = 	snop  }
0x17f: {  	[tilespmem:s20], [sflag:$0x1] =	stream.indirect_vreg.gather [hbm4b:s10+s2], $0x80, v2, vm0, $0xb8;
	[tilespmem:$0x8080] =	vst v63  }
0x180: {  	_ =	swait.ge [sflag:s1], $0x4000  }
0x181: {  	[sflag:s1] =	ssyncset.done $0x0  }
0x182: {  	s12 =	rddreg [dreg:$0xf];
	[sflag:s1] =	ssyncadd.s32 $0xFFFFC000  }
0x183: {  	[hbm4b:s12+s2] =	stream.linear.scatter [tilespmem:s21], [sflag:$0x4], $0x4000, $0x38;
	[tilespmem:$0x8080] =	vst v63  }
0x184: {  	_ =	swait.ge [sflag:s0], $0x4000  }
0x185: {  	[sflag:s0] =	ssyncset.done $0x0  }
0x186: {  	[sflag:s0] =	ssyncadd.s32 $0xFFFFC000  }
0x187: {  	v2 =	vld.msk [tilespmem:$0x68], $0xff;
	_ =	sdelay $0x4  }
0x188: {  	v3 =	vshll.u32 v2, $0x4  }
0x189: {  	v2 =	vand.u32 $0x7, v2;
	v3 =	vand.u32 $0xFFFFFF80, v3  }
0x18a: {  	v2 =	vor.u32 v2, v3  }
0x18b: {  	v2 =	vperm.xlane v2, v0;
	_ =	sdelay $0x1  }
0x18c: {  	v2 =	vadd.s32 v1, v2;
	_ =	sdelay $0x4  }
0x18d: {  	[tilespmem:s21], [sflag:$0x2] =	stream.indirect_vreg.gather [hbm4b:s3+s2], $0x80, v2, vm0, $0xb8;
	[tilespmem:$0x8080] =	vst v63  }
0x18e: {  	_ = 	snop  }
0x18f: {  	[tilespmem:s22], [sflag:$0x2] =	stream.indirect_vreg.gather [hbm4b:s4+s2], $0x80, v2, vm0, $0xb8;
	[tilespmem:$0x8080] =	vst v63  }
0x190: {  	_ = 	snop  }
0x191: {  	[tilespmem:s23], [sflag:$0x2] =	stream.indirect_vreg.gather [hbm4b:s5+s2], $0x80, v2, vm0, $0xb8;
	[tilespmem:$0x8080] =	vst v63  }
0x192: {  	_ = 	snop  }
0x193: {  	[tilespmem:s24], [sflag:$0x2] =	stream.indirect_vreg.gather [hbm4b:s6+s2], $0x80, v2, vm0, $0xb8;
	[tilespmem:$0x8080] =	vst v63  }
0x194: {  	_ = 	snop  }
0x195: {  	[tilespmem:s25], [sflag:$0x2] =	stream.indirect_vreg.gather [hbm4b:s7+s2], $0x80, v2, vm0, $0xb8;
	[tilespmem:$0x8080] =	vst v63  }
0x196: {  	_ = 	snop  }
0x197: {  	[tilespmem:s26], [sflag:$0x2] =	stream.indirect_vreg.gather [hbm4b:s8+s2], $0x80, v2, vm0, $0xb8;
	[tilespmem:$0x8080] =	vst v63  }
0x198: {  	_ = 	snop  }
0x199: {  	[tilespmem:s28], [sflag:$0x2] =	stream.indirect_vreg.gather [hbm4b:s9+s2], $0x80, v2, vm0, $0xb8;
	[tilespmem:$0x8080] =	vst v63  }
0x19a: {  	_ = 	snop  }
0x19b: {  	[tilespmem:s29], [sflag:$0x2] =	stream.indirect_vreg.gather [hbm4b:s10+s2], $0x80, v2, vm0, $0xb8;
	[tilespmem:$0x8080] =	vst v63  }
0x19c: {  	_ =	swait.ge [sflag:s30], $0x4000  }
0x19d: {  	[sflag:s30] =	ssyncset.done $0x0  }
0x19e: {  	s12 =	rddreg [dreg:$0x10];
	[sflag:s30] =	ssyncadd.s32 $0xFFFFC000  }
0x19f: {  	[hbm4b:s12+s2] =	stream.linear.scatter [tilespmem:s13], [sflag:$0x3], $0x4000, $0x38;
	[tilespmem:$0x8080] =	vst v63  }
0x1a0: {  	_ =	swait.ge [sflag:s31], $0x4000  }
0x1a1: {  	[sflag:s31] =	ssyncset.done $0x0  }
0x1a2: {  	[sflag:s31] =	ssyncadd.s32 $0xFFFFC000  }
0x1a3: {  	v2 =	vld.msk [tilespmem:$0x70], $0xff;
	_ =	sdelay $0x4  }
0x1a4: {  	v3 =	vshll.u32 v2, $0x4  }
0x1a5: {  	v2 =	vand.u32 $0x7, v2;
	v3 =	vand.u32 $0xFFFFFF80, v3  }
0x1a6: {  	v2 =	vor.u32 v2, v3  }
0x1a7: {  	v2 =	vperm.xlane v2, v0;
	_ =	sdelay $0x1  }
0x1a8: {  	v2 =	vadd.s32 v1, v2;
	_ =	sdelay $0x4  }
0x1a9: {  	[tilespmem:s13], [sflag:$0x1] =	stream.indirect_vreg.gather [hbm4b:s3+s2], $0x80, v2, vm0, $0xb8;
	[tilespmem:$0x8080] =	vst v63  }
0x1aa: {  	_ = 	snop  }
0x1ab: {  	[tilespmem:s14], [sflag:$0x1] =	stream.indirect_vreg.gather [hbm4b:s4+s2], $0x80, v2, vm0, $0xb8;
	[tilespmem:$0x8080] =	vst v63  }
0x1ac: {  	_ = 	snop  }
0x1ad: {  	[tilespmem:s15], [sflag:$0x1] =	stream.indirect_vreg.gather [hbm4b:s5+s2], $0x80, v2, vm0, $0xb8;
	[tilespmem:$0x8080] =	vst v63  }
0x1ae: {  	_ = 	snop  }
0x1af: {  	[tilespmem:s16], [sflag:$0x1] =	stream.indirect_vreg.gather [hbm4b:s6+s2], $0x80, v2, vm0, $0xb8;
	[tilespmem:$0x8080] =	vst v63  }
0x1b0: {  	_ = 	snop  }
0x1b1: {  	[tilespmem:s17], [sflag:$0x1] =	stream.indirect_vreg.gather [hbm4b:s7+s2], $0x80, v2, vm0, $0xb8;
	[tilespmem:$0x8080] =	vst v63  }
0x1b2: {  	_ = 	snop  }
0x1b3: {  	[tilespmem:s18], [sflag:$0x1] =	stream.indirect_vreg.gather [hbm4b:s8+s2], $0x80, v2, vm0, $0xb8;
	[tilespmem:$0x8080] =	vst v63  }
0x1b4: {  	_ = 	snop  }
0x1b5: {  	[tilespmem:s19], [sflag:$0x1] =	stream.indirect_vreg.gather [hbm4b:s9+s2], $0x80, v2, vm0, $0xb8;
	[tilespmem:$0x8080] =	vst v63  }
0x1b6: {  	_ = 	snop  }
0x1b7: {  	[tilespmem:s20], [sflag:$0x1] =	stream.indirect_vreg.gather [hbm4b:s10+s2], $0x80, v2, vm0, $0xb8;
	[tilespmem:$0x8080] =	vst v63  }
0x1b8: {  	_ =	swait.ge [sflag:s1], $0x4000  }
0x1b9: {  	[sflag:s1] =	ssyncset.done $0x0  }
0x1ba: {  	s12 =	rddreg [dreg:$0x11];
	[sflag:s1] =	ssyncadd.s32 $0xFFFFC000  }
0x1bb: {  	[hbm4b:s12+s2] =	stream.linear.scatter [tilespmem:s21], [sflag:$0x4], $0x4000, $0x38;
	[tilespmem:$0x8080] =	vst v63  }
0x1bc: {  	_ =	swait.ge [sflag:s0], $0x4000  }
0x1bd: {  	[sflag:s0] =	ssyncset.done $0x0  }
0x1be: {  	[sflag:s0] =	ssyncadd.s32 $0xFFFFC000  }
0x1bf: {  	v2 =	vld.msk [tilespmem:$0x78], $0xff;
	_ =	sdelay $0x4  }
0x1c0: {  	v3 =	vshll.u32 v2, $0x4  }
0x1c1: {  	v2 =	vand.u32 $0x7, v2;
	v3 =	vand.u32 $0xFFFFFF80, v3  }
0x1c2: {  	v2 =	vor.u32 v2, v3  }
0x1c3: {  	v2 =	vperm.xlane v2, v0;
	_ =	sdelay $0x1  }
0x1c4: {  	v2 =	vadd.s32 v1, v2;
	_ =	sdelay $0x4  }
0x1c5: {  	[tilespmem:s21], [sflag:$0x2] =	stream.indirect_vreg.gather [hbm4b:s3+s2], $0x80, v2, vm0, $0xb8;
	[tilespmem:$0x8080] =	vst v63  }
0x1c6: {  	_ = 	snop  }
0x1c7: {  	[tilespmem:s22], [sflag:$0x2] =	stream.indirect_vreg.gather [hbm4b:s4+s2], $0x80, v2, vm0, $0xb8;
	[tilespmem:$0x8080] =	vst v63  }
0x1c8: {  	_ = 	snop  }
0x1c9: {  	[tilespmem:s23], [sflag:$0x2] =	stream.indirect_vreg.gather [hbm4b:s5+s2], $0x80, v2, vm0, $0xb8;
	[tilespmem:$0x8080] =	vst v63  }
0x1ca: {  	_ = 	snop  }
0x1cb: {  	[tilespmem:s24], [sflag:$0x2] =	stream.indirect_vreg.gather [hbm4b:s6+s2], $0x80, v2, vm0, $0xb8;
	[tilespmem:$0x8080] =	vst v63  }
0x1cc: {  	_ = 	snop  }
0x1cd: {  	[tilespmem:s25], [sflag:$0x2] =	stream.indirect_vreg.gather [hbm4b:s7+s2], $0x80, v2, vm0, $0xb8;
	[tilespmem:$0x8080] =	vst v63  }
0x1ce: {  	_ = 	snop  }
0x1cf: {  	[tilespmem:s26], [sflag:$0x2] =	stream.indirect_vreg.gather [hbm4b:s8+s2], $0x80, v2, vm0, $0xb8;
	[tilespmem:$0x8080] =	vst v63  }
0x1d0: {  	_ = 	snop  }
0x1d1: {  	[tilespmem:s28], [sflag:$0x2] =	stream.indirect_vreg.gather [hbm4b:s9+s2], $0x80, v2, vm0, $0xb8;
	[tilespmem:$0x8080] =	vst v63  }
0x1d2: {  	_ = 	snop  }
0x1d3: {  	[tilespmem:s29], [sflag:$0x2] =	stream.indirect_vreg.gather [hbm4b:s10+s2], $0x80, v2, vm0, $0xb8;
	[tilespmem:$0x8080] =	vst v63  }
0x1d4: {  	_ =	swait.ge [sflag:s30], $0x4000  }
0x1d5: {  	[sflag:s30] =	ssyncset.done $0x0  }
0x1d6: {  	s12 =	rddreg [dreg:$0x12];
	[sflag:s30] =	ssyncadd.s32 $0xFFFFC000  }
0x1d7: {  	[hbm4b:s12+s2] =	stream.linear.scatter [tilespmem:s13], [sflag:$0x3], $0x4000, $0x38;
	[tilespmem:$0x8080] =	vst v63  }
0x1d8: {  	_ =	swait.ge [sflag:s1], $0x4000  }
0x1d9: {  	[sflag:s1] =	ssyncset.done $0x0  }
0x1da: {  	s12 =	rddreg [dreg:$0x13];
	[sflag:s1] =	ssyncadd.s32 $0xFFFFC000  }
0x1db: {  	[hbm4b:s12+s2] =	stream.linear.scatter [tilespmem:s21], [sflag:$0x4], $0x4000, $0x38;
	[tilespmem:$0x8080] =	vst v63  }
0x1dc: {  	p0 =	sne.s32 s11, $0x1;
	_ =	swait.ge [sflag:s31], $0x4000  }
.Ltmp0:
0x1dd: {  	[sflag:s31] =	ssyncset.done $0x0;
	(pc) =	sbr.rel @p0 .LBB2_1-.Ltmp0, $4  }
0x1de: {  	[sflag:s31] =	ssyncadd.s32 $0xFFFFC000  }
0x1df: {  	_ =	swait.ge [sflag:s0], $0x4000  }
0x1e0: {  	[sflag:s0] =	ssyncset.done $0x0  }
0x1e1: {  	s11 =	sadd.s32 $0xFFFFFFFF, s11;
	[sflag:s0] =	ssyncadd.s32 $0xFFFFC000  }
0x1e2: {  	_ =	sfence.sel $0x180000  }
0x1e3: {  	[bflag:$0x0] =	sbarrier.arrive $0xFFFF  }
0x1e4: {  	_ =	strace $0x90000047  }
0x1e5: {  	s0 =	stileid.u32;
	[bflag:$0x2] =	sbarrier.arrive $0xFFFF  }
0x1e6: {  	p0 =	sne.s32 s0, $0x0;
	s0 =	rddreg [dreg:$0x2]  }
0x1e7: {  	s0 =	sadd.s32 @!p0 $0x100000, s0  }
0x1e8: {  	[sflag:s0] =	ssyncadd.tile.s32 @!p0 $0x1;
	_ =	shalt  }
.Lfunc_end2:
_tile_overlayer_lowered:
.L_overlay_start_2:
0x1e9: {  	(tag) =	ssettag $0x2  }
0x1ea: {  	s0 =	rddreg [dreg:$0x0];
	s2 =	stileid.u32  }
0x1eb: {  	s1 =	rddreg [dreg:$0x1];
	p0 =	sne.s32 s2, $0x0  }
0x1ec: {  	s3 =	rddreg [dreg:$0x2];
	[bflag:$0x3] =	sbarrier.arrive $0xFFFF;
	s2 =	simm.s32 @!p0 $0x1C05  }
0x1ed: {  	[timem:s3], [sflag:s2] =	dma.local @!p0 [hbm:s0], s1  }
0x1ee: {  	s0 =	simm.s32 @!p0 $0x5  }
0x1ef: {  	_ =	swait.ge @!p0 [sflag:s0], s1  }
0x1f0: {  	s1 =	ssub.s32 @!p0 $0x0, s1;
	[sflag:s0] =	ssyncset.done @!p0 $0x0  }
0x1f1: {  	[sflag:s0] =	ssyncadd.s32 @!p0 s1  }
0x1f2: {  	[bflag:$0x3] =	sbarrier.arrive $0xFFFF  }
0x1f3: {  	_ =	shalt  }

</sc_bundles>
